<compile_context>
chip_gen: v7x
topology: tpu7x:2x2x1
jax: 0.10.2.dev20260603
libtpu: 0.0.44.dev20260713+nightly
codegen_flags: <defaults>
</compile_context>

<pallas_src>
import functools

import jax
import jax.numpy as jnp
from jax import lax
from jax.experimental import pallas as pl
from jax.experimental.pallas import tpu as pltpu
from jax.experimental.pallas import tpu_sc as plsc

_NC = 2
_NS = 16
_NW = _NC * _NS
_CHUNK = 128


def _sc_gather(feat_table, nodes_r, neighT_r, B, D, S):
    blocks_per_w = (B // _CHUNK) // _NW

    mesh = plsc.VectorSubcoreMesh(core_axis_name="c", subcore_axis_name="s")

    @functools.partial(
        pl.kernel,
        out_type=jax.ShapeDtypeStruct((B, 2 * D), jnp.float32),
        mesh=mesh,
        scratch_types=[
            pltpu.VMEM((blocks_per_w, _CHUNK), jnp.int32),
            pltpu.VMEM((S, blocks_per_w, _CHUNK), jnp.int32),
            pltpu.VMEM((2, _CHUNK, D), jnp.float32),
            pltpu.VMEM((2, _CHUNK, D), jnp.float32),
            pltpu.SemaphoreType.DMA,
            pltpu.SemaphoreType.DMA,
            pltpu.SemaphoreType.DMA,
            pltpu.SemaphoreType.DMA,
            pltpu.SemaphoreType.DMA,
            pltpu.SemaphoreType.DMA,
            pltpu.SemaphoreType.DMA,
        ],
    )
    def sc_kernel(feat_hbm, nodes_hbm, neighT_hbm, fused_out,
                  sidx_v, nidx_v, self_v, acc_v,
                  sem_i, sem_g0, sem_g1, sem_s0, sem_s1, sem_w0, sem_w1):
        wid = lax.axis_index("s") * _NC + lax.axis_index("c")
        base_blk = wid * blocks_per_w
        sem_g = (sem_g0, sem_g1)
        sem_s = (sem_s0, sem_s1)
        sem_w = (sem_w0, sem_w1)

        stage = [pltpu.async_copy(
            nodes_hbm.at[pl.ds(base_blk, blocks_per_w)], sidx_v, sem_i)]
        for s in range(S):
            stage.append(pltpu.async_copy(
                neighT_hbm.at[s, pl.ds(base_blk, blocks_per_w)],
                nidx_v.at[s], sem_i))
        for cp in stage:
            cp.wait()

        g0 = [None, None]
        selfcp = [None, None]
        writes = [[], []]

        def fire_chunk(c):
            b = c % 2
            g0[b] = pltpu.async_copy(
                feat_hbm.at[nidx_v.at[0, c]], acc_v.at[b], sem_g[b])
            selfcp[b] = pltpu.async_copy(
                feat_hbm.at[sidx_v.at[c]], self_v.at[b], sem_s[b])

        fire_chunk(0)
        for c in range(blocks_per_w):
            b = c % 2
            nxt = (c + 1) % 2
            g0[b].wait()
            adds = [
                pltpu.async_copy(
                    feat_hbm.at[nidx_v.at[s, c]], acc_v.at[b], sem_g[b],
                    add=True)
                for s in range(1, S)
            ]
            if c + 1 < blocks_per_w:
                for cp in writes[nxt]:
                    cp.wait()
                writes[nxt] = []
                fire_chunk(c + 1)
            for cp in adds:
                cp.wait()
            selfcp[b].wait()
            row0 = (base_blk + c) * _CHUNK
            writes[b] = [
                pltpu.async_copy(
                    self_v.at[b],
                    fused_out.at[pl.ds(row0, _CHUNK), pl.ds(0, D)], sem_w[b]),
                pltpu.async_copy(
                    acc_v.at[b],
                    fused_out.at[pl.ds(row0, _CHUNK), pl.ds(D, D)], sem_w[b]),
            ]
        for b in (0, 1):
            for cp in writes[b]:
                cp.wait()

    return sc_kernel(feat_table, nodes_r, neighT_r)


def _tc_dense(fused, W_enc, W_cls, B, D, EMB, C, S):
    BT = 2048

    def body(x_ref, wenc_ref, wcls_ref, out_ref):
        scale = jnp.concatenate(
            [jnp.ones((1, D), jnp.float32),
             jnp.full((1, D), 1.0 / S, jnp.float32)], axis=1)
        w = (wenc_ref[...] * scale).astype(jnp.bfloat16)
        h = jnp.dot(x_ref[...].astype(jnp.bfloat16), w.T,
                    preferred_element_type=jnp.float32)
        h = jnp.maximum(h, 0.0)
        out_ref[...] = jnp.dot(h.astype(jnp.bfloat16),
                               wcls_ref[...].T.astype(jnp.bfloat16),
                               preferred_element_type=jnp.float32)

    return pl.pallas_call(
        body,
        grid=(B // BT,),
        in_specs=[
            pl.BlockSpec((BT, 2 * D), lambda i: (i, 0)),
            pl.BlockSpec((EMB, 2 * D), lambda i: (0, 0)),
            pl.BlockSpec((C, EMB), lambda i: (0, 0)),
        ],
        out_specs=pl.BlockSpec((BT, C), lambda i: (i, 0)),
        out_shape=jax.ShapeDtypeStruct((B, C), jnp.float32),
        compiler_params=pltpu.CompilerParams(
            dimension_semantics=("parallel",)),
    )(fused, W_enc, W_cls)


def kernel(nodes, neigh_idx, feat_table, W_enc, W_cls):
    B, S = neigh_idx.shape
    N, D = feat_table.shape
    EMB = W_enc.shape[0]
    C = W_cls.shape[0]

    nodes_r = nodes.reshape(B // _CHUNK, _CHUNK)
    neighT_r = neigh_idx.T.reshape(S, B // _CHUNK, _CHUNK)

    fused = _sc_gather(feat_table, nodes_r, neighT_r, B, D, S)
    return _tc_dense(fused, W_enc, W_cls, B, D, EMB, C, S)

# --- scband reference (transcript-rebuilt; emitter-appended) ---
"""Pipeline reference for scband-supervised-graph-sage-18691697672627 (READ-ONLY COPY).

The authoritative reference and input builder live on the scoring server;
editing this copy changes nothing except your own understanding.
"""

import jax, jax.numpy as jnp
import numpy as np

N = 100000   # n_nodes
D = 128      # feat_dim
EMB = 128    # embed_dim
C = 64       # num_classes
B = 16384    # batch of nodes
S = 10       # num_sample neighbors per node


def setup_inputs(seed: int = 0) -> dict:
    key = jax.random.key(seed)
    k1, k2, k3, k4, k5 = jax.random.split(key, 5)
    nodes = jax.random.randint(k1, (B,), 0, N, dtype=jnp.int32)
    # pre-sampled neighbor ids (replaces python random.sample over adj_lists sets)
    neigh_idx = jax.random.randint(k2, (B, S), 0, N, dtype=jnp.int32)
    # features: nn.Embedding table mapping node id -> feature vector
    feat_table = jax.random.normal(k3, (N, D), dtype=jnp.float32) * 0.1
    # Encoder.weight: [embed_dim, 2*feat_dim] (gcn=False -> concat self + neigh)
    W_enc = jax.random.normal(k4, (EMB, 2 * D), dtype=jnp.float32) * (1.0 / np.sqrt(2 * D))
    # SupervisedGraphSage.weight: [num_classes, embed_dim]
    W_cls = jax.random.normal(k5, (C, EMB), dtype=jnp.float32) * (1.0 / np.sqrt(EMB))
    return {"nodes": nodes, "neigh_idx": neigh_idx, "feat_table": feat_table,
            "W_enc": W_enc, "W_cls": W_cls}


def reference(nodes, neigh_idx, feat_table, W_enc, W_cls):
    # MeanAggregator: mask.mm(embed_matrix) with row-normalized 0/1 mask over
    # S sampled neighbors == mean of gathered neighbor features.
    neigh_feats = jnp.mean(jnp.take(feat_table, neigh_idx, axis=0), axis=1)  # [B, D]
    # Encoder (gcn=False): concat self features with aggregated neighbor features
    self_feats = jnp.take(feat_table, nodes, axis=0)                          # [B, D]
    combined = jnp.concatenate([self_feats, neigh_feats], axis=1)             # [B, 2D]
    embeds = jax.nn.relu(W_enc @ combined.T)                                   # [EMB, B]
    # SupervisedGraphSage: scores = weight.mm(embeds); return scores.t()
    scores = W_cls @ embeds                                                    # [C, B]
    return scores.T                                                            # [B, C]

if __name__ == "__main__":
    import jax
    _d = setup_inputs()
    print(jax.jit(kernel)(*tuple(_d.values())))

</pallas_src>

<mosaic_0001>
#map = affine_map<(d0, d1) -> (0, 0)>
#map1 = affine_map<(d0, d1) -> (0, 0, 0)>
module attributes {stable_mosaic.version = 14 : i64} {
  func.func @sc_kernel(%arg0: i32, %arg1: i32, %arg2: memref<100000x128xf32, #tpu.memory_space<hbm>>, %arg3: memref<128x128xi32, #tpu.memory_space<hbm>>, %arg4: memref<10x128x128xi32, #tpu.memory_space<hbm>>, %arg5: memref<16384x256xf32, #tpu.memory_space<hbm>>, %arg6: memref<4x128xi32, #tpu.memory_space<vmem>>, %arg7: memref<10x4x128xi32, #tpu.memory_space<vmem>>, %arg8: memref<2x128x128xf32, #tpu.memory_space<vmem>>, %arg9: memref<2x128x128xf32, #tpu.memory_space<vmem>>, %arg10: memref<!tpu.dma_semaphore, #tpu.memory_space<semaphore_mem>>, %arg11: memref<!tpu.dma_semaphore, #tpu.memory_space<semaphore_mem>>, %arg12: memref<!tpu.dma_semaphore, #tpu.memory_space<semaphore_mem>>, %arg13: memref<!tpu.dma_semaphore, #tpu.memory_space<semaphore_mem>>, %arg14: memref<!tpu.dma_semaphore, #tpu.memory_space<semaphore_mem>>, %arg15: memref<!tpu.dma_semaphore, #tpu.memory_space<semaphore_mem>>, %arg16: memref<!tpu.dma_semaphore, #tpu.memory_space<semaphore_mem>>) attributes {dimension_semantics = [#tpu.dimension_semantics<core_parallel>, #tpu.dimension_semantics<subcore_parallel>], iteration_bounds = array<i64: 2, 16>, scalar_prefetch = 0 : i64, scratch_operands = 11 : i64, tpu.core_type = #tpu.core_type<sc_vector_subcore>, window_params = [{transform_indices = #map}, {transform_indices = #map}, {transform_indices = #map1}, {transform_indices = #map}]} {
    %mul3A = arith.constant 2 : i32
    %mul3A_0 = arith.muli %arg1, %mul3A : i32
    %add3A = arith.addi %mul3A_0, %arg0 : i32
    %mul3A_1 = arith.constant 4 : i32
    %mul3A_2 = arith.muli %add3A, %mul3A_1 : i32
    %dma_start3A = arith.constant 0 : i32
    %dma_start3A_3 = tpu.memref_slice %arg3[%mul3A_2, %dma_start3A] : memref<128x128xi32, #tpu.memory_space<hbm>> -> memref<4x128xi32, #tpu.memory_space<hbm>>
    %dma_start3A_4 = arith.constant 0 : i32
    %dma_start3A_5 = tpu.memref_slice %arg3[%mul3A_2, %dma_start3A_4] : memref<128x128xi32, #tpu.memory_space<hbm>> -> memref<4x128xi32, #tpu.memory_space<hbm>>
    tpu.enqueue_dma source(%dma_start3A_5 : memref<4x128xi32, #tpu.memory_space<hbm>>) target(%arg6 : memref<4x128xi32, #tpu.memory_space<vmem>>) target_semaphore(%arg10 : memref<!tpu.dma_semaphore, #tpu.memory_space<semaphore_mem>>)
    %dma_start3A_6 = arith.constant 0 : i32
    %dma_start3A_7 = arith.constant 0 : i32
    %dma_start3A_8 = arith.constant 0 : i32
    %dma_start3A_9 = arith.constant 0 : i32
    %dma_start3A_10 = tpu.memref_slice %arg7[%dma_start3A_7, %dma_start3A_8, %dma_start3A_9] : memref<10x4x128xi32, #tpu.memory_space<vmem>> -> memref<1x4x128xi32, #tpu.memory_space<vmem>>
    %dma_start3A_11 = tpu.memref_squeeze %dma_start3A_10 : memref<1x4x128xi32, #tpu.memory_space<vmem>> -> memref<4x128xi32, #tpu.memory_space<vmem>>
    %dma_start3A_12 = arith.constant 0 : i32
    %dma_start3A_13 = tpu.memref_slice %arg4[%dma_start3A_6, %mul3A_2, %dma_start3A_12] : memref<10x128x128xi32, #tpu.memory_space<hbm>> -> memref<1x4x128xi32, #tpu.memory_space<hbm>>
    %dma_start3A_14 = tpu.memref_squeeze %dma_start3A_13 : memref<1x4x128xi32, #tpu.memory_space<hbm>> -> memref<4x128xi32, #tpu.memory_space<hbm>>
    %dma_start3A_15 = arith.constant 0 : i32
    %dma_start3A_16 = arith.constant 0 : i32
    %dma_start3A_17 = tpu.memref_slice %arg7[%dma_start3A_7, %dma_start3A_15, %dma_start3A_16] : memref<10x4x128xi32, #tpu.memory_space<vmem>> -> memref<1x4x128xi32, #tpu.memory_space<vmem>>
    %dma_start3A_18 = tpu.memref_squeeze %dma_start3A_17 : memref<1x4x128xi32, #tpu.memory_space<vmem>> -> memref<4x128xi32, #tpu.memory_space<vmem>>
    %dma_start3A_19 = arith.constant 0 : i32
    %dma_start3A_20 = tpu.memref_slice %arg4[%dma_start3A_6, %mul3A_2, %dma_start3A_19] : memref<10x128x128xi32, #tpu.memory_space<hbm>> -> memref<1x4x128xi32, #tpu.memory_space<hbm>>
    %dma_start3A_21 = tpu.memref_squeeze %dma_start3A_20 : memref<1x4x128xi32, #tpu.memory_space<hbm>> -> memref<4x128xi32, #tpu.memory_space<hbm>>
    tpu.enqueue_dma source(%dma_start3A_21 : memref<4x128xi32, #tpu.memory_space<hbm>>) target(%dma_start3A_18 : memref<4x128xi32, #tpu.memory_space<vmem>>) target_semaphore(%arg10 : memref<!tpu.dma_semaphore, #tpu.memory_space<semaphore_mem>>)
    %dma_start3A_22 = arith.constant 1 : i32
    %dma_start3A_23 = arith.constant 1 : i32
    %dma_start3A_24 = arith.constant 0 : i32
    %dma_start3A_25 = arith.constant 0 : i32
    %dma_start3A_26 = tpu.memref_slice %arg7[%dma_start3A_23, %dma_start3A_24, %dma_start3A_25] : memref<10x4x128xi32, #tpu.memory_space<vmem>> -> memref<1x4x128xi32, #tpu.memory_space<vmem>>
    %dma_start3A_27 = tpu.memref_squeeze %dma_start3A_26 : memref<1x4x128xi32, #tpu.memory_space<vmem>> -> memref<4x128xi32, #tpu.memory_space<vmem>>
    %dma_start3A_28 = arith.constant 0 : i32
    %dma_start3A_29 = tpu.memref_slice %arg4[%dma_start3A_22, %mul3A_2, %dma_start3A_28] : memref<10x128x128xi32, #tpu.memory_space<hbm>> -> memref<1x4x128xi32, #tpu.memory_space<hbm>>
    %dma_start3A_30 = tpu.memref_squeeze %dma_start3A_29 : memref<1x4x128xi32, #tpu.memory_space<hbm>> -> memref<4x128xi32, #tpu.memory_space<hbm>>
    %dma_start3A_31 = arith.constant 0 : i32
    %dma_start3A_32 = arith.constant 0 : i32
    %dma_start3A_33 = tpu.memref_slice %arg7[%dma_start3A_23, %dma_start3A_31, %dma_start3A_32] : memref<10x4x128xi32, #tpu.memory_space<vmem>> -> memref<1x4x128xi32, #tpu.memory_space<vmem>>
    %dma_start3A_34 = tpu.memref_squeeze %dma_start3A_33 : memref<1x4x128xi32, #tpu.memory_space<vmem>> -> memref<4x128xi32, #tpu.memory_space<vmem>>
    %dma_start3A_35 = arith.constant 0 : i32
    %dma_start3A_36 = tpu.memref_slice %arg4[%dma_start3A_22, %mul3A_2, %dma_start3A_35] : memref<10x128x128xi32, #tpu.memory_space<hbm>> -> memref<1x4x128xi32, #tpu.memory_space<hbm>>
    %dma_start3A_37 = tpu.memref_squeeze %dma_start3A_36 : memref<1x4x128xi32, #tpu.memory_space<hbm>> -> memref<4x128xi32, #tpu.memory_space<hbm>>
    tpu.enqueue_dma source(%dma_start3A_37 : memref<4x128xi32, #tpu.memory_space<hbm>>) target(%dma_start3A_34 : memref<4x128xi32, #tpu.memory_space<vmem>>) target_semaphore(%arg10 : memref<!tpu.dma_semaphore, #tpu.memory_space<semaphore_mem>>)
    %dma_start3A_38 = arith.constant 2 : i32
    %dma_start3A_39 = arith.constant 2 : i32
    %dma_start3A_40 = arith.constant 0 : i32
    %dma_start3A_41 = arith.constant 0 : i32
    %dma_start3A_42 = tpu.memref_slice %arg7[%dma_start3A_39, %dma_start3A_40, %dma_start3A_41] : memref<10x4x128xi32, #tpu.memory_space<vmem>> -> memref<1x4x128xi32, #tpu.memory_space<vmem>>
    %dma_start3A_43 = tpu.memref_squeeze %dma_start3A_42 : memref<1x4x128xi32, #tpu.memory_space<vmem>> -> memref<4x128xi32, #tpu.memory_space<vmem>>
    %dma_start3A_44 = arith.constant 0 : i32
    %dma_start3A_45 = tpu.memref_slice %arg4[%dma_start3A_38, %mul3A_2, %dma_start3A_44] : memref<10x128x128xi32, #tpu.memory_space<hbm>> -> memref<1x4x128xi32, #tpu.memory_space<hbm>>
    %dma_start3A_46 = tpu.memref_squeeze %dma_start3A_45 : memref<1x4x128xi32, #tpu.memory_space<hbm>> -> memref<4x128xi32, #tpu.memory_space<hbm>>
    %dma_start3A_47 = arith.constant 0 : i32
    %dma_start3A_48 = arith.constant 0 : i32
    %dma_start3A_49 = tpu.memref_slice %arg7[%dma_start3A_39, %dma_start3A_47, %dma_start3A_48] : memref<10x4x128xi32, #tpu.memory_space<vmem>> -> memref<1x4x128xi32, #tpu.memory_space<vmem>>
    %dma_start3A_50 = tpu.memref_squeeze %dma_start3A_49 : memref<1x4x128xi32, #tpu.memory_space<vmem>> -> memref<4x128xi32, #tpu.memory_space<vmem>>
    %dma_start3A_51 = arith.constant 0 : i32
    %dma_start3A_52 = tpu.memref_slice %arg4[%dma_start3A_38, %mul3A_2, %dma_start3A_51] : memref<10x128x128xi32, #tpu.memory_space<hbm>> -> memref<1x4x128xi32, #tpu.memory_space<hbm>>
    %dma_start3A_53 = tpu.memref_squeeze %dma_start3A_52 : memref<1x4x128xi32, #tpu.memory_space<hbm>> -> memref<4x128xi32, #tpu.memory_space<hbm>>
    tpu.enqueue_dma source(%dma_start3A_53 : memref<4x128xi32, #tpu.memory_space<hbm>>) target(%dma_start3A_50 : memref<4x128xi32, #tpu.memory_space<vmem>>) target_semaphore(%arg10 : memref<!tpu.dma_semaphore, #tpu.memory_space<semaphore_mem>>)
    %dma_start3A_54 = arith.constant 3 : i32
    %dma_start3A_55 = arith.constant 3 : i32
    %dma_start3A_56 = arith.constant 0 : i32
    %dma_start3A_57 = arith.constant 0 : i32
    %dma_start3A_58 = tpu.memref_slice %arg7[%dma_start3A_55, %dma_start3A_56, %dma_start3A_57] : memref<10x4x128xi32, #tpu.memory_space<vmem>> -> memref<1x4x128xi32, #tpu.memory_space<vmem>>
    %dma_start3A_59 = tpu.memref_squeeze %dma_start3A_58 : memref<1x4x128xi32, #tpu.memory_space<vmem>> -> memref<4x128xi32, #tpu.memory_space<vmem>>
    %dma_start3A_60 = arith.constant 0 : i32
    %dma_start3A_61 = tpu.memref_slice %arg4[%dma_start3A_54, %mul3A_2, %dma_start3A_60] : memref<10x128x128xi32, #tpu.memory_space<hbm>> -> memref<1x4x128xi32, #tpu.memory_space<hbm>>
    %dma_start3A_62 = tpu.memref_squeeze %dma_start3A_61 : memref<1x4x128xi32, #tpu.memory_space<hbm>> -> memref<4x128xi32, #tpu.memory_space<hbm>>
    %dma_start3A_63 = arith.constant 0 : i32
    %dma_start3A_64 = arith.constant 0 : i32
    %dma_start3A_65 = tpu.memref_slice %arg7[%dma_start3A_55, %dma_start3A_63, %dma_start3A_64] : memref<10x4x128xi32, #tpu.memory_space<vmem>> -> memref<1x4x128xi32, #tpu.memory_space<vmem>>
    %dma_start3A_66 = tpu.memref_squeeze %dma_start3A_65 : memref<1x4x128xi32, #tpu.memory_space<vmem>> -> memref<4x128xi32, #tpu.memory_space<vmem>>
    %dma_start3A_67 = arith.constant 0 : i32
    %dma_start3A_68 = tpu.memref_slice %arg4[%dma_start3A_54, %mul3A_2, %dma_start3A_67] : memref<10x128x128xi32, #tpu.memory_space<hbm>> -> memref<1x4x128xi32, #tpu.memory_space<hbm>>
    %dma_start3A_69 = tpu.memref_squeeze %dma_start3A_68 : memref<1x4x128xi32, #tpu.memory_space<hbm>> -> memref<4x128xi32, #tpu.memory_space<hbm>>
    tpu.enqueue_dma source(%dma_start3A_69 : memref<4x128xi32, #tpu.memory_space<hbm>>) target(%dma_start3A_66 : memref<4x128xi32, #tpu.memory_space<vmem>>) target_semaphore(%arg10 : memref<!tpu.dma_semaphore, #tpu.memory_space<semaphore_mem>>)
    %dma_start3A_70 = arith.constant 4 : i32
    %dma_start3A_71 = arith.constant 4 : i32
    %dma_start3A_72 = arith.constant 0 : i32
    %dma_start3A_73 = arith.constant 0 : i32
    %dma_start3A_74 = tpu.memref_slice %arg7[%dma_start3A_71, %dma_start3A_72, %dma_start3A_73] : memref<10x4x128xi32, #tpu.memory_space<vmem>> -> memref<1x4x128xi32, #tpu.memory_space<vmem>>
    %dma_start3A_75 = tpu.memref_squeeze %dma_start3A_74 : memref<1x4x128xi32, #tpu.memory_space<vmem>> -> memref<4x128xi32, #tpu.memory_space<vmem>>
    %dma_start3A_76 = arith.constant 0 : i32
    %dma_start3A_77 = tpu.memref_slice %arg4[%dma_start3A_70, %mul3A_2, %dma_start3A_76] : memref<10x128x128xi32, #tpu.memory_space<hbm>> -> memref<1x4x128xi32, #tpu.memory_space<hbm>>
    %dma_start3A_78 = tpu.memref_squeeze %dma_start3A_77 : memref<1x4x128xi32, #tpu.memory_space<hbm>> -> memref<4x128xi32, #tpu.memory_space<hbm>>
    %dma_start3A_79 = arith.constant 0 : i32
    %dma_start3A_80 = arith.constant 0 : i32
    %dma_start3A_81 = tpu.memref_slice %arg7[%dma_start3A_71, %dma_start3A_79, %dma_start3A_80] : memref<10x4x128xi32, #tpu.memory_space<vmem>> -> memref<1x4x128xi32, #tpu.memory_space<vmem>>
    %dma_start3A_82 = tpu.memref_squeeze %dma_start3A_81 : memref<1x4x128xi32, #tpu.memory_space<vmem>> -> memref<4x128xi32, #tpu.memory_space<vmem>>
    %dma_start3A_83 = arith.constant 0 : i32
    %dma_start3A_84 = tpu.memref_slice %arg4[%dma_start3A_70, %mul3A_2, %dma_start3A_83] : memref<10x128x128xi32, #tpu.memory_space<hbm>> -> memref<1x4x128xi32, #tpu.memory_space<hbm>>
    %dma_start3A_85 = tpu.memref_squeeze %dma_start3A_84 : memref<1x4x128xi32, #tpu.memory_space<hbm>> -> memref<4x128xi32, #tpu.memory_space<hbm>>
    tpu.enqueue_dma source(%dma_start3A_85 : memref<4x128xi32, #tpu.memory_space<hbm>>) target(%dma_start3A_82 : memref<4x128xi32, #tpu.memory_space<vmem>>) target_semaphore(%arg10 : memref<!tpu.dma_semaphore, #tpu.memory_space<semaphore_mem>>)
    %dma_start3A_86 = arith.constant 5 : i32
    %dma_start3A_87 = arith.constant 5 : i32
    %dma_start3A_88 = arith.constant 0 : i32
    %dma_start3A_89 = arith.constant 0 : i32
    %dma_start3A_90 = tpu.memref_slice %arg7[%dma_start3A_87, %dma_start3A_88, %dma_start3A_89] : memref<10x4x128xi32, #tpu.memory_space<vmem>> -> memref<1x4x128xi32, #tpu.memory_space<vmem>>
    %dma_start3A_91 = tpu.memref_squeeze %dma_start3A_90 : memref<1x4x128xi32, #tpu.memory_space<vmem>> -> memref<4x128xi32, #tpu.memory_space<vmem>>
    %dma_start3A_92 = arith.constant 0 : i32
    %dma_start3A_93 = tpu.memref_slice %arg4[%dma_start3A_86, %mul3A_2, %dma_start3A_92] : memref<10x128x128xi32, #tpu.memory_space<hbm>> -> memref<1x4x128xi32, #tpu.memory_space<hbm>>
    %dma_start3A_94 = tpu.memref_squeeze %dma_start3A_93 : memref<1x4x128xi32, #tpu.memory_space<hbm>> -> memref<4x128xi32, #tpu.memory_space<hbm>>
    %dma_start3A_95 = arith.constant 0 : i32
    %dma_start3A_96 = arith.constant 0 : i32
    %dma_start3A_97 = tpu.memref_slice %arg7[%dma_start3A_87, %dma_start3A_95, %dma_start3A_96] : memref<10x4x128xi32, #tpu.memory_space<vmem>> -> memref<1x4x128xi32, #tpu.memory_space<vmem>>
    %dma_start3A_98 = tpu.memref_squeeze %dma_start3A_97 : memref<1x4x128xi32, #tpu.memory_space<vmem>> -> memref<4x128xi32, #tpu.memory_space<vmem>>
    %dma_start3A_99 = arith.constant 0 : i32
    %dma_start3A_100 = tpu.memref_slice %arg4[%dma_start3A_86, %mul3A_2, %dma_start3A_99] : memref<10x128x128xi32, #tpu.memory_space<hbm>> -> memref<1x4x128xi32, #tpu.memory_space<hbm>>
    %dma_start3A_101 = tpu.memref_squeeze %dma_start3A_100 : memref<1x4x128xi32, #tpu.memory_space<hbm>> -> memref<4x128xi32, #tpu.memory_space<hbm>>
    tpu.enqueue_dma source(%dma_start3A_101 : memref<4x128xi32, #tpu.memory_space<hbm>>) target(%dma_start3A_98 : memref<4x128xi32, #tpu.memory_space<vmem>>) target_semaphore(%arg10 : memref<!tpu.dma_semaphore, #tpu.memory_space<semaphore_mem>>)
    %dma_start3A_102 = arith.constant 6 : i32
    %dma_start3A_103 = arith.constant 6 : i32
    %dma_start3A_104 = arith.constant 0 : i32
    %dma_start3A_105 = arith.constant 0 : i32
    %dma_start3A_106 = tpu.memref_slice %arg7[%dma_start3A_103, %dma_start3A_104, %dma_start3A_105] : memref<10x4x128xi32, #tpu.memory_space<vmem>> -> memref<1x4x128xi32, #tpu.memory_space<vmem>>
    %dma_start3A_107 = tpu.memref_squeeze %dma_start3A_106 : memref<1x4x128xi32, #tpu.memory_space<vmem>> -> memref<4x128xi32, #tpu.memory_space<vmem>>
    %dma_start3A_108 = arith.constant 0 : i32
    %dma_start3A_109 = tpu.memref_slice %arg4[%dma_start3A_102, %mul3A_2, %dma_start3A_108] : memref<10x128x128xi32, #tpu.memory_space<hbm>> -> memref<1x4x128xi32, #tpu.memory_space<hbm>>
    %dma_start3A_110 = tpu.memref_squeeze %dma_start3A_109 : memref<1x4x128xi32, #tpu.memory_space<hbm>> -> memref<4x128xi32, #tpu.memory_space<hbm>>
    %dma_start3A_111 = arith.constant 0 : i32
    %dma_start3A_112 = arith.constant 0 : i32
    %dma_start3A_113 = tpu.memref_slice %arg7[%dma_start3A_103, %dma_start3A_111, %dma_start3A_112] : memref<10x4x128xi32, #tpu.memory_space<vmem>> -> memref<1x4x128xi32, #tpu.memory_space<vmem>>
    %dma_start3A_114 = tpu.memref_squeeze %dma_start3A_113 : memref<1x4x128xi32, #tpu.memory_space<vmem>> -> memref<4x128xi32, #tpu.memory_space<vmem>>
    %dma_start3A_115 = arith.constant 0 : i32
    %dma_start3A_116 = tpu.memref_slice %arg4[%dma_start3A_102, %mul3A_2, %dma_start3A_115] : memref<10x128x128xi32, #tpu.memory_space<hbm>> -> memref<1x4x128xi32, #tpu.memory_space<hbm>>
    %dma_start3A_117 = tpu.memref_squeeze %dma_start3A_116 : memref<1x4x128xi32, #tpu.memory_space<hbm>> -> memref<4x128xi32, #tpu.memory_space<hbm>>
    tpu.enqueue_dma source(%dma_start3A_117 : memref<4x128xi32, #tpu.memory_space<hbm>>) target(%dma_start3A_114 : memref<4x128xi32, #tpu.memory_space<vmem>>) target_semaphore(%arg10 : memref<!tpu.dma_semaphore, #tpu.memory_space<semaphore_mem>>)
    %dma_start3A_118 = arith.constant 7 : i32
    %dma_start3A_119 = arith.constant 7 : i32
    %dma_start3A_120 = arith.constant 0 : i32
    %dma_start3A_121 = arith.constant 0 : i32
    %dma_start3A_122 = tpu.memref_slice %arg7[%dma_start3A_119, %dma_start3A_120, %dma_start3A_121] : memref<10x4x128xi32, #tpu.memory_space<vmem>> -> memref<1x4x128xi32, #tpu.memory_space<vmem>>
    %dma_start3A_123 = tpu.memref_squeeze %dma_start3A_122 : memref<1x4x128xi32, #tpu.memory_space<vmem>> -> memref<4x128xi32, #tpu.memory_space<vmem>>
    %dma_start3A_124 = arith.constant 0 : i32
    %dma_start3A_125 = tpu.memref_slice %arg4[%dma_start3A_118, %mul3A_2, %dma_start3A_124] : memref<10x128x128xi32, #tpu.memory_space<hbm>> -> memref<1x4x128xi32, #tpu.memory_space<hbm>>
    %dma_start3A_126 = tpu.memref_squeeze %dma_start3A_125 : memref<1x4x128xi32, #tpu.memory_space<hbm>> -> memref<4x128xi32, #tpu.memory_space<hbm>>
    %dma_start3A_127 = arith.constant 0 : i32
    %dma_start3A_128 = arith.constant 0 : i32
    %dma_start3A_129 = tpu.memref_slice %arg7[%dma_start3A_119, %dma_start3A_127, %dma_start3A_128] : memref<10x4x128xi32, #tpu.memory_space<vmem>> -> memref<1x4x128xi32, #tpu.memory_space<vmem>>
    %dma_start3A_130 = tpu.memref_squeeze %dma_start3A_129 : memref<1x4x128xi32, #tpu.memory_space<vmem>> -> memref<4x128xi32, #tpu.memory_space<vmem>>
    %dma_start3A_131 = arith.constant 0 : i32
    %dma_start3A_132 = tpu.memref_slice %arg4[%dma_start3A_118, %mul3A_2, %dma_start3A_131] : memref<10x128x128xi32, #tpu.memory_space<hbm>> -> memref<1x4x128xi32, #tpu.memory_space<hbm>>
    %dma_start3A_133 = tpu.memref_squeeze %dma_start3A_132 : memref<1x4x128xi32, #tpu.memory_space<hbm>> -> memref<4x128xi32, #tpu.memory_space<hbm>>
    tpu.enqueue_dma source(%dma_start3A_133 : memref<4x128xi32, #tpu.memory_space<hbm>>) target(%dma_start3A_130 : memref<4x128xi32, #tpu.memory_space<vmem>>) target_semaphore(%arg10 : memref<!tpu.dma_semaphore, #tpu.memory_space<semaphore_mem>>)
    %dma_start3A_134 = arith.constant 8 : i32
    %dma_start3A_135 = arith.constant 8 : i32
    %dma_start3A_136 = arith.constant 0 : i32
    %dma_start3A_137 = arith.constant 0 : i32
    %dma_start3A_138 = tpu.memref_slice %arg7[%dma_start3A_135, %dma_start3A_136, %dma_start3A_137] : memref<10x4x128xi32, #tpu.memory_space<vmem>> -> memref<1x4x128xi32, #tpu.memory_space<vmem>>
    %dma_start3A_139 = tpu.memref_squeeze %dma_start3A_138 : memref<1x4x128xi32, #tpu.memory_space<vmem>> -> memref<4x128xi32, #tpu.memory_space<vmem>>
    %dma_start3A_140 = arith.constant 0 : i32
    %dma_start3A_141 = tpu.memref_slice %arg4[%dma_start3A_134, %mul3A_2, %dma_start3A_140] : memref<10x128x128xi32, #tpu.memory_space<hbm>> -> memref<1x4x128xi32, #tpu.memory_space<hbm>>
    %dma_start3A_142 = tpu.memref_squeeze %dma_start3A_141 : memref<1x4x128xi32, #tpu.memory_space<hbm>> -> memref<4x128xi32, #tpu.memory_space<hbm>>
    %dma_start3A_143 = arith.constant 0 : i32
    %dma_start3A_144 = arith.constant 0 : i32
    %dma_start3A_145 = tpu.memref_slice %arg7[%dma_start3A_135, %dma_start3A_143, %dma_start3A_144] : memref<10x4x128xi32, #tpu.memory_space<vmem>> -> memref<1x4x128xi32, #tpu.memory_space<vmem>>
    %dma_start3A_146 = tpu.memref_squeeze %dma_start3A_145 : memref<1x4x128xi32, #tpu.memory_space<vmem>> -> memref<4x128xi32, #tpu.memory_space<vmem>>
    %dma_start3A_147 = arith.constant 0 : i32
    %dma_start3A_148 = tpu.memref_slice %arg4[%dma_start3A_134, %mul3A_2, %dma_start3A_147] : memref<10x128x128xi32, #tpu.memory_space<hbm>> -> memref<1x4x128xi32, #tpu.memory_space<hbm>>
    %dma_start3A_149 = tpu.memref_squeeze %dma_start3A_148 : memref<1x4x128xi32, #tpu.memory_space<hbm>> -> memref<4x128xi32, #tpu.memory_space<hbm>>
    tpu.enqueue_dma source(%dma_start3A_149 : memref<4x128xi32, #tpu.memory_space<hbm>>) target(%dma_start3A_146 : memref<4x128xi32, #tpu.memory_space<vmem>>) target_semaphore(%arg10 : memref<!tpu.dma_semaphore, #tpu.memory_space<semaphore_mem>>)
    %dma_start3A_150 = arith.constant 9 : i32
    %dma_start3A_151 = arith.constant 9 : i32
    %dma_start3A_152 = arith.constant 0 : i32
    %dma_start3A_153 = arith.constant 0 : i32
    %dma_start3A_154 = tpu.memref_slice %arg7[%dma_start3A_151, %dma_start3A_152, %dma_start3A_153] : memref<10x4x128xi32, #tpu.memory_space<vmem>> -> memref<1x4x128xi32, #tpu.memory_space<vmem>>
    %dma_start3A_155 = tpu.memref_squeeze %dma_start3A_154 : memref<1x4x128xi32, #tpu.memory_space<vmem>> -> memref<4x128xi32, #tpu.memory_space<vmem>>
    %dma_start3A_156 = arith.constant 0 : i32
    %dma_start3A_157 = tpu.memref_slice %arg4[%dma_start3A_150, %mul3A_2, %dma_start3A_156] : memref<10x128x128xi32, #tpu.memory_space<hbm>> -> memref<1x4x128xi32, #tpu.memory_space<hbm>>
    %dma_start3A_158 = tpu.memref_squeeze %dma_start3A_157 : memref<1x4x128xi32, #tpu.memory_space<hbm>> -> memref<4x128xi32, #tpu.memory_space<hbm>>
    %dma_start3A_159 = arith.constant 0 : i32
    %dma_start3A_160 = arith.constant 0 : i32
    %dma_start3A_161 = tpu.memref_slice %arg7[%dma_start3A_151, %dma_start3A_159, %dma_start3A_160] : memref<10x4x128xi32, #tpu.memory_space<vmem>> -> memref<1x4x128xi32, #tpu.memory_space<vmem>>
    %dma_start3A_162 = tpu.memref_squeeze %dma_start3A_161 : memref<1x4x128xi32, #tpu.memory_space<vmem>> -> memref<4x128xi32, #tpu.memory_space<vmem>>
    %dma_start3A_163 = arith.constant 0 : i32
    %dma_start3A_164 = tpu.memref_slice %arg4[%dma_start3A_150, %mul3A_2, %dma_start3A_163] : memref<10x128x128xi32, #tpu.memory_space<hbm>> -> memref<1x4x128xi32, #tpu.memory_space<hbm>>
    %dma_start3A_165 = tpu.memref_squeeze %dma_start3A_164 : memref<1x4x128xi32, #tpu.memory_space<hbm>> -> memref<4x128xi32, #tpu.memory_space<hbm>>
    tpu.enqueue_dma source(%dma_start3A_165 : memref<4x128xi32, #tpu.memory_space<hbm>>) target(%dma_start3A_162 : memref<4x128xi32, #tpu.memory_space<vmem>>) target_semaphore(%arg10 : memref<!tpu.dma_semaphore, #tpu.memory_space<semaphore_mem>>)
    %dma_wait3A = arith.constant 0 : i32
    %dma_wait3A_166 = tpu.memref_slice %arg3[%mul3A_2, %dma_wait3A] : memref<128x128xi32, #tpu.memory_space<hbm>> -> memref<4x128xi32, #tpu.memory_space<hbm>>
    %dma_wait3A_167 = arith.constant 0 : i32
    %dma_wait3A_168 = tpu.memref_slice %arg3[%mul3A_2, %dma_wait3A_167] : memref<128x128xi32, #tpu.memory_space<hbm>> -> memref<4x128xi32, #tpu.memory_space<hbm>>
    tpu.wait_dma2 semaphore(%arg10 : memref<!tpu.dma_semaphore, #tpu.memory_space<semaphore_mem>>) src(%dma_wait3A_168 : memref<4x128xi32, #tpu.memory_space<hbm>>) dst(%arg6 : memref<4x128xi32, #tpu.memory_space<vmem>>)
    %dma_wait3A_169 = arith.constant 0 : i32
    %dma_wait3A_170 = arith.constant 0 : i32
    %dma_wait3A_171 = arith.constant 0 : i32
    %dma_wait3A_172 = arith.constant 0 : i32
    %dma_wait3A_173 = tpu.memref_slice %arg7[%dma_wait3A_170, %dma_wait3A_171, %dma_wait3A_172] : memref<10x4x128xi32, #tpu.memory_space<vmem>> -> memref<1x4x128xi32, #tpu.memory_space<vmem>>
    %dma_wait3A_174 = tpu.memref_squeeze %dma_wait3A_173 : memref<1x4x128xi32, #tpu.memory_space<vmem>> -> memref<4x128xi32, #tpu.memory_space<vmem>>
    %dma_wait3A_175 = arith.constant 0 : i32
    %dma_wait3A_176 = tpu.memref_slice %arg4[%dma_wait3A_169, %mul3A_2, %dma_wait3A_175] : memref<10x128x128xi32, #tpu.memory_space<hbm>> -> memref<1x4x128xi32, #tpu.memory_space<hbm>>
    %dma_wait3A_177 = tpu.memref_squeeze %dma_wait3A_176 : memref<1x4x128xi32, #tpu.memory_space<hbm>> -> memref<4x128xi32, #tpu.memory_space<hbm>>
    %dma_wait3A_178 = arith.constant 0 : i32
    %dma_wait3A_179 = arith.constant 0 : i32
    %dma_wait3A_180 = tpu.memref_slice %arg7[%dma_wait3A_170, %dma_wait3A_178, %dma_wait3A_179] : memref<10x4x128xi32, #tpu.memory_space<vmem>> -> memref<1x4x128xi32, #tpu.memory_space<vmem>>
    %dma_wait3A_181 = tpu.memref_squeeze %dma_wait3A_180 : memref<1x4x128xi32, #tpu.memory_space<vmem>> -> memref<4x128xi32, #tpu.memory_space<vmem>>
    %dma_wait3A_182 = arith.constant 0 : i32
    %dma_wait3A_183 = tpu.memref_slice %arg4[%dma_wait3A_169, %mul3A_2, %dma_wait3A_182] : memref<10x128x128xi32, #tpu.memory_space<hbm>> -> memref<1x4x128xi32, #tpu.memory_space<hbm>>
    %dma_wait3A_184 = tpu.memref_squeeze %dma_wait3A_183 : memref<1x4x128xi32, #tpu.memory_space<hbm>> -> memref<4x128xi32, #tpu.memory_space<hbm>>
    tpu.wait_dma2 semaphore(%arg10 : memref<!tpu.dma_semaphore, #tpu.memory_space<semaphore_mem>>) src(%dma_wait3A_184 : memref<4x128xi32, #tpu.memory_space<hbm>>) dst(%dma_wait3A_181 : memref<4x128xi32, #tpu.memory_space<vmem>>)
    %dma_wait3A_185 = arith.constant 1 : i32
    %dma_wait3A_186 = arith.constant 1 : i32
    %dma_wait3A_187 = arith.constant 0 : i32
    %dma_wait3A_188 = arith.constant 0 : i32
    %dma_wait3A_189 = tpu.memref_slice %arg7[%dma_wait3A_186, %dma_wait3A_187, %dma_wait3A_188] : memref<10x4x128xi32, #tpu.memory_space<vmem>> -> memref<1x4x128xi32, #tpu.memory_space<vmem>>
    %dma_wait3A_190 = tpu.memref_squeeze %dma_wait3A_189 : memref<1x4x128xi32, #tpu.memory_space<vmem>> -> memref<4x128xi32, #tpu.memory_space<vmem>>
    %dma_wait3A_191 = arith.constant 0 : i32
    %dma_wait3A_192 = tpu.memref_slice %arg4[%dma_wait3A_185, %mul3A_2, %dma_wait3A_191] : memref<10x128x128xi32, #tpu.memory_space<hbm>> -> memref<1x4x128xi32, #tpu.memory_space<hbm>>
    %dma_wait3A_193 = tpu.memref_squeeze %dma_wait3A_192 : memref<1x4x128xi32, #tpu.memory_space<hbm>> -> memref<4x128xi32, #tpu.memory_space<hbm>>
    %dma_wait3A_194 = arith.constant 0 : i32
    %dma_wait3A_195 = arith.constant 0 : i32
    %dma_wait3A_196 = tpu.memref_slice %arg7[%dma_wait3A_186, %dma_wait3A_194, %dma_wait3A_195] : memref<10x4x128xi32, #tpu.memory_space<vmem>> -> memref<1x4x128xi32, #tpu.memory_space<vmem>>
    %dma_wait3A_197 = tpu.memref_squeeze %dma_wait3A_196 : memref<1x4x128xi32, #tpu.memory_space<vmem>> -> memref<4x128xi32, #tpu.memory_space<vmem>>
    %dma_wait3A_198 = arith.constant 0 : i32
    %dma_wait3A_199 = tpu.memref_slice %arg4[%dma_wait3A_185, %mul3A_2, %dma_wait3A_198] : memref<10x128x128xi32, #tpu.memory_space<hbm>> -> memref<1x4x128xi32, #tpu.memory_space<hbm>>
    %dma_wait3A_200 = tpu.memref_squeeze %dma_wait3A_199 : memref<1x4x128xi32, #tpu.memory_space<hbm>> -> memref<4x128xi32, #tpu.memory_space<hbm>>
    tpu.wait_dma2 semaphore(%arg10 : memref<!tpu.dma_semaphore, #tpu.memory_space<semaphore_mem>>) src(%dma_wait3A_200 : memref<4x128xi32, #tpu.memory_space<hbm>>) dst(%dma_wait3A_197 : memref<4x128xi32, #tpu.memory_space<vmem>>)
    %dma_wait3A_201 = arith.constant 2 : i32
    %dma_wait3A_202 = arith.constant 2 : i32
    %dma_wait3A_203 = arith.constant 0 : i32
    %dma_wait3A_204 = arith.constant 0 : i32
    %dma_wait3A_205 = tpu.memref_slice %arg7[%dma_wait3A_202, %dma_wait3A_203, %dma_wait3A_204] : memref<10x4x128xi32, #tpu.memory_space<vmem>> -> memref<1x4x128xi32, #tpu.memory_space<vmem>>
    %dma_wait3A_206 = tpu.memref_squeeze %dma_wait3A_205 : memref<1x4x128xi32, #tpu.memory_space<vmem>> -> memref<4x128xi32, #tpu.memory_space<vmem>>
    %dma_wait3A_207 = arith.constant 0 : i32
    %dma_wait3A_208 = tpu.memref_slice %arg4[%dma_wait3A_201, %mul3A_2, %dma_wait3A_207] : memref<10x128x128xi32, #tpu.memory_space<hbm>> -> memref<1x4x128xi32, #tpu.memory_space<hbm>>
    %dma_wait3A_209 = tpu.memref_squeeze %dma_wait3A_208 : memref<1x4x128xi32, #tpu.memory_space<hbm>> -> memref<4x128xi32, #tpu.memory_space<hbm>>
    %dma_wait3A_210 = arith.constant 0 : i32
    %dma_wait3A_211 = arith.constant 0 : i32
    %dma_wait3A_212 = tpu.memref_slice %arg7[%dma_wait3A_202, %dma_wait3A_210, %dma_wait3A_211] : memref<10x4x128xi32, #tpu.memory_space<vmem>> -> memref<1x4x128xi32, #tpu.memory_space<vmem>>
    %dma_wait3A_213 = tpu.memref_squeeze %dma_wait3A_212 : memref<1x4x128xi32, #tpu.memory_space<vmem>> -> memref<4x128xi32, #tpu.memory_space<vmem>>
    %dma_wait3A_214 = arith.constant 0 : i32
    %dma_wait3A_215 = tpu.memref_slice %arg4[%dma_wait3A_201, %mul3A_2, %dma_wait3A_214] : memref<10x128x128xi32, #tpu.memory_space<hbm>> -> memref<1x4x128xi32, #tpu.memory_space<hbm>>
    %dma_wait3A_216 = tpu.memref_squeeze %dma_wait3A_215 : memref<1x4x128xi32, #tpu.memory_space<hbm>> -> memref<4x128xi32, #tpu.memory_space<hbm>>
    tpu.wait_dma2 semaphore(%arg10 : memref<!tpu.dma_semaphore, #tpu.memory_space<semaphore_mem>>) src(%dma_wait3A_216 : memref<4x128xi32, #tpu.memory_space<hbm>>) dst(%dma_wait3A_213 : memref<4x128xi32, #tpu.memory_space<vmem>>)
    %dma_wait3A_217 = arith.constant 3 : i32
    %dma_wait3A_218 = arith.constant 3 : i32
    %dma_wait3A_219 = arith.constant 0 : i32
    %dma_wait3A_220 = arith.constant 0 : i32
    %dma_wait3A_221 = tpu.memref_slice %arg7[%dma_wait3A_218, %dma_wait3A_219, %dma_wait3A_220] : memref<10x4x128xi32, #tpu.memory_space<vmem>> -> memref<1x4x128xi32, #tpu.memory_space<vmem>>
    %dma_wait3A_222 = tpu.memref_squeeze %dma_wait3A_221 : memref<1x4x128xi32, #tpu.memory_space<vmem>> -> memref<4x128xi32, #tpu.memory_space<vmem>>
    %dma_wait3A_223 = arith.constant 0 : i32
    %dma_wait3A_224 = tpu.memref_slice %arg4[%dma_wait3A_217, %mul3A_2, %dma_wait3A_223] : memref<10x128x128xi32, #tpu.memory_space<hbm>> -> memref<1x4x128xi32, #tpu.memory_space<hbm>>
    %dma_wait3A_225 = tpu.memref_squeeze %dma_wait3A_224 : memref<1x4x128xi32, #tpu.memory_space<hbm>> -> memref<4x128xi32, #tpu.memory_space<hbm>>
    %dma_wait3A_226 = arith.constant 0 : i32
    %dma_wait3A_227 = arith.constant 0 : i32
    %dma_wait3A_228 = tpu.memref_slice %arg7[%dma_wait3A_218, %dma_wait3A_226, %dma_wait3A_227] : memref<10x4x128xi32, #tpu.memory_space<vmem>> -> memref<1x4x128xi32, #tpu.memory_space<vmem>>
    %dma_wait3A_229 = tpu.memref_squeeze %dma_wait3A_228 : memref<1x4x128xi32, #tpu.memory_space<vmem>> -> memref<4x128xi32, #tpu.memory_space<vmem>>
    %dma_wait3A_230 = arith.constant 0 : i32
    %dma_wait3A_231 = tpu.memref_slice %arg4[%dma_wait3A_217, %mul3A_2, %dma_wait3A_230] : memref<10x128x128xi32, #tpu.memory_space<hbm>> -> memref<1x4x128xi32, #tpu.memory_space<hbm>>
    %dma_wait3A_232 = tpu.memref_squeeze %dma_wait3A_231 : memref<1x4x128xi32, #tpu.memory_space<hbm>> -> memref<4x128xi32, #tpu.memory_space<hbm>>
    tpu.wait_dma2 semaphore(%arg10 : memref<!tpu.dma_semaphore, #tpu.memory_space<semaphore_mem>>) src(%dma_wait3A_232 : memref<4x128xi32, #tpu.memory_space<hbm>>) dst(%dma_wait3A_229 : memref<4x128xi32, #tpu.memory_space<vmem>>)
    %dma_wait3A_233 = arith.constant 4 : i32
    %dma_wait3A_234 = arith.constant 4 : i32
    %dma_wait3A_235 = arith.constant 0 : i32
    %dma_wait3A_236 = arith.constant 0 : i32
    %dma_wait3A_237 = tpu.memref_slice %arg7[%dma_wait3A_234, %dma_wait3A_235, %dma_wait3A_236] : memref<10x4x128xi32, #tpu.memory_space<vmem>> -> memref<1x4x128xi32, #tpu.memory_space<vmem>>
    %dma_wait3A_238 = tpu.memref_squeeze %dma_wait3A_237 : memref<1x4x128xi32, #tpu.memory_space<vmem>> -> memref<4x128xi32, #tpu.memory_space<vmem>>
    %dma_wait3A_239 = arith.constant 0 : i32
    %dma_wait3A_240 = tpu.memref_slice %arg4[%dma_wait3A_233, %mul3A_2, %dma_wait3A_239] : memref<10x128x128xi32, #tpu.memory_space<hbm>> -> memref<1x4x128xi32, #tpu.memory_space<hbm>>
    %dma_wait3A_241 = tpu.memref_squeeze %dma_wait3A_240 : memref<1x4x128xi32, #tpu.memory_space<hbm>> -> memref<4x128xi32, #tpu.memory_space<hbm>>
    %dma_wait3A_242 = arith.constant 0 : i32
    %dma_wait3A_243 = arith.constant 0 : i32
    %dma_wait3A_244 = tpu.memref_slice %arg7[%dma_wait3A_234, %dma_wait3A_242, %dma_wait3A_243] : memref<10x4x128xi32, #tpu.memory_space<vmem>> -> memref<1x4x128xi32, #tpu.memory_space<vmem>>
    %dma_wait3A_245 = tpu.memref_squeeze %dma_wait3A_244 : memref<1x4x128xi32, #tpu.memory_space<vmem>> -> memref<4x128xi32, #tpu.memory_space<vmem>>
    %dma_wait3A_246 = arith.constant 0 : i32
    %dma_wait3A_247 = tpu.memref_slice %arg4[%dma_wait3A_233, %mul3A_2, %dma_wait3A_246] : memref<10x128x128xi32, #tpu.memory_space<hbm>> -> memref<1x4x128xi32, #tpu.memory_space<hbm>>
    %dma_wait3A_248 = tpu.memref_squeeze %dma_wait3A_247 : memref<1x4x128xi32, #tpu.memory_space<hbm>> -> memref<4x128xi32, #tpu.memory_space<hbm>>
    tpu.wait_dma2 semaphore(%arg10 : memref<!tpu.dma_semaphore, #tpu.memory_space<semaphore_mem>>) src(%dma_wait3A_248 : memref<4x128xi32, #tpu.memory_space<hbm>>) dst(%dma_wait3A_245 : memref<4x128xi32, #tpu.memory_space<vmem>>)
    %dma_wait3A_249 = arith.constant 5 : i32
    %dma_wait3A_250 = arith.constant 5 : i32
    %dma_wait3A_251 = arith.constant 0 : i32
    %dma_wait3A_252 = arith.constant 0 : i32
    %dma_wait3A_253 = tpu.memref_slice %arg7[%dma_wait3A_250, %dma_wait3A_251, %dma_wait3A_252] : memref<10x4x128xi32, #tpu.memory_space<vmem>> -> memref<1x4x128xi32, #tpu.memory_space<vmem>>
    %dma_wait3A_254 = tpu.memref_squeeze %dma_wait3A_253 : memref<1x4x128xi32, #tpu.memory_space<vmem>> -> memref<4x128xi32, #tpu.memory_space<vmem>>
    %dma_wait3A_255 = arith.constant 0 : i32
    %dma_wait3A_256 = tpu.memref_slice %arg4[%dma_wait3A_249, %mul3A_2, %dma_wait3A_255] : memref<10x128x128xi32, #tpu.memory_space<hbm>> -> memref<1x4x128xi32, #tpu.memory_space<hbm>>
    %dma_wait3A_257 = tpu.memref_squeeze %dma_wait3A_256 : memref<1x4x128xi32, #tpu.memory_space<hbm>> -> memref<4x128xi32, #tpu.memory_space<hbm>>
    %dma_wait3A_258 = arith.constant 0 : i32
    %dma_wait3A_259 = arith.constant 0 : i32
    %dma_wait3A_260 = tpu.memref_slice %arg7[%dma_wait3A_250, %dma_wait3A_258, %dma_wait3A_259] : memref<10x4x128xi32, #tpu.memory_space<vmem>> -> memref<1x4x128xi32, #tpu.memory_space<vmem>>
    %dma_wait3A_261 = tpu.memref_squeeze %dma_wait3A_260 : memref<1x4x128xi32, #tpu.memory_space<vmem>> -> memref<4x128xi32, #tpu.memory_space<vmem>>
    %dma_wait3A_262 = arith.constant 0 : i32
    %dma_wait3A_263 = tpu.memref_slice %arg4[%dma_wait3A_249, %mul3A_2, %dma_wait3A_262] : memref<10x128x128xi32, #tpu.memory_space<hbm>> -> memref<1x4x128xi32, #tpu.memory_space<hbm>>
    %dma_wait3A_264 = tpu.memref_squeeze %dma_wait3A_263 : memref<1x4x128xi32, #tpu.memory_space<hbm>> -> memref<4x128xi32, #tpu.memory_space<hbm>>
    tpu.wait_dma2 semaphore(%arg10 : memref<!tpu.dma_semaphore, #tpu.memory_space<semaphore_mem>>) src(%dma_wait3A_264 : memref<4x128xi32, #tpu.memory_space<hbm>>) dst(%dma_wait3A_261 : memref<4x128xi32, #tpu.memory_space<vmem>>)
    %dma_wait3A_265 = arith.constant 6 : i32
    %dma_wait3A_266 = arith.constant 6 : i32
    %dma_wait3A_267 = arith.constant 0 : i32
    %dma_wait3A_268 = arith.constant 0 : i32
    %dma_wait3A_269 = tpu.memref_slice %arg7[%dma_wait3A_266, %dma_wait3A_267, %dma_wait3A_268] : memref<10x4x128xi32, #tpu.memory_space<vmem>> -> memref<1x4x128xi32, #tpu.memory_space<vmem>>
    %dma_wait3A_270 = tpu.memref_squeeze %dma_wait3A_269 : memref<1x4x128xi32, #tpu.memory_space<vmem>> -> memref<4x128xi32, #tpu.memory_space<vmem>>
    %dma_wait3A_271 = arith.constant 0 : i32
    %dma_wait3A_272 = tpu.memref_slice %arg4[%dma_wait3A_265, %mul3A_2, %dma_wait3A_271] : memref<10x128x128xi32, #tpu.memory_space<hbm>> -> memref<1x4x128xi32, #tpu.memory_space<hbm>>
    %dma_wait3A_273 = tpu.memref_squeeze %dma_wait3A_272 : memref<1x4x128xi32, #tpu.memory_space<hbm>> -> memref<4x128xi32, #tpu.memory_space<hbm>>
    %dma_wait3A_274 = arith.constant 0 : i32
    %dma_wait3A_275 = arith.constant 0 : i32
    %dma_wait3A_276 = tpu.memref_slice %arg7[%dma_wait3A_266, %dma_wait3A_274, %dma_wait3A_275] : memref<10x4x128xi32, #tpu.memory_space<vmem>> -> memref<1x4x128xi32, #tpu.memory_space<vmem>>
    %dma_wait3A_277 = tpu.memref_squeeze %dma_wait3A_276 : memref<1x4x128xi32, #tpu.memory_space<vmem>> -> memref<4x128xi32, #tpu.memory_space<vmem>>
    %dma_wait3A_278 = arith.constant 0 : i32
    %dma_wait3A_279 = tpu.memref_slice %arg4[%dma_wait3A_265, %mul3A_2, %dma_wait3A_278] : memref<10x128x128xi32, #tpu.memory_space<hbm>> -> memref<1x4x128xi32, #tpu.memory_space<hbm>>
    %dma_wait3A_280 = tpu.memref_squeeze %dma_wait3A_279 : memref<1x4x128xi32, #tpu.memory_space<hbm>> -> memref<4x128xi32, #tpu.memory_space<hbm>>
    tpu.wait_dma2 semaphore(%arg10 : memref<!tpu.dma_semaphore, #tpu.memory_space<semaphore_mem>>) src(%dma_wait3A_280 : memref<4x128xi32, #tpu.memory_space<hbm>>) dst(%dma_wait3A_277 : memref<4x128xi32, #tpu.memory_space<vmem>>)
    %dma_wait3A_281 = arith.constant 7 : i32
    %dma_wait3A_282 = arith.constant 7 : i32
    %dma_wait3A_283 = arith.constant 0 : i32
    %dma_wait3A_284 = arith.constant 0 : i32
    %dma_wait3A_285 = tpu.memref_slice %arg7[%dma_wait3A_282, %dma_wait3A_283, %dma_wait3A_284] : memref<10x4x128xi32, #tpu.memory_space<vmem>> -> memref<1x4x128xi32, #tpu.memory_space<vmem>>
    %dma_wait3A_286 = tpu.memref_squeeze %dma_wait3A_285 : memref<1x4x128xi32, #tpu.memory_space<vmem>> -> memref<4x128xi32, #tpu.memory_space<vmem>>
    %dma_wait3A_287 = arith.constant 0 : i32
    %dma_wait3A_288 = tpu.memref_slice %arg4[%dma_wait3A_281, %mul3A_2, %dma_wait3A_287] : memref<10x128x128xi32, #tpu.memory_space<hbm>> -> memref<1x4x128xi32, #tpu.memory_space<hbm>>
    %dma_wait3A_289 = tpu.memref_squeeze %dma_wait3A_288 : memref<1x4x128xi32, #tpu.memory_space<hbm>> -> memref<4x128xi32, #tpu.memory_space<hbm>>
    %dma_wait3A_290 = arith.constant 0 : i32
    %dma_wait3A_291 = arith.constant 0 : i32
    %dma_wait3A_292 = tpu.memref_slice %arg7[%dma_wait3A_282, %dma_wait3A_290, %dma_wait3A_291] : memref<10x4x128xi32, #tpu.memory_space<vmem>> -> memref<1x4x128xi32, #tpu.memory_space<vmem>>
    %dma_wait3A_293 = tpu.memref_squeeze %dma_wait3A_292 : memref<1x4x128xi32, #tpu.memory_space<vmem>> -> memref<4x128xi32, #tpu.memory_space<vmem>>
    %dma_wait3A_294 = arith.constant 0 : i32
    %dma_wait3A_295 = tpu.memref_slice %arg4[%dma_wait3A_281, %mul3A_2, %dma_wait3A_294] : memref<10x128x128xi32, #tpu.memory_space<hbm>> -> memref<1x4x128xi32, #tpu.memory_space<hbm>>
    %dma_wait3A_296 = tpu.memref_squeeze %dma_wait3A_295 : memref<1x4x128xi32, #tpu.memory_space<hbm>> -> memref<4x128xi32, #tpu.memory_space<hbm>>
    tpu.wait_dma2 semaphore(%arg10 : memref<!tpu.dma_semaphore, #tpu.memory_space<semaphore_mem>>) src(%dma_wait3A_296 : memref<4x128xi32, #tpu.memory_space<hbm>>) dst(%dma_wait3A_293 : memref<4x128xi32, #tpu.memory_space<vmem>>)
    %dma_wait3A_297 = arith.constant 8 : i32
    %dma_wait3A_298 = arith.constant 8 : i32
    %dma_wait3A_299 = arith.constant 0 : i32
    %dma_wait3A_300 = arith.constant 0 : i32
    %dma_wait3A_301 = tpu.memref_slice %arg7[%dma_wait3A_298, %dma_wait3A_299, %dma_wait3A_300] : memref<10x4x128xi32, #tpu.memory_space<vmem>> -> memref<1x4x128xi32, #tpu.memory_space<vmem>>
    %dma_wait3A_302 = tpu.memref_squeeze %dma_wait3A_301 : memref<1x4x128xi32, #tpu.memory_space<vmem>> -> memref<4x128xi32, #tpu.memory_space<vmem>>
    %dma_wait3A_303 = arith.constant 0 : i32
    %dma_wait3A_304 = tpu.memref_slice %arg4[%dma_wait3A_297, %mul3A_2, %dma_wait3A_303] : memref<10x128x128xi32, #tpu.memory_space<hbm>> -> memref<1x4x128xi32, #tpu.memory_space<hbm>>
    %dma_wait3A_305 = tpu.memref_squeeze %dma_wait3A_304 : memref<1x4x128xi32, #tpu.memory_space<hbm>> -> memref<4x128xi32, #tpu.memory_space<hbm>>
    %dma_wait3A_306 = arith.constant 0 : i32
    %dma_wait3A_307 = arith.constant 0 : i32
    %dma_wait3A_308 = tpu.memref_slice %arg7[%dma_wait3A_298, %dma_wait3A_306, %dma_wait3A_307] : memref<10x4x128xi32, #tpu.memory_space<vmem>> -> memref<1x4x128xi32, #tpu.memory_space<vmem>>
    %dma_wait3A_309 = tpu.memref_squeeze %dma_wait3A_308 : memref<1x4x128xi32, #tpu.memory_space<vmem>> -> memref<4x128xi32, #tpu.memory_space<vmem>>
    %dma_wait3A_310 = arith.constant 0 : i32
    %dma_wait3A_311 = tpu.memref_slice %arg4[%dma_wait3A_297, %mul3A_2, %dma_wait3A_310] : memref<10x128x128xi32, #tpu.memory_space<hbm>> -> memref<1x4x128xi32, #tpu.memory_space<hbm>>
    %dma_wait3A_312 = tpu.memref_squeeze %dma_wait3A_311 : memref<1x4x128xi32, #tpu.memory_space<hbm>> -> memref<4x128xi32, #tpu.memory_space<hbm>>
    tpu.wait_dma2 semaphore(%arg10 : memref<!tpu.dma_semaphore, #tpu.memory_space<semaphore_mem>>) src(%dma_wait3A_312 : memref<4x128xi32, #tpu.memory_space<hbm>>) dst(%dma_wait3A_309 : memref<4x128xi32, #tpu.memory_space<vmem>>)
    %dma_wait3A_313 = arith.constant 9 : i32
    %dma_wait3A_314 = arith.constant 9 : i32
    %dma_wait3A_315 = arith.constant 0 : i32
    %dma_wait3A_316 = arith.constant 0 : i32
    %dma_wait3A_317 = tpu.memref_slice %arg7[%dma_wait3A_314, %dma_wait3A_315, %dma_wait3A_316] : memref<10x4x128xi32, #tpu.memory_space<vmem>> -> memref<1x4x128xi32, #tpu.memory_space<vmem>>
    %dma_wait3A_318 = tpu.memref_squeeze %dma_wait3A_317 : memref<1x4x128xi32, #tpu.memory_space<vmem>> -> memref<4x128xi32, #tpu.memory_space<vmem>>
    %dma_wait3A_319 = arith.constant 0 : i32
    %dma_wait3A_320 = tpu.memref_slice %arg4[%dma_wait3A_313, %mul3A_2, %dma_wait3A_319] : memref<10x128x128xi32, #tpu.memory_space<hbm>> -> memref<1x4x128xi32, #tpu.memory_space<hbm>>
    %dma_wait3A_321 = tpu.memref_squeeze %dma_wait3A_320 : memref<1x4x128xi32, #tpu.memory_space<hbm>> -> memref<4x128xi32, #tpu.memory_space<hbm>>
    %dma_wait3A_322 = arith.constant 0 : i32
    %dma_wait3A_323 = arith.constant 0 : i32
    %dma_wait3A_324 = tpu.memref_slice %arg7[%dma_wait3A_314, %dma_wait3A_322, %dma_wait3A_323] : memref<10x4x128xi32, #tpu.memory_space<vmem>> -> memref<1x4x128xi32, #tpu.memory_space<vmem>>
    %dma_wait3A_325 = tpu.memref_squeeze %dma_wait3A_324 : memref<1x4x128xi32, #tpu.memory_space<vmem>> -> memref<4x128xi32, #tpu.memory_space<vmem>>
    %dma_wait3A_326 = arith.constant 0 : i32
    %dma_wait3A_327 = tpu.memref_slice %arg4[%dma_wait3A_313, %mul3A_2, %dma_wait3A_326] : memref<10x128x128xi32, #tpu.memory_space<hbm>> -> memref<1x4x128xi32, #tpu.memory_space<hbm>>
    %dma_wait3A_328 = tpu.memref_squeeze %dma_wait3A_327 : memref<1x4x128xi32, #tpu.memory_space<hbm>> -> memref<4x128xi32, #tpu.memory_space<hbm>>
    tpu.wait_dma2 semaphore(%arg10 : memref<!tpu.dma_semaphore, #tpu.memory_space<semaphore_mem>>) src(%dma_wait3A_328 : memref<4x128xi32, #tpu.memory_space<hbm>>) dst(%dma_wait3A_325 : memref<4x128xi32, #tpu.memory_space<vmem>>)
    %dma_start3A_329 = arith.constant 0 : i32
    %dma_start3A_330 = arith.constant 0 : i32
    %dma_start3A_331 = arith.constant 0 : i32
    %dma_start3A_332 = arith.constant 0 : i32
    %dma_start3A_333 = arith.constant 0 : i32
    %dma_start3A_334 = tpu.memref_slice %arg9[%dma_start3A_331, %dma_start3A_332, %dma_start3A_333] : memref<2x128x128xf32, #tpu.memory_space<vmem>> -> memref<1x128x128xf32, #tpu.memory_space<vmem>>
    %dma_start3A_335 = tpu.memref_squeeze %dma_start3A_334 : memref<1x128x128xf32, #tpu.memory_space<vmem>> -> memref<128x128xf32, #tpu.memory_space<vmem>>
    %dma_start3A_336 = arith.constant 0 : i32
    %dma_start3A_337 = tpu.memref_slice %arg7[%dma_start3A_329, %dma_start3A_330, %dma_start3A_336] : memref<10x4x128xi32, #tpu.memory_space<vmem>> -> memref<1x1x128xi32, #tpu.memory_space<vmem>>
    %dma_start3A_338 = tpu.memref_squeeze %dma_start3A_337 : memref<1x1x128xi32, #tpu.memory_space<vmem>> -> memref<128xi32, #tpu.memory_space<vmem>>
    %dma_start3A_339 = arith.constant 0 : i32
    %dma_start3A_340 = arith.constant 0 : i32
    %dma_start3A_341 = tpu.memref_slice %arg2[%dma_start3A_339, %dma_start3A_340] : memref<100000x128xf32, #tpu.memory_space<hbm>> -> memref<100000x128xf32, #tpu.memory_space<hbm>>
    tpu.enqueue_indirect_dma source(%dma_start3A_341 : memref<100000x128xf32, #tpu.memory_space<hbm>>) target(%dma_start3A_335 : memref<128x128xf32, #tpu.memory_space<vmem>>) offsets(%dma_start3A_338 : memref<128xi32, #tpu.memory_space<vmem>>) semaphore(%arg11 : memref<!tpu.dma_semaphore, #tpu.memory_space<semaphore_mem>>)
    %dma_start3A_342 = arith.constant 0 : i32
    %dma_start3A_343 = arith.constant 0 : i32
    %dma_start3A_344 = arith.constant 0 : i32
    %dma_start3A_345 = arith.constant 0 : i32
    %dma_start3A_346 = tpu.memref_slice %arg8[%dma_start3A_343, %dma_start3A_344, %dma_start3A_345] : memref<2x128x128xf32, #tpu.memory_space<vmem>> -> memref<1x128x128xf32, #tpu.memory_space<vmem>>
    %dma_start3A_347 = tpu.memref_squeeze %dma_start3A_346 : memref<1x128x128xf32, #tpu.memory_space<vmem>> -> memref<128x128xf32, #tpu.memory_space<vmem>>
    %dma_start3A_348 = arith.constant 0 : i32
    %dma_start3A_349 = tpu.memref_slice %arg6[%dma_start3A_342, %dma_start3A_348] : memref<4x128xi32, #tpu.memory_space<vmem>> -> memref<1x128xi32, #tpu.memory_space<vmem>>
    %dma_start3A_350 = tpu.memref_squeeze %dma_start3A_349 : memref<1x128xi32, #tpu.memory_space<vmem>> -> memref<128xi32, #tpu.memory_space<vmem>>
    %dma_start3A_351 = arith.constant 0 : i32
    %dma_start3A_352 = arith.constant 0 : i32
    %dma_start3A_353 = tpu.memref_slice %arg2[%dma_start3A_351, %dma_start3A_352] : memref<100000x128xf32, #tpu.memory_space<hbm>> -> memref<100000x128xf32, #tpu.memory_space<hbm>>
    tpu.enqueue_indirect_dma source(%dma_start3A_353 : memref<100000x128xf32, #tpu.memory_space<hbm>>) target(%dma_start3A_347 : memref<128x128xf32, #tpu.memory_space<vmem>>) offsets(%dma_start3A_350 : memref<128xi32, #tpu.memory_space<vmem>>) semaphore(%arg13 : memref<!tpu.dma_semaphore, #tpu.memory_space<semaphore_mem>>)
    %dma_wait3A_354 = arith.constant 0 : i32
    %dma_wait3A_355 = arith.constant 0 : i32
    %dma_wait3A_356 = arith.constant 0 : i32
    %dma_wait3A_357 = arith.constant 0 : i32
    %dma_wait3A_358 = arith.constant 0 : i32
    %dma_wait3A_359 = tpu.memref_slice %arg9[%dma_wait3A_356, %dma_wait3A_357, %dma_wait3A_358] : memref<2x128x128xf32, #tpu.memory_space<vmem>> -> memref<1x128x128xf32, #tpu.memory_space<vmem>>
    %dma_wait3A_360 = tpu.memref_squeeze %dma_wait3A_359 : memref<1x128x128xf32, #tpu.memory_space<vmem>> -> memref<128x128xf32, #tpu.memory_space<vmem>>
    %dma_wait3A_361 = arith.constant 0 : i32
    %dma_wait3A_362 = tpu.memref_slice %arg7[%dma_wait3A_354, %dma_wait3A_355, %dma_wait3A_361] : memref<10x4x128xi32, #tpu.memory_space<vmem>> -> memref<1x1x128xi32, #tpu.memory_space<vmem>>
    %dma_wait3A_363 = tpu.memref_squeeze %dma_wait3A_362 : memref<1x1x128xi32, #tpu.memory_space<vmem>> -> memref<128xi32, #tpu.memory_space<vmem>>
    %dma_wait3A_364 = arith.constant 0 : i32
    %dma_wait3A_365 = arith.constant 0 : i32
    %dma_wait3A_366 = tpu.memref_slice %arg2[%dma_wait3A_364, %dma_wait3A_365] : memref<100000x128xf32, #tpu.memory_space<hbm>> -> memref<100000x128xf32, #tpu.memory_space<hbm>>
    tpu.wait_indirect_dma semaphore(%arg11 : memref<!tpu.dma_semaphore, #tpu.memory_space<semaphore_mem>>) src(%dma_wait3A_366 : memref<100000x128xf32, #tpu.memory_space<hbm>>) dst(%dma_wait3A_360 : memref<128x128xf32, #tpu.memory_space<vmem>>)
    %dma_start3A_367 = arith.constant 1 : i32
    %dma_start3A_368 = arith.constant 0 : i32
    %dma_start3A_369 = arith.constant 0 : i32
    %dma_start3A_370 = arith.constant 0 : i32
    %dma_start3A_371 = arith.constant 0 : i32
    %dma_start3A_372 = tpu.memref_slice %arg9[%dma_start3A_369, %dma_start3A_370, %dma_start3A_371] : memref<2x128x128xf32, #tpu.memory_space<vmem>> -> memref<1x128x128xf32, #tpu.memory_space<vmem>>
    %dma_start3A_373 = tpu.memref_squeeze %dma_start3A_372 : memref<1x128x128xf32, #tpu.memory_space<vmem>> -> memref<128x128xf32, #tpu.memory_space<vmem>>
    %dma_start3A_374 = arith.constant 0 : i32
    %dma_start3A_375 = tpu.memref_slice %arg7[%dma_start3A_367, %dma_start3A_368, %dma_start3A_374] : memref<10x4x128xi32, #tpu.memory_space<vmem>> -> memref<1x1x128xi32, #tpu.memory_space<vmem>>
    %dma_start3A_376 = tpu.memref_squeeze %dma_start3A_375 : memref<1x1x128xi32, #tpu.memory_space<vmem>> -> memref<128xi32, #tpu.memory_space<vmem>>
    %dma_start3A_377 = arith.constant 0 : i32
    %dma_start3A_378 = arith.constant 0 : i32
    %dma_start3A_379 = tpu.memref_slice %arg2[%dma_start3A_377, %dma_start3A_378] : memref<100000x128xf32, #tpu.memory_space<hbm>> -> memref<100000x128xf32, #tpu.memory_space<hbm>>
    tpu.enqueue_indirect_dma source(%dma_start3A_379 : memref<100000x128xf32, #tpu.memory_space<hbm>>) target(%dma_start3A_373 : memref<128x128xf32, #tpu.memory_space<vmem>>) offsets(%dma_start3A_376 : memref<128xi32, #tpu.memory_space<vmem>>) semaphore(%arg11 : memref<!tpu.dma_semaphore, #tpu.memory_space<semaphore_mem>>) {add = true}
    %dma_start3A_380 = arith.constant 2 : i32
    %dma_start3A_381 = arith.constant 0 : i32
    %dma_start3A_382 = arith.constant 0 : i32
    %dma_start3A_383 = arith.constant 0 : i32
    %dma_start3A_384 = arith.constant 0 : i32
    %dma_start3A_385 = tpu.memref_slice %arg9[%dma_start3A_382, %dma_start3A_383, %dma_start3A_384] : memref<2x128x128xf32, #tpu.memory_space<vmem>> -> memref<1x128x128xf32, #tpu.memory_space<vmem>>
    %dma_start3A_386 = tpu.memref_squeeze %dma_start3A_385 : memref<1x128x128xf32, #tpu.memory_space<vmem>> -> memref<128x128xf32, #tpu.memory_space<vmem>>
    %dma_start3A_387 = arith.constant 0 : i32
    %dma_start3A_388 = tpu.memref_slice %arg7[%dma_start3A_380, %dma_start3A_381, %dma_start3A_387] : memref<10x4x128xi32, #tpu.memory_space<vmem>> -> memref<1x1x128xi32, #tpu.memory_space<vmem>>
    %dma_start3A_389 = tpu.memref_squeeze %dma_start3A_388 : memref<1x1x128xi32, #tpu.memory_space<vmem>> -> memref<128xi32, #tpu.memory_space<vmem>>
    %dma_start3A_390 = arith.constant 0 : i32
    %dma_start3A_391 = arith.constant 0 : i32
    %dma_start3A_392 = tpu.memref_slice %arg2[%dma_start3A_390, %dma_start3A_391] : memref<100000x128xf32, #tpu.memory_space<hbm>> -> memref<100000x128xf32, #tpu.memory_space<hbm>>
    tpu.enqueue_indirect_dma source(%dma_start3A_392 : memref<100000x128xf32, #tpu.memory_space<hbm>>) target(%dma_start3A_386 : memref<128x128xf32, #tpu.memory_space<vmem>>) offsets(%dma_start3A_389 : memref<128xi32, #tpu.memory_space<vmem>>) semaphore(%arg11 : memref<!tpu.dma_semaphore, #tpu.memory_space<semaphore_mem>>) {add = true}
    %dma_start3A_393 = arith.constant 3 : i32
    %dma_start3A_394 = arith.constant 0 : i32
    %dma_start3A_395 = arith.constant 0 : i32
    %dma_start3A_396 = arith.constant 0 : i32
    %dma_start3A_397 = arith.constant 0 : i32
    %dma_start3A_398 = tpu.memref_slice %arg9[%dma_start3A_395, %dma_start3A_396, %dma_start3A_397] : memref<2x128x128xf32, #tpu.memory_space<vmem>> -> memref<1x128x128xf32, #tpu.memory_space<vmem>>
    %dma_start3A_399 = tpu.memref_squeeze %dma_start3A_398 : memref<1x128x128xf32, #tpu.memory_space<vmem>> -> memref<128x128xf32, #tpu.memory_space<vmem>>
    %dma_start3A_400 = arith.constant 0 : i32
    %dma_start3A_401 = tpu.memref_slice %arg7[%dma_start3A_393, %dma_start3A_394, %dma_start3A_400] : memref<10x4x128xi32, #tpu.memory_space<vmem>> -> memref<1x1x128xi32, #tpu.memory_space<vmem>>
    %dma_start3A_402 = tpu.memref_squeeze %dma_start3A_401 : memref<1x1x128xi32, #tpu.memory_space<vmem>> -> memref<128xi32, #tpu.memory_space<vmem>>
    %dma_start3A_403 = arith.constant 0 : i32
    %dma_start3A_404 = arith.constant 0 : i32
    %dma_start3A_405 = tpu.memref_slice %arg2[%dma_start3A_403, %dma_start3A_404] : memref<100000x128xf32, #tpu.memory_space<hbm>> -> memref<100000x128xf32, #tpu.memory_space<hbm>>
    tpu.enqueue_indirect_dma source(%dma_start3A_405 : memref<100000x128xf32, #tpu.memory_space<hbm>>) target(%dma_start3A_399 : memref<128x128xf32, #tpu.memory_space<vmem>>) offsets(%dma_start3A_402 : memref<128xi32, #tpu.memory_space<vmem>>) semaphore(%arg11 : memref<!tpu.dma_semaphore, #tpu.memory_space<semaphore_mem>>) {add = true}
    %dma_start3A_406 = arith.constant 4 : i32
    %dma_start3A_407 = arith.constant 0 : i32
    %dma_start3A_408 = arith.constant 0 : i32
    %dma_start3A_409 = arith.constant 0 : i32
    %dma_start3A_410 = arith.constant 0 : i32
    %dma_start3A_411 = tpu.memref_slice %arg9[%dma_start3A_408, %dma_start3A_409, %dma_start3A_410] : memref<2x128x128xf32, #tpu.memory_space<vmem>> -> memref<1x128x128xf32, #tpu.memory_space<vmem>>
    %dma_start3A_412 = tpu.memref_squeeze %dma_start3A_411 : memref<1x128x128xf32, #tpu.memory_space<vmem>> -> memref<128x128xf32, #tpu.memory_space<vmem>>
    %dma_start3A_413 = arith.constant 0 : i32
    %dma_start3A_414 = tpu.memref_slice %arg7[%dma_start3A_406, %dma_start3A_407, %dma_start3A_413] : memref<10x4x128xi32, #tpu.memory_space<vmem>> -> memref<1x1x128xi32, #tpu.memory_space<vmem>>
    %dma_start3A_415 = tpu.memref_squeeze %dma_start3A_414 : memref<1x1x128xi32, #tpu.memory_space<vmem>> -> memref<128xi32, #tpu.memory_space<vmem>>
    %dma_start3A_416 = arith.constant 0 : i32
    %dma_start3A_417 = arith.constant 0 : i32
    %dma_start3A_418 = tpu.memref_slice %arg2[%dma_start3A_416, %dma_start3A_417] : memref<100000x128xf32, #tpu.memory_space<hbm>> -> memref<100000x128xf32, #tpu.memory_space<hbm>>
    tpu.enqueue_indirect_dma source(%dma_start3A_418 : memref<100000x128xf32, #tpu.memory_space<hbm>>) target(%dma_start3A_412 : memref<128x128xf32, #tpu.memory_space<vmem>>) offsets(%dma_start3A_415 : memref<128xi32, #tpu.memory_space<vmem>>) semaphore(%arg11 : memref<!tpu.dma_semaphore, #tpu.memory_space<semaphore_mem>>) {add = true}
    %dma_start3A_419 = arith.constant 5 : i32
    %dma_start3A_420 = arith.constant 0 : i32
    %dma_start3A_421 = arith.constant 0 : i32
    %dma_start3A_422 = arith.constant 0 : i32
    %dma_start3A_423 = arith.constant 0 : i32
    %dma_start3A_424 = tpu.memref_slice %arg9[%dma_start3A_421, %dma_start3A_422, %dma_start3A_423] : memref<2x128x128xf32, #tpu.memory_space<vmem>> -> memref<1x128x128xf32, #tpu.memory_space<vmem>>
    %dma_start3A_425 = tpu.memref_squeeze %dma_start3A_424 : memref<1x128x128xf32, #tpu.memory_space<vmem>> -> memref<128x128xf32, #tpu.memory_space<vmem>>
    %dma_start3A_426 = arith.constant 0 : i32
    %dma_start3A_427 = tpu.memref_slice %arg7[%dma_start3A_419, %dma_start3A_420, %dma_start3A_426] : memref<10x4x128xi32, #tpu.memory_space<vmem>> -> memref<1x1x128xi32, #tpu.memory_space<vmem>>
    %dma_start3A_428 = tpu.memref_squeeze %dma_start3A_427 : memref<1x1x128xi32, #tpu.memory_space<vmem>> -> memref<128xi32, #tpu.memory_space<vmem>>
    %dma_start3A_429 = arith.constant 0 : i32
    %dma_start3A_430 = arith.constant 0 : i32
    %dma_start3A_431 = tpu.memref_slice %arg2[%dma_start3A_429, %dma_start3A_430] : memref<100000x128xf32, #tpu.memory_space<hbm>> -> memref<100000x128xf32, #tpu.memory_space<hbm>>
    tpu.enqueue_indirect_dma source(%dma_start3A_431 : memref<100000x128xf32, #tpu.memory_space<hbm>>) target(%dma_start3A_425 : memref<128x128xf32, #tpu.memory_space<vmem>>) offsets(%dma_start3A_428 : memref<128xi32, #tpu.memory_space<vmem>>) semaphore(%arg11 : memref<!tpu.dma_semaphore, #tpu.memory_space<semaphore_mem>>) {add = true}
    %dma_start3A_432 = arith.constant 6 : i32
    %dma_start3A_433 = arith.constant 0 : i32
    %dma_start3A_434 = arith.constant 0 : i32
    %dma_start3A_435 = arith.constant 0 : i32
    %dma_start3A_436 = arith.constant 0 : i32
    %dma_start3A_437 = tpu.memref_slice %arg9[%dma_start3A_434, %dma_start3A_435, %dma_start3A_436] : memref<2x128x128xf32, #tpu.memory_space<vmem>> -> memref<1x128x128xf32, #tpu.memory_space<vmem>>
    %dma_start3A_438 = tpu.memref_squeeze %dma_start3A_437 : memref<1x128x128xf32, #tpu.memory_space<vmem>> -> memref<128x128xf32, #tpu.memory_space<vmem>>
    %dma_start3A_439 = arith.constant 0 : i32
    %dma_start3A_440 = tpu.memref_slice %arg7[%dma_start3A_432, %dma_start3A_433, %dma_start3A_439] : memref<10x4x128xi32, #tpu.memory_space<vmem>> -> memref<1x1x128xi32, #tpu.memory_space<vmem>>
    %dma_start3A_441 = tpu.memref_squeeze %dma_start3A_440 : memref<1x1x128xi32, #tpu.memory_space<vmem>> -> memref<128xi32, #tpu.memory_space<vmem>>
    %dma_start3A_442 = arith.constant 0 : i32
    %dma_start3A_443 = arith.constant 0 : i32
    %dma_start3A_444 = tpu.memref_slice %arg2[%dma_start3A_442, %dma_start3A_443] : memref<100000x128xf32, #tpu.memory_space<hbm>> -> memref<100000x128xf32, #tpu.memory_space<hbm>>
    tpu.enqueue_indirect_dma source(%dma_start3A_444 : memref<100000x128xf32, #tpu.memory_space<hbm>>) target(%dma_start3A_438 : memref<128x128xf32, #tpu.memory_space<vmem>>) offsets(%dma_start3A_441 : memref<128xi32, #tpu.memory_space<vmem>>) semaphore(%arg11 : memref<!tpu.dma_semaphore, #tpu.memory_space<semaphore_mem>>) {add = true}
    %dma_start3A_445 = arith.constant 7 : i32
    %dma_start3A_446 = arith.constant 0 : i32
    %dma_start3A_447 = arith.constant 0 : i32
    %dma_start3A_448 = arith.constant 0 : i32
    %dma_start3A_449 = arith.constant 0 : i32
    %dma_start3A_450 = tpu.memref_slice %arg9[%dma_start3A_447, %dma_start3A_448, %dma_start3A_449] : memref<2x128x128xf32, #tpu.memory_space<vmem>> -> memref<1x128x128xf32, #tpu.memory_space<vmem>>
    %dma_start3A_451 = tpu.memref_squeeze %dma_start3A_450 : memref<1x128x128xf32, #tpu.memory_space<vmem>> -> memref<128x128xf32, #tpu.memory_space<vmem>>
    %dma_start3A_452 = arith.constant 0 : i32
    %dma_start3A_453 = tpu.memref_slice %arg7[%dma_start3A_445, %dma_start3A_446, %dma_start3A_452] : memref<10x4x128xi32, #tpu.memory_space<vmem>> -> memref<1x1x128xi32, #tpu.memory_space<vmem>>
    %dma_start3A_454 = tpu.memref_squeeze %dma_start3A_453 : memref<1x1x128xi32, #tpu.memory_space<vmem>> -> memref<128xi32, #tpu.memory_space<vmem>>
    %dma_start3A_455 = arith.constant 0 : i32
    %dma_start3A_456 = arith.constant 0 : i32
    %dma_start3A_457 = tpu.memref_slice %arg2[%dma_start3A_455, %dma_start3A_456] : memref<100000x128xf32, #tpu.memory_space<hbm>> -> memref<100000x128xf32, #tpu.memory_space<hbm>>
    tpu.enqueue_indirect_dma source(%dma_start3A_457 : memref<100000x128xf32, #tpu.memory_space<hbm>>) target(%dma_start3A_451 : memref<128x128xf32, #tpu.memory_space<vmem>>) offsets(%dma_start3A_454 : memref<128xi32, #tpu.memory_space<vmem>>) semaphore(%arg11 : memref<!tpu.dma_semaphore, #tpu.memory_space<semaphore_mem>>) {add = true}
    %dma_start3A_458 = arith.constant 8 : i32
    %dma_start3A_459 = arith.constant 0 : i32
    %dma_start3A_460 = arith.constant 0 : i32
    %dma_start3A_461 = arith.constant 0 : i32
    %dma_start3A_462 = arith.constant 0 : i32
    %dma_start3A_463 = tpu.memref_slice %arg9[%dma_start3A_460, %dma_start3A_461, %dma_start3A_462] : memref<2x128x128xf32, #tpu.memory_space<vmem>> -> memref<1x128x128xf32, #tpu.memory_space<vmem>>
    %dma_start3A_464 = tpu.memref_squeeze %dma_start3A_463 : memref<1x128x128xf32, #tpu.memory_space<vmem>> -> memref<128x128xf32, #tpu.memory_space<vmem>>
    %dma_start3A_465 = arith.constant 0 : i32
    %dma_start3A_466 = tpu.memref_slice %arg7[%dma_start3A_458, %dma_start3A_459, %dma_start3A_465] : memref<10x4x128xi32, #tpu.memory_space<vmem>> -> memref<1x1x128xi32, #tpu.memory_space<vmem>>
    %dma_start3A_467 = tpu.memref_squeeze %dma_start3A_466 : memref<1x1x128xi32, #tpu.memory_space<vmem>> -> memref<128xi32, #tpu.memory_space<vmem>>
    %dma_start3A_468 = arith.constant 0 : i32
    %dma_start3A_469 = arith.constant 0 : i32
    %dma_start3A_470 = tpu.memref_slice %arg2[%dma_start3A_468, %dma_start3A_469] : memref<100000x128xf32, #tpu.memory_space<hbm>> -> memref<100000x128xf32, #tpu.memory_space<hbm>>
    tpu.enqueue_indirect_dma source(%dma_start3A_470 : memref<100000x128xf32, #tpu.memory_space<hbm>>) target(%dma_start3A_464 : memref<128x128xf32, #tpu.memory_space<vmem>>) offsets(%dma_start3A_467 : memref<128xi32, #tpu.memory_space<vmem>>) semaphore(%arg11 : memref<!tpu.dma_semaphore, #tpu.memory_space<semaphore_mem>>) {add = true}
    %dma_start3A_471 = arith.constant 9 : i32
    %dma_start3A_472 = arith.constant 0 : i32
    %dma_start3A_473 = arith.constant 0 : i32
    %dma_start3A_474 = arith.constant 0 : i32
    %dma_start3A_475 = arith.constant 0 : i32
    %dma_start3A_476 = tpu.memref_slice %arg9[%dma_start3A_473, %dma_start3A_474, %dma_start3A_475] : memref<2x128x128xf32, #tpu.memory_space<vmem>> -> memref<1x128x128xf32, #tpu.memory_space<vmem>>
    %dma_start3A_477 = tpu.memref_squeeze %dma_start3A_476 : memref<1x128x128xf32, #tpu.memory_space<vmem>> -> memref<128x128xf32, #tpu.memory_space<vmem>>
    %dma_start3A_478 = arith.constant 0 : i32
    %dma_start3A_479 = tpu.memref_slice %arg7[%dma_start3A_471, %dma_start3A_472, %dma_start3A_478] : memref<10x4x128xi32, #tpu.memory_space<vmem>> -> memref<1x1x128xi32, #tpu.memory_space<vmem>>
    %dma_start3A_480 = tpu.memref_squeeze %dma_start3A_479 : memref<1x1x128xi32, #tpu.memory_space<vmem>> -> memref<128xi32, #tpu.memory_space<vmem>>
    %dma_start3A_481 = arith.constant 0 : i32
    %dma_start3A_482 = arith.constant 0 : i32
    %dma_start3A_483 = tpu.memref_slice %arg2[%dma_start3A_481, %dma_start3A_482] : memref<100000x128xf32, #tpu.memory_space<hbm>> -> memref<100000x128xf32, #tpu.memory_space<hbm>>
    tpu.enqueue_indirect_dma source(%dma_start3A_483 : memref<100000x128xf32, #tpu.memory_space<hbm>>) target(%dma_start3A_477 : memref<128x128xf32, #tpu.memory_space<vmem>>) offsets(%dma_start3A_480 : memref<128xi32, #tpu.memory_space<vmem>>) semaphore(%arg11 : memref<!tpu.dma_semaphore, #tpu.memory_space<semaphore_mem>>) {add = true}
    %dma_start3A_484 = arith.constant 0 : i32
    %dma_start3A_485 = arith.constant 1 : i32
    %dma_start3A_486 = arith.constant 1 : i32
    %dma_start3A_487 = arith.constant 0 : i32
    %dma_start3A_488 = arith.constant 0 : i32
    %dma_start3A_489 = tpu.memref_slice %arg9[%dma_start3A_486, %dma_start3A_487, %dma_start3A_488] : memref<2x128x128xf32, #tpu.memory_space<vmem>> -> memref<1x128x128xf32, #tpu.memory_space<vmem>>
    %dma_start3A_490 = tpu.memref_squeeze %dma_start3A_489 : memref<1x128x128xf32, #tpu.memory_space<vmem>> -> memref<128x128xf32, #tpu.memory_space<vmem>>
    %dma_start3A_491 = arith.constant 0 : i32
    %dma_start3A_492 = tpu.memref_slice %arg7[%dma_start3A_484, %dma_start3A_485, %dma_start3A_491] : memref<10x4x128xi32, #tpu.memory_space<vmem>> -> memref<1x1x128xi32, #tpu.memory_space<vmem>>
    %dma_start3A_493 = tpu.memref_squeeze %dma_start3A_492 : memref<1x1x128xi32, #tpu.memory_space<vmem>> -> memref<128xi32, #tpu.memory_space<vmem>>
    %dma_start3A_494 = arith.constant 0 : i32
    %dma_start3A_495 = arith.constant 0 : i32
    %dma_start3A_496 = tpu.memref_slice %arg2[%dma_start3A_494, %dma_start3A_495] : memref<100000x128xf32, #tpu.memory_space<hbm>> -> memref<100000x128xf32, #tpu.memory_space<hbm>>
    tpu.enqueue_indirect_dma source(%dma_start3A_496 : memref<100000x128xf32, #tpu.memory_space<hbm>>) target(%dma_start3A_490 : memref<128x128xf32, #tpu.memory_space<vmem>>) offsets(%dma_start3A_493 : memref<128xi32, #tpu.memory_space<vmem>>) semaphore(%arg12 : memref<!tpu.dma_semaphore, #tpu.memory_space<semaphore_mem>>)
    %dma_start3A_497 = arith.constant 1 : i32
    %dma_start3A_498 = arith.constant 1 : i32
    %dma_start3A_499 = arith.constant 0 : i32
    %dma_start3A_500 = arith.constant 0 : i32
    %dma_start3A_501 = tpu.memref_slice %arg8[%dma_start3A_498, %dma_start3A_499, %dma_start3A_500] : memref<2x128x128xf32, #tpu.memory_space<vmem>> -> memref<1x128x128xf32, #tpu.memory_space<vmem>>
    %dma_start3A_502 = tpu.memref_squeeze %dma_start3A_501 : memref<1x128x128xf32, #tpu.memory_space<vmem>> -> memref<128x128xf32, #tpu.memory_space<vmem>>
    %dma_start3A_503 = arith.constant 0 : i32
    %dma_start3A_504 = tpu.memref_slice %arg6[%dma_start3A_497, %dma_start3A_503] : memref<4x128xi32, #tpu.memory_space<vmem>> -> memref<1x128xi32, #tpu.memory_space<vmem>>
    %dma_start3A_505 = tpu.memref_squeeze %dma_start3A_504 : memref<1x128xi32, #tpu.memory_space<vmem>> -> memref<128xi32, #tpu.memory_space<vmem>>
    %dma_start3A_506 = arith.constant 0 : i32
    %dma_start3A_507 = arith.constant 0 : i32
    %dma_start3A_508 = tpu.memref_slice %arg2[%dma_start3A_506, %dma_start3A_507] : memref<100000x128xf32, #tpu.memory_space<hbm>> -> memref<100000x128xf32, #tpu.memory_space<hbm>>
    tpu.enqueue_indirect_dma source(%dma_start3A_508 : memref<100000x128xf32, #tpu.memory_space<hbm>>) target(%dma_start3A_502 : memref<128x128xf32, #tpu.memory_space<vmem>>) offsets(%dma_start3A_505 : memref<128xi32, #tpu.memory_space<vmem>>) semaphore(%arg14 : memref<!tpu.dma_semaphore, #tpu.memory_space<semaphore_mem>>)
    %dma_wait3A_509 = arith.constant 1 : i32
    %dma_wait3A_510 = arith.constant 0 : i32
    %dma_wait3A_511 = arith.constant 0 : i32
    %dma_wait3A_512 = arith.constant 0 : i32
    %dma_wait3A_513 = arith.constant 0 : i32
    %dma_wait3A_514 = tpu.memref_slice %arg9[%dma_wait3A_511, %dma_wait3A_512, %dma_wait3A_513] : memref<2x128x128xf32, #tpu.memory_space<vmem>> -> memref<1x128x128xf32, #tpu.memory_space<vmem>>
    %dma_wait3A_515 = tpu.memref_squeeze %dma_wait3A_514 : memref<1x128x128xf32, #tpu.memory_space<vmem>> -> memref<128x128xf32, #tpu.memory_space<vmem>>
    %dma_wait3A_516 = arith.constant 0 : i32
    %dma_wait3A_517 = tpu.memref_slice %arg7[%dma_wait3A_509, %dma_wait3A_510, %dma_wait3A_516] : memref<10x4x128xi32, #tpu.memory_space<vmem>> -> memref<1x1x128xi32, #tpu.memory_space<vmem>>
    %dma_wait3A_518 = tpu.memref_squeeze %dma_wait3A_517 : memref<1x1x128xi32, #tpu.memory_space<vmem>> -> memref<128xi32, #tpu.memory_space<vmem>>
    %dma_wait3A_519 = arith.constant 0 : i32
    %dma_wait3A_520 = arith.constant 0 : i32
    %dma_wait3A_521 = tpu.memref_slice %arg2[%dma_wait3A_519, %dma_wait3A_520] : memref<100000x128xf32, #tpu.memory_space<hbm>> -> memref<100000x128xf32, #tpu.memory_space<hbm>>
    tpu.wait_indirect_dma semaphore(%arg11 : memref<!tpu.dma_semaphore, #tpu.memory_space<semaphore_mem>>) src(%dma_wait3A_521 : memref<100000x128xf32, #tpu.memory_space<hbm>>) dst(%dma_wait3A_515 : memref<128x128xf32, #tpu.memory_space<vmem>>)
    %dma_wait3A_522 = arith.constant 2 : i32
    %dma_wait3A_523 = arith.constant 0 : i32
    %dma_wait3A_524 = arith.constant 0 : i32
    %dma_wait3A_525 = arith.constant 0 : i32
    %dma_wait3A_526 = arith.constant 0 : i32
    %dma_wait3A_527 = tpu.memref_slice %arg9[%dma_wait3A_524, %dma_wait3A_525, %dma_wait3A_526] : memref<2x128x128xf32, #tpu.memory_space<vmem>> -> memref<1x128x128xf32, #tpu.memory_space<vmem>>
    %dma_wait3A_528 = tpu.memref_squeeze %dma_wait3A_527 : memref<1x128x128xf32, #tpu.memory_space<vmem>> -> memref<128x128xf32, #tpu.memory_space<vmem>>
    %dma_wait3A_529 = arith.constant 0 : i32
    %dma_wait3A_530 = tpu.memref_slice %arg7[%dma_wait3A_522, %dma_wait3A_523, %dma_wait3A_529] : memref<10x4x128xi32, #tpu.memory_space<vmem>> -> memref<1x1x128xi32, #tpu.memory_space<vmem>>
    %dma_wait3A_531 = tpu.memref_squeeze %dma_wait3A_530 : memref<1x1x128xi32, #tpu.memory_space<vmem>> -> memref<128xi32, #tpu.memory_space<vmem>>
    %dma_wait3A_532 = arith.constant 0 : i32
    %dma_wait3A_533 = arith.constant 0 : i32
    %dma_wait3A_534 = tpu.memref_slice %arg2[%dma_wait3A_532, %dma_wait3A_533] : memref<100000x128xf32, #tpu.memory_space<hbm>> -> memref<100000x128xf32, #tpu.memory_space<hbm>>
    tpu.wait_indirect_dma semaphore(%arg11 : memref<!tpu.dma_semaphore, #tpu.memory_space<semaphore_mem>>) src(%dma_wait3A_534 : memref<100000x128xf32, #tpu.memory_space<hbm>>) dst(%dma_wait3A_528 : memref<128x128xf32, #tpu.memory_space<vmem>>)
    %dma_wait3A_535 = arith.constant 3 : i32
    %dma_wait3A_536 = arith.constant 0 : i32
    %dma_wait3A_537 = arith.constant 0 : i32
    %dma_wait3A_538 = arith.constant 0 : i32
    %dma_wait3A_539 = arith.constant 0 : i32
    %dma_wait3A_540 = tpu.memref_slice %arg9[%dma_wait3A_537, %dma_wait3A_538, %dma_wait3A_539] : memref<2x128x128xf32, #tpu.memory_space<vmem>> -> memref<1x128x128xf32, #tpu.memory_space<vmem>>
    %dma_wait3A_541 = tpu.memref_squeeze %dma_wait3A_540 : memref<1x128x128xf32, #tpu.memory_space<vmem>> -> memref<128x128xf32, #tpu.memory_space<vmem>>
    %dma_wait3A_542 = arith.constant 0 : i32
    %dma_wait3A_543 = tpu.memref_slice %arg7[%dma_wait3A_535, %dma_wait3A_536, %dma_wait3A_542] : memref<10x4x128xi32, #tpu.memory_space<vmem>> -> memref<1x1x128xi32, #tpu.memory_space<vmem>>
    %dma_wait3A_544 = tpu.memref_squeeze %dma_wait3A_543 : memref<1x1x128xi32, #tpu.memory_space<vmem>> -> memref<128xi32, #tpu.memory_space<vmem>>
    %dma_wait3A_545 = arith.constant 0 : i32
    %dma_wait3A_546 = arith.constant 0 : i32
    %dma_wait3A_547 = tpu.memref_slice %arg2[%dma_wait3A_545, %dma_wait3A_546] : memref<100000x128xf32, #tpu.memory_space<hbm>> -> memref<100000x128xf32, #tpu.memory_space<hbm>>
    tpu.wait_indirect_dma semaphore(%arg11 : memref<!tpu.dma_semaphore, #tpu.memory_space<semaphore_mem>>) src(%dma_wait3A_547 : memref<100000x128xf32, #tpu.memory_space<hbm>>) dst(%dma_wait3A_541 : memref<128x128xf32, #tpu.memory_space<vmem>>)
    %dma_wait3A_548 = arith.constant 4 : i32
    %dma_wait3A_549 = arith.constant 0 : i32
    %dma_wait3A_550 = arith.constant 0 : i32
    %dma_wait3A_551 = arith.constant 0 : i32
    %dma_wait3A_552 = arith.constant 0 : i32
    %dma_wait3A_553 = tpu.memref_slice %arg9[%dma_wait3A_550, %dma_wait3A_551, %dma_wait3A_552] : memref<2x128x128xf32, #tpu.memory_space<vmem>> -> memref<1x128x128xf32, #tpu.memory_space<vmem>>
    %dma_wait3A_554 = tpu.memref_squeeze %dma_wait3A_553 : memref<1x128x128xf32, #tpu.memory_space<vmem>> -> memref<128x128xf32, #tpu.memory_space<vmem>>
    %dma_wait3A_555 = arith.constant 0 : i32
    %dma_wait3A_556 = tpu.memref_slice %arg7[%dma_wait3A_548, %dma_wait3A_549, %dma_wait3A_555] : memref<10x4x128xi32, #tpu.memory_space<vmem>> -> memref<1x1x128xi32, #tpu.memory_space<vmem>>
    %dma_wait3A_557 = tpu.memref_squeeze %dma_wait3A_556 : memref<1x1x128xi32, #tpu.memory_space<vmem>> -> memref<128xi32, #tpu.memory_space<vmem>>
    %dma_wait3A_558 = arith.constant 0 : i32
    %dma_wait3A_559 = arith.constant 0 : i32
    %dma_wait3A_560 = tpu.memref_slice %arg2[%dma_wait3A_558, %dma_wait3A_559] : memref<100000x128xf32, #tpu.memory_space<hbm>> -> memref<100000x128xf32, #tpu.memory_space<hbm>>
    tpu.wait_indirect_dma semaphore(%arg11 : memref<!tpu.dma_semaphore, #tpu.memory_space<semaphore_mem>>) src(%dma_wait3A_560 : memref<100000x128xf32, #tpu.memory_space<hbm>>) dst(%dma_wait3A_554 : memref<128x128xf32, #tpu.memory_space<vmem>>)
    %dma_wait3A_561 = arith.constant 5 : i32
    %dma_wait3A_562 = arith.constant 0 : i32
    %dma_wait3A_563 = arith.constant 0 : i32
    %dma_wait3A_564 = arith.constant 0 : i32
    %dma_wait3A_565 = arith.constant 0 : i32
    %dma_wait3A_566 = tpu.memref_slice %arg9[%dma_wait3A_563, %dma_wait3A_564, %dma_wait3A_565] : memref<2x128x128xf32, #tpu.memory_space<vmem>> -> memref<1x128x128xf32, #tpu.memory_space<vmem>>
    %dma_wait3A_567 = tpu.memref_squeeze %dma_wait3A_566 : memref<1x128x128xf32, #tpu.memory_space<vmem>> -> memref<128x128xf32, #tpu.memory_space<vmem>>
    %dma_wait3A_568 = arith.constant 0 : i32
    %dma_wait3A_569 = tpu.memref_slice %arg7[%dma_wait3A_561, %dma_wait3A_562, %dma_wait3A_568] : memref<10x4x128xi32, #tpu.memory_space<vmem>> -> memref<1x1x128xi32, #tpu.memory_space<vmem>>
    %dma_wait3A_570 = tpu.memref_squeeze %dma_wait3A_569 : memref<1x1x128xi32, #tpu.memory_space<vmem>> -> memref<128xi32, #tpu.memory_space<vmem>>
    %dma_wait3A_571 = arith.constant 0 : i32
    %dma_wait3A_572 = arith.constant 0 : i32
    %dma_wait3A_573 = tpu.memref_slice %arg2[%dma_wait3A_571, %dma_wait3A_572] : memref<100000x128xf32, #tpu.memory_space<hbm>> -> memref<100000x128xf32, #tpu.memory_space<hbm>>
    tpu.wait_indirect_dma semaphore(%arg11 : memref<!tpu.dma_semaphore, #tpu.memory_space<semaphore_mem>>) src(%dma_wait3A_573 : memref<100000x128xf32, #tpu.memory_space<hbm>>) dst(%dma_wait3A_567 : memref<128x128xf32, #tpu.memory_space<vmem>>)
    %dma_wait3A_574 = arith.constant 6 : i32
    %dma_wait3A_575 = arith.constant 0 : i32
    %dma_wait3A_576 = arith.constant 0 : i32
    %dma_wait3A_577 = arith.constant 0 : i32
    %dma_wait3A_578 = arith.constant 0 : i32
    %dma_wait3A_579 = tpu.memref_slice %arg9[%dma_wait3A_576, %dma_wait3A_577, %dma_wait3A_578] : memref<2x128x128xf32, #tpu.memory_space<vmem>> -> memref<1x128x128xf32, #tpu.memory_space<vmem>>
    %dma_wait3A_580 = tpu.memref_squeeze %dma_wait3A_579 : memref<1x128x128xf32, #tpu.memory_space<vmem>> -> memref<128x128xf32, #tpu.memory_space<vmem>>
    %dma_wait3A_581 = arith.constant 0 : i32
    %dma_wait3A_582 = tpu.memref_slice %arg7[%dma_wait3A_574, %dma_wait3A_575, %dma_wait3A_581] : memref<10x4x128xi32, #tpu.memory_space<vmem>> -> memref<1x1x128xi32, #tpu.memory_space<vmem>>
    %dma_wait3A_583 = tpu.memref_squeeze %dma_wait3A_582 : memref<1x1x128xi32, #tpu.memory_space<vmem>> -> memref<128xi32, #tpu.memory_space<vmem>>
    %dma_wait3A_584 = arith.constant 0 : i32
    %dma_wait3A_585 = arith.constant 0 : i32
    %dma_wait3A_586 = tpu.memref_slice %arg2[%dma_wait3A_584, %dma_wait3A_585] : memref<100000x128xf32, #tpu.memory_space<hbm>> -> memref<100000x128xf32, #tpu.memory_space<hbm>>
    tpu.wait_indirect_dma semaphore(%arg11 : memref<!tpu.dma_semaphore, #tpu.memory_space<semaphore_mem>>) src(%dma_wait3A_586 : memref<100000x128xf32, #tpu.memory_space<hbm>>) dst(%dma_wait3A_580 : memref<128x128xf32, #tpu.memory_space<vmem>>)
    %dma_wait3A_587 = arith.constant 7 : i32
    %dma_wait3A_588 = arith.constant 0 : i32
    %dma_wait3A_589 = arith.constant 0 : i32
    %dma_wait3A_590 = arith.constant 0 : i32
    %dma_wait3A_591 = arith.constant 0 : i32
    %dma_wait3A_592 = tpu.memref_slice %arg9[%dma_wait3A_589, %dma_wait3A_590, %dma_wait3A_591] : memref<2x128x128xf32, #tpu.memory_space<vmem>> -> memref<1x128x128xf32, #tpu.memory_space<vmem>>
    %dma_wait3A_593 = tpu.memref_squeeze %dma_wait3A_592 : memref<1x128x128xf32, #tpu.memory_space<vmem>> -> memref<128x128xf32, #tpu.memory_space<vmem>>
    %dma_wait3A_594 = arith.constant 0 : i32
    %dma_wait3A_595 = tpu.memref_slice %arg7[%dma_wait3A_587, %dma_wait3A_588, %dma_wait3A_594] : memref<10x4x128xi32, #tpu.memory_space<vmem>> -> memref<1x1x128xi32, #tpu.memory_space<vmem>>
    %dma_wait3A_596 = tpu.memref_squeeze %dma_wait3A_595 : memref<1x1x128xi32, #tpu.memory_space<vmem>> -> memref<128xi32, #tpu.memory_space<vmem>>
    %dma_wait3A_597 = arith.constant 0 : i32
    %dma_wait3A_598 = arith.constant 0 : i32
    %dma_wait3A_599 = tpu.memref_slice %arg2[%dma_wait3A_597, %dma_wait3A_598] : memref<100000x128xf32, #tpu.memory_space<hbm>> -> memref<100000x128xf32, #tpu.memory_space<hbm>>
    tpu.wait_indirect_dma semaphore(%arg11 : memref<!tpu.dma_semaphore, #tpu.memory_space<semaphore_mem>>) src(%dma_wait3A_599 : memref<100000x128xf32, #tpu.memory_space<hbm>>) dst(%dma_wait3A_593 : memref<128x128xf32, #tpu.memory_space<vmem>>)
    %dma_wait3A_600 = arith.constant 8 : i32
    %dma_wait3A_601 = arith.constant 0 : i32
    %dma_wait3A_602 = arith.constant 0 : i32
    %dma_wait3A_603 = arith.constant 0 : i32
    %dma_wait3A_604 = arith.constant 0 : i32
    %dma_wait3A_605 = tpu.memref_slice %arg9[%dma_wait3A_602, %dma_wait3A_603, %dma_wait3A_604] : memref<2x128x128xf32, #tpu.memory_space<vmem>> -> memref<1x128x128xf32, #tpu.memory_space<vmem>>
    %dma_wait3A_606 = tpu.memref_squeeze %dma_wait3A_605 : memref<1x128x128xf32, #tpu.memory_space<vmem>> -> memref<128x128xf32, #tpu.memory_space<vmem>>
    %dma_wait3A_607 = arith.constant 0 : i32
    %dma_wait3A_608 = tpu.memref_slice %arg7[%dma_wait3A_600, %dma_wait3A_601, %dma_wait3A_607] : memref<10x4x128xi32, #tpu.memory_space<vmem>> -> memref<1x1x128xi32, #tpu.memory_space<vmem>>
    %dma_wait3A_609 = tpu.memref_squeeze %dma_wait3A_608 : memref<1x1x128xi32, #tpu.memory_space<vmem>> -> memref<128xi32, #tpu.memory_space<vmem>>
    %dma_wait3A_610 = arith.constant 0 : i32
    %dma_wait3A_611 = arith.constant 0 : i32
    %dma_wait3A_612 = tpu.memref_slice %arg2[%dma_wait3A_610, %dma_wait3A_611] : memref<100000x128xf32, #tpu.memory_space<hbm>> -> memref<100000x128xf32, #tpu.memory_space<hbm>>
    tpu.wait_indirect_dma semaphore(%arg11 : memref<!tpu.dma_semaphore, #tpu.memory_space<semaphore_mem>>) src(%dma_wait3A_612 : memref<100000x128xf32, #tpu.memory_space<hbm>>) dst(%dma_wait3A_606 : memref<128x128xf32, #tpu.memory_space<vmem>>)
    %dma_wait3A_613 = arith.constant 9 : i32
    %dma_wait3A_614 = arith.constant 0 : i32
    %dma_wait3A_615 = arith.constant 0 : i32
    %dma_wait3A_616 = arith.constant 0 : i32
    %dma_wait3A_617 = arith.constant 0 : i32
    %dma_wait3A_618 = tpu.memref_slice %arg9[%dma_wait3A_615, %dma_wait3A_616, %dma_wait3A_617] : memref<2x128x128xf32, #tpu.memory_space<vmem>> -> memref<1x128x128xf32, #tpu.memory_space<vmem>>
    %dma_wait3A_619 = tpu.memref_squeeze %dma_wait3A_618 : memref<1x128x128xf32, #tpu.memory_space<vmem>> -> memref<128x128xf32, #tpu.memory_space<vmem>>
    %dma_wait3A_620 = arith.constant 0 : i32
    %dma_wait3A_621 = tpu.memref_slice %arg7[%dma_wait3A_613, %dma_wait3A_614, %dma_wait3A_620] : memref<10x4x128xi32, #tpu.memory_space<vmem>> -> memref<1x1x128xi32, #tpu.memory_space<vmem>>
    %dma_wait3A_622 = tpu.memref_squeeze %dma_wait3A_621 : memref<1x1x128xi32, #tpu.memory_space<vmem>> -> memref<128xi32, #tpu.memory_space<vmem>>
    %dma_wait3A_623 = arith.constant 0 : i32
    %dma_wait3A_624 = arith.constant 0 : i32
    %dma_wait3A_625 = tpu.memref_slice %arg2[%dma_wait3A_623, %dma_wait3A_624] : memref<100000x128xf32, #tpu.memory_space<hbm>> -> memref<100000x128xf32, #tpu.memory_space<hbm>>
    tpu.wait_indirect_dma semaphore(%arg11 : memref<!tpu.dma_semaphore, #tpu.memory_space<semaphore_mem>>) src(%dma_wait3A_625 : memref<100000x128xf32, #tpu.memory_space<hbm>>) dst(%dma_wait3A_619 : memref<128x128xf32, #tpu.memory_space<vmem>>)
    %dma_wait3A_626 = arith.constant 0 : i32
    %dma_wait3A_627 = arith.constant 0 : i32
    %dma_wait3A_628 = arith.constant 0 : i32
    %dma_wait3A_629 = arith.constant 0 : i32
    %dma_wait3A_630 = tpu.memref_slice %arg8[%dma_wait3A_627, %dma_wait3A_628, %dma_wait3A_629] : memref<2x128x128xf32, #tpu.memory_space<vmem>> -> memref<1x128x128xf32, #tpu.memory_space<vmem>>
    %dma_wait3A_631 = tpu.memref_squeeze %dma_wait3A_630 : memref<1x128x128xf32, #tpu.memory_space<vmem>> -> memref<128x128xf32, #tpu.memory_space<vmem>>
    %dma_wait3A_632 = arith.constant 0 : i32
    %dma_wait3A_633 = tpu.memref_slice %arg6[%dma_wait3A_626, %dma_wait3A_632] : memref<4x128xi32, #tpu.memory_space<vmem>> -> memref<1x128xi32, #tpu.memory_space<vmem>>
    %dma_wait3A_634 = tpu.memref_squeeze %dma_wait3A_633 : memref<1x128xi32, #tpu.memory_space<vmem>> -> memref<128xi32, #tpu.memory_space<vmem>>
    %dma_wait3A_635 = arith.constant 0 : i32
    %dma_wait3A_636 = arith.constant 0 : i32
    %dma_wait3A_637 = tpu.memref_slice %arg2[%dma_wait3A_635, %dma_wait3A_636] : memref<100000x128xf32, #tpu.memory_space<hbm>> -> memref<100000x128xf32, #tpu.memory_space<hbm>>
    tpu.wait_indirect_dma semaphore(%arg13 : memref<!tpu.dma_semaphore, #tpu.memory_space<semaphore_mem>>) src(%dma_wait3A_637 : memref<100000x128xf32, #tpu.memory_space<hbm>>) dst(%dma_wait3A_631 : memref<128x128xf32, #tpu.memory_space<vmem>>)
    %add3A_638 = arith.constant 0 : i32
    %add3A_639 = arith.addi %mul3A_2, %add3A_638 : i32
    %mul3A_640 = arith.constant 128 : i32
    %mul3A_641 = arith.muli %add3A_639, %mul3A_640 : i32
    %dma_start3A_642 = arith.constant 0 : i32
    %dma_start3A_643 = arith.constant 0 : i32
    %dma_start3A_644 = arith.constant 0 : i32
    %dma_start3A_645 = tpu.memref_slice %arg8[%dma_start3A_642, %dma_start3A_643, %dma_start3A_644] : memref<2x128x128xf32, #tpu.memory_space<vmem>> -> memref<1x128x128xf32, #tpu.memory_space<vmem>>
    %dma_start3A_646 = tpu.memref_squeeze %dma_start3A_645 : memref<1x128x128xf32, #tpu.memory_space<vmem>> -> memref<128x128xf32, #tpu.memory_space<vmem>>
    %dma_start3A_647 = arith.constant 0 : i32
    %dma_start3A_648 = tpu.memref_slice %arg5[%mul3A_641, %dma_start3A_647] : memref<16384x256xf32, #tpu.memory_space<hbm>> -> memref<128x128xf32, #tpu.memory_space<hbm>>
    %dma_start3A_649 = arith.constant 0 : i32
    %dma_start3A_650 = tpu.memref_slice %arg5[%mul3A_641, %dma_start3A_649] : memref<16384x256xf32, #tpu.memory_space<hbm>> -> memref<128x128xf32, #tpu.memory_space<hbm>>
    %dma_start3A_651 = arith.constant 0 : i32
    %dma_start3A_652 = arith.constant 0 : i32
    %dma_start3A_653 = tpu.memref_slice %arg8[%dma_start3A_642, %dma_start3A_651, %dma_start3A_652] : memref<2x128x128xf32, #tpu.memory_space<vmem>> -> memref<1x128x128xf32, #tpu.memory_space<vmem>>
    %dma_start3A_654 = tpu.memref_squeeze %dma_start3A_653 : memref<1x128x128xf32, #tpu.memory_space<vmem>> -> memref<128x128xf32, #tpu.memory_space<vmem>>
    tpu.enqueue_dma source(%dma_start3A_654 : memref<128x128xf32, #tpu.memory_space<vmem>>) target(%dma_start3A_650 : memref<128x128xf32, #tpu.memory_space<hbm>>) target_semaphore(%arg15 : memref<!tpu.dma_semaphore, #tpu.memory_space<semaphore_mem>>)
    %dma_start3A_655 = arith.constant 0 : i32
    %dma_start3A_656 = arith.constant 0 : i32
    %dma_start3A_657 = arith.constant 0 : i32
    %dma_start3A_658 = tpu.memref_slice %arg9[%dma_start3A_655, %dma_start3A_656, %dma_start3A_657] : memref<2x128x128xf32, #tpu.memory_space<vmem>> -> memref<1x128x128xf32, #tpu.memory_space<vmem>>
    %dma_start3A_659 = tpu.memref_squeeze %dma_start3A_658 : memref<1x128x128xf32, #tpu.memory_space<vmem>> -> memref<128x128xf32, #tpu.memory_space<vmem>>
    %dma_start3A_660 = arith.constant 128 : i32
    %dma_start3A_661 = tpu.memref_slice %arg5[%mul3A_641, %dma_start3A_660] : memref<16384x256xf32, #tpu.memory_space<hbm>> -> memref<128x128xf32, #tpu.memory_space<hbm>>
    %dma_start3A_662 = arith.constant 128 : i32
    %dma_start3A_663 = tpu.memref_slice %arg5[%mul3A_641, %dma_start3A_662] : memref<16384x256xf32, #tpu.memory_space<hbm>> -> memref<128x128xf32, #tpu.memory_space<hbm>>
    %dma_start3A_664 = arith.constant 0 : i32
    %dma_start3A_665 = arith.constant 0 : i32
    %dma_start3A_666 = tpu.memref_slice %arg9[%dma_start3A_655, %dma_start3A_664, %dma_start3A_665] : memref<2x128x128xf32, #tpu.memory_space<vmem>> -> memref<1x128x128xf32, #tpu.memory_space<vmem>>
    %dma_start3A_667 = tpu.memref_squeeze %dma_start3A_666 : memref<1x128x128xf32, #tpu.memory_space<vmem>> -> memref<128x128xf32, #tpu.memory_space<vmem>>
    tpu.enqueue_dma source(%dma_start3A_667 : memref<128x128xf32, #tpu.memory_space<vmem>>) target(%dma_start3A_663 : memref<128x128xf32, #tpu.memory_space<hbm>>) target_semaphore(%arg15 : memref<!tpu.dma_semaphore, #tpu.memory_space<semaphore_mem>>)
    %dma_wait3A_668 = arith.constant 0 : i32
    %dma_wait3A_669 = arith.constant 1 : i32
    %dma_wait3A_670 = arith.constant 1 : i32
    %dma_wait3A_671 = arith.constant 0 : i32
    %dma_wait3A_672 = arith.constant 0 : i32
    %dma_wait3A_673 = tpu.memref_slice %arg9[%dma_wait3A_670, %dma_wait3A_671, %dma_wait3A_672] : memref<2x128x128xf32, #tpu.memory_space<vmem>> -> memref<1x128x128xf32, #tpu.memory_space<vmem>>
    %dma_wait3A_674 = tpu.memref_squeeze %dma_wait3A_673 : memref<1x128x128xf32, #tpu.memory_space<vmem>> -> memref<128x128xf32, #tpu.memory_space<vmem>>
    %dma_wait3A_675 = arith.constant 0 : i32
    %dma_wait3A_676 = tpu.memref_slice %arg7[%dma_wait3A_668, %dma_wait3A_669, %dma_wait3A_675] : memref<10x4x128xi32, #tpu.memory_space<vmem>> -> memref<1x1x128xi32, #tpu.memory_space<vmem>>
    %dma_wait3A_677 = tpu.memref_squeeze %dma_wait3A_676 : memref<1x1x128xi32, #tpu.memory_space<vmem>> -> memref<128xi32, #tpu.memory_space<vmem>>
    %dma_wait3A_678 = arith.constant 0 : i32
    %dma_wait3A_679 = arith.constant 0 : i32
    %dma_wait3A_680 = tpu.memref_slice %arg2[%dma_wait3A_678, %dma_wait3A_679] : memref<100000x128xf32, #tpu.memory_space<hbm>> -> memref<100000x128xf32, #tpu.memory_space<hbm>>
    tpu.wait_indirect_dma semaphore(%arg12 : memref<!tpu.dma_semaphore, #tpu.memory_space<semaphore_mem>>) src(%dma_wait3A_680 : memref<100000x128xf32, #tpu.memory_space<hbm>>) dst(%dma_wait3A_674 : memref<128x128xf32, #tpu.memory_space<vmem>>)
    %dma_start3A_681 = arith.constant 1 : i32
    %dma_start3A_682 = arith.constant 1 : i32
    %dma_start3A_683 = arith.constant 1 : i32
    %dma_start3A_684 = arith.constant 0 : i32
    %dma_start3A_685 = arith.constant 0 : i32
    %dma_start3A_686 = tpu.memref_slice %arg9[%dma_start3A_683, %dma_start3A_684, %dma_start3A_685] : memref<2x128x128xf32, #tpu.memory_space<vmem>> -> memref<1x128x128xf32, #tpu.memory_space<vmem>>
    %dma_start3A_687 = tpu.memref_squeeze %dma_start3A_686 : memref<1x128x128xf32, #tpu.memory_space<vmem>> -> memref<128x128xf32, #tpu.memory_space<vmem>>
    %dma_start3A_688 = arith.constant 0 : i32
    %dma_start3A_689 = tpu.memref_slice %arg7[%dma_start3A_681, %dma_start3A_682, %dma_start3A_688] : memref<10x4x128xi32, #tpu.memory_space<vmem>> -> memref<1x1x128xi32, #tpu.memory_space<vmem>>
    %dma_start3A_690 = tpu.memref_squeeze %dma_start3A_689 : memref<1x1x128xi32, #tpu.memory_space<vmem>> -> memref<128xi32, #tpu.memory_space<vmem>>
    %dma_start3A_691 = arith.constant 0 : i32
    %dma_start3A_692 = arith.constant 0 : i32
    %dma_start3A_693 = tpu.memref_slice %arg2[%dma_start3A_691, %dma_start3A_692] : memref<100000x128xf32, #tpu.memory_space<hbm>> -> memref<100000x128xf32, #tpu.memory_space<hbm>>
    tpu.enqueue_indirect_dma source(%dma_start3A_693 : memref<100000x128xf32, #tpu.memory_space<hbm>>) target(%dma_start3A_687 : memref<128x128xf32, #tpu.memory_space<vmem>>) offsets(%dma_start3A_690 : memref<128xi32, #tpu.memory_space<vmem>>) semaphore(%arg12 : memref<!tpu.dma_semaphore, #tpu.memory_space<semaphore_mem>>) {add = true}
    %dma_start3A_694 = arith.constant 2 : i32
    %dma_start3A_695 = arith.constant 1 : i32
    %dma_start3A_696 = arith.constant 1 : i32
    %dma_start3A_697 = arith.constant 0 : i32
    %dma_start3A_698 = arith.constant 0 : i32
    %dma_start3A_699 = tpu.memref_slice %arg9[%dma_start3A_696, %dma_start3A_697, %dma_start3A_698] : memref<2x128x128xf32, #tpu.memory_space<vmem>> -> memref<1x128x128xf32, #tpu.memory_space<vmem>>
    %dma_start3A_700 = tpu.memref_squeeze %dma_start3A_699 : memref<1x128x128xf32, #tpu.memory_space<vmem>> -> memref<128x128xf32, #tpu.memory_space<vmem>>
    %dma_start3A_701 = arith.constant 0 : i32
    %dma_start3A_702 = tpu.memref_slice %arg7[%dma_start3A_694, %dma_start3A_695, %dma_start3A_701] : memref<10x4x128xi32, #tpu.memory_space<vmem>> -> memref<1x1x128xi32, #tpu.memory_space<vmem>>
    %dma_start3A_703 = tpu.memref_squeeze %dma_start3A_702 : memref<1x1x128xi32, #tpu.memory_space<vmem>> -> memref<128xi32, #tpu.memory_space<vmem>>
    %dma_start3A_704 = arith.constant 0 : i32
    %dma_start3A_705 = arith.constant 0 : i32
    %dma_start3A_706 = tpu.memref_slice %arg2[%dma_start3A_704, %dma_start3A_705] : memref<100000x128xf32, #tpu.memory_space<hbm>> -> memref<100000x128xf32, #tpu.memory_space<hbm>>
    tpu.enqueue_indirect_dma source(%dma_start3A_706 : memref<100000x128xf32, #tpu.memory_space<hbm>>) target(%dma_start3A_700 : memref<128x128xf32, #tpu.memory_space<vmem>>) offsets(%dma_start3A_703 : memref<128xi32, #tpu.memory_space<vmem>>) semaphore(%arg12 : memref<!tpu.dma_semaphore, #tpu.memory_space<semaphore_mem>>) {add = true}
    %dma_start3A_707 = arith.constant 3 : i32
    %dma_start3A_708 = arith.constant 1 : i32
    %dma_start3A_709 = arith.constant 1 : i32
    %dma_start3A_710 = arith.constant 0 : i32
    %dma_start3A_711 = arith.constant 0 : i32
    %dma_start3A_712 = tpu.memref_slice %arg9[%dma_start3A_709, %dma_start3A_710, %dma_start3A_711] : memref<2x128x128xf32, #tpu.memory_space<vmem>> -> memref<1x128x128xf32, #tpu.memory_space<vmem>>
    %dma_start3A_713 = tpu.memref_squeeze %dma_start3A_712 : memref<1x128x128xf32, #tpu.memory_space<vmem>> -> memref<128x128xf32, #tpu.memory_space<vmem>>
    %dma_start3A_714 = arith.constant 0 : i32
    %dma_start3A_715 = tpu.memref_slice %arg7[%dma_start3A_707, %dma_start3A_708, %dma_start3A_714] : memref<10x4x128xi32, #tpu.memory_space<vmem>> -> memref<1x1x128xi32, #tpu.memory_space<vmem>>
    %dma_start3A_716 = tpu.memref_squeeze %dma_start3A_715 : memref<1x1x128xi32, #tpu.memory_space<vmem>> -> memref<128xi32, #tpu.memory_space<vmem>>
    %dma_start3A_717 = arith.constant 0 : i32
    %dma_start3A_718 = arith.constant 0 : i32
    %dma_start3A_719 = tpu.memref_slice %arg2[%dma_start3A_717, %dma_start3A_718] : memref<100000x128xf32, #tpu.memory_space<hbm>> -> memref<100000x128xf32, #tpu.memory_space<hbm>>
    tpu.enqueue_indirect_dma source(%dma_start3A_719 : memref<100000x128xf32, #tpu.memory_space<hbm>>) target(%dma_start3A_713 : memref<128x128xf32, #tpu.memory_space<vmem>>) offsets(%dma_start3A_716 : memref<128xi32, #tpu.memory_space<vmem>>) semaphore(%arg12 : memref<!tpu.dma_semaphore, #tpu.memory_space<semaphore_mem>>) {add = true}
    %dma_start3A_720 = arith.constant 4 : i32
    %dma_start3A_721 = arith.constant 1 : i32
    %dma_start3A_722 = arith.constant 1 : i32
    %dma_start3A_723 = arith.constant 0 : i32
    %dma_start3A_724 = arith.constant 0 : i32
    %dma_start3A_725 = tpu.memref_slice %arg9[%dma_start3A_722, %dma_start3A_723, %dma_start3A_724] : memref<2x128x128xf32, #tpu.memory_space<vmem>> -> memref<1x128x128xf32, #tpu.memory_space<vmem>>
    %dma_start3A_726 = tpu.memref_squeeze %dma_start3A_725 : memref<1x128x128xf32, #tpu.memory_space<vmem>> -> memref<128x128xf32, #tpu.memory_space<vmem>>
    %dma_start3A_727 = arith.constant 0 : i32
    %dma_start3A_728 = tpu.memref_slice %arg7[%dma_start3A_720, %dma_start3A_721, %dma_start3A_727] : memref<10x4x128xi32, #tpu.memory_space<vmem>> -> memref<1x1x128xi32, #tpu.memory_space<vmem>>
    %dma_start3A_729 = tpu.memref_squeeze %dma_start3A_728 : memref<1x1x128xi32, #tpu.memory_space<vmem>> -> memref<128xi32, #tpu.memory_space<vmem>>
    %dma_start3A_730 = arith.constant 0 : i32
    %dma_start3A_731 = arith.constant 0 : i32
    %dma_start3A_732 = tpu.memref_slice %arg2[%dma_start3A_730, %dma_start3A_731] : memref<100000x128xf32, #tpu.memory_space<hbm>> -> memref<100000x128xf32, #tpu.memory_space<hbm>>
    tpu.enqueue_indirect_dma source(%dma_start3A_732 : memref<100000x128xf32, #tpu.memory_space<hbm>>) target(%dma_start3A_726 : memref<128x128xf32, #tpu.memory_space<vmem>>) offsets(%dma_start3A_729 : memref<128xi32, #tpu.memory_space<vmem>>) semaphore(%arg12 : memref<!tpu.dma_semaphore, #tpu.memory_space<semaphore_mem>>) {add = true}
    %dma_start3A_733 = arith.constant 5 : i32
    %dma_start3A_734 = arith.constant 1 : i32
    %dma_start3A_735 = arith.constant 1 : i32
    %dma_start3A_736 = arith.constant 0 : i32
    %dma_start3A_737 = arith.constant 0 : i32
    %dma_start3A_738 = tpu.memref_slice %arg9[%dma_start3A_735, %dma_start3A_736, %dma_start3A_737] : memref<2x128x128xf32, #tpu.memory_space<vmem>> -> memref<1x128x128xf32, #tpu.memory_space<vmem>>
    %dma_start3A_739 = tpu.memref_squeeze %dma_start3A_738 : memref<1x128x128xf32, #tpu.memory_space<vmem>> -> memref<128x128xf32, #tpu.memory_space<vmem>>
    %dma_start3A_740 = arith.constant 0 : i32
    %dma_start3A_741 = tpu.memref_slice %arg7[%dma_start3A_733, %dma_start3A_734, %dma_start3A_740] : memref<10x4x128xi32, #tpu.memory_space<vmem>> -> memref<1x1x128xi32, #tpu.memory_space<vmem>>
    %dma_start3A_742 = tpu.memref_squeeze %dma_start3A_741 : memref<1x1x128xi32, #tpu.memory_space<vmem>> -> memref<128xi32, #tpu.memory_space<vmem>>
    %dma_start3A_743 = arith.constant 0 : i32
    %dma_start3A_744 = arith.constant 0 : i32
    %dma_start3A_745 = tpu.memref_slice %arg2[%dma_start3A_743, %dma_start3A_744] : memref<100000x128xf32, #tpu.memory_space<hbm>> -> memref<100000x128xf32, #tpu.memory_space<hbm>>
    tpu.enqueue_indirect_dma source(%dma_start3A_745 : memref<100000x128xf32, #tpu.memory_space<hbm>>) target(%dma_start3A_739 : memref<128x128xf32, #tpu.memory_space<vmem>>) offsets(%dma_start3A_742 : memref<128xi32, #tpu.memory_space<vmem>>) semaphore(%arg12 : memref<!tpu.dma_semaphore, #tpu.memory_space<semaphore_mem>>) {add = true}
    %dma_start3A_746 = arith.constant 6 : i32
    %dma_start3A_747 = arith.constant 1 : i32
    %dma_start3A_748 = arith.constant 1 : i32
    %dma_start3A_749 = arith.constant 0 : i32
    %dma_start3A_750 = arith.constant 0 : i32
    %dma_start3A_751 = tpu.memref_slice %arg9[%dma_start3A_748, %dma_start3A_749, %dma_start3A_750] : memref<2x128x128xf32, #tpu.memory_space<vmem>> -> memref<1x128x128xf32, #tpu.memory_space<vmem>>
    %dma_start3A_752 = tpu.memref_squeeze %dma_start3A_751 : memref<1x128x128xf32, #tpu.memory_space<vmem>> -> memref<128x128xf32, #tpu.memory_space<vmem>>
    %dma_start3A_753 = arith.constant 0 : i32
    %dma_start3A_754 = tpu.memref_slice %arg7[%dma_start3A_746, %dma_start3A_747, %dma_start3A_753] : memref<10x4x128xi32, #tpu.memory_space<vmem>> -> memref<1x1x128xi32, #tpu.memory_space<vmem>>
    %dma_start3A_755 = tpu.memref_squeeze %dma_start3A_754 : memref<1x1x128xi32, #tpu.memory_space<vmem>> -> memref<128xi32, #tpu.memory_space<vmem>>
    %dma_start3A_756 = arith.constant 0 : i32
    %dma_start3A_757 = arith.constant 0 : i32
    %dma_start3A_758 = tpu.memref_slice %arg2[%dma_start3A_756, %dma_start3A_757] : memref<100000x128xf32, #tpu.memory_space<hbm>> -> memref<100000x128xf32, #tpu.memory_space<hbm>>
    tpu.enqueue_indirect_dma source(%dma_start3A_758 : memref<100000x128xf32, #tpu.memory_space<hbm>>) target(%dma_start3A_752 : memref<128x128xf32, #tpu.memory_space<vmem>>) offsets(%dma_start3A_755 : memref<128xi32, #tpu.memory_space<vmem>>) semaphore(%arg12 : memref<!tpu.dma_semaphore, #tpu.memory_space<semaphore_mem>>) {add = true}
    %dma_start3A_759 = arith.constant 7 : i32
    %dma_start3A_760 = arith.constant 1 : i32
    %dma_start3A_761 = arith.constant 1 : i32
    %dma_start3A_762 = arith.constant 0 : i32
    %dma_start3A_763 = arith.constant 0 : i32
    %dma_start3A_764 = tpu.memref_slice %arg9[%dma_start3A_761, %dma_start3A_762, %dma_start3A_763] : memref<2x128x128xf32, #tpu.memory_space<vmem>> -> memref<1x128x128xf32, #tpu.memory_space<vmem>>
    %dma_start3A_765 = tpu.memref_squeeze %dma_start3A_764 : memref<1x128x128xf32, #tpu.memory_space<vmem>> -> memref<128x128xf32, #tpu.memory_space<vmem>>
    %dma_start3A_766 = arith.constant 0 : i32
    %dma_start3A_767 = tpu.memref_slice %arg7[%dma_start3A_759, %dma_start3A_760, %dma_start3A_766] : memref<10x4x128xi32, #tpu.memory_space<vmem>> -> memref<1x1x128xi32, #tpu.memory_space<vmem>>
    %dma_start3A_768 = tpu.memref_squeeze %dma_start3A_767 : memref<1x1x128xi32, #tpu.memory_space<vmem>> -> memref<128xi32, #tpu.memory_space<vmem>>
    %dma_start3A_769 = arith.constant 0 : i32
    %dma_start3A_770 = arith.constant 0 : i32
    %dma_start3A_771 = tpu.memref_slice %arg2[%dma_start3A_769, %dma_start3A_770] : memref<100000x128xf32, #tpu.memory_space<hbm>> -> memref<100000x128xf32, #tpu.memory_space<hbm>>
    tpu.enqueue_indirect_dma source(%dma_start3A_771 : memref<100000x128xf32, #tpu.memory_space<hbm>>) target(%dma_start3A_765 : memref<128x128xf32, #tpu.memory_space<vmem>>) offsets(%dma_start3A_768 : memref<128xi32, #tpu.memory_space<vmem>>) semaphore(%arg12 : memref<!tpu.dma_semaphore, #tpu.memory_space<semaphore_mem>>) {add = true}
    %dma_start3A_772 = arith.constant 8 : i32
    %dma_start3A_773 = arith.constant 1 : i32
    %dma_start3A_774 = arith.constant 1 : i32
    %dma_start3A_775 = arith.constant 0 : i32
    %dma_start3A_776 = arith.constant 0 : i32
    %dma_start3A_777 = tpu.memref_slice %arg9[%dma_start3A_774, %dma_start3A_775, %dma_start3A_776] : memref<2x128x128xf32, #tpu.memory_space<vmem>> -> memref<1x128x128xf32, #tpu.memory_space<vmem>>
    %dma_start3A_778 = tpu.memref_squeeze %dma_start3A_777 : memref<1x128x128xf32, #tpu.memory_space<vmem>> -> memref<128x128xf32, #tpu.memory_space<vmem>>
    %dma_start3A_779 = arith.constant 0 : i32
    %dma_start3A_780 = tpu.memref_slice %arg7[%dma_start3A_772, %dma_start3A_773, %dma_start3A_779] : memref<10x4x128xi32, #tpu.memory_space<vmem>> -> memref<1x1x128xi32, #tpu.memory_space<vmem>>
    %dma_start3A_781 = tpu.memref_squeeze %dma_start3A_780 : memref<1x1x128xi32, #tpu.memory_space<vmem>> -> memref<128xi32, #tpu.memory_space<vmem>>
    %dma_start3A_782 = arith.constant 0 : i32
    %dma_start3A_783 = arith.constant 0 : i32
    %dma_start3A_784 = tpu.memref_slice %arg2[%dma_start3A_782, %dma_start3A_783] : memref<100000x128xf32, #tpu.memory_space<hbm>> -> memref<100000x128xf32, #tpu.memory_space<hbm>>
    tpu.enqueue_indirect_dma source(%dma_start3A_784 : memref<100000x128xf32, #tpu.memory_space<hbm>>) target(%dma_start3A_778 : memref<128x128xf32, #tpu.memory_space<vmem>>) offsets(%dma_start3A_781 : memref<128xi32, #tpu.memory_space<vmem>>) semaphore(%arg12 : memref<!tpu.dma_semaphore, #tpu.memory_space<semaphore_mem>>) {add = true}
    %dma_start3A_785 = arith.constant 9 : i32
    %dma_start3A_786 = arith.constant 1 : i32
    %dma_start3A_787 = arith.constant 1 : i32
    %dma_start3A_788 = arith.constant 0 : i32
    %dma_start3A_789 = arith.constant 0 : i32
    %dma_start3A_790 = tpu.memref_slice %arg9[%dma_start3A_787, %dma_start3A_788, %dma_start3A_789] : memref<2x128x128xf32, #tpu.memory_space<vmem>> -> memref<1x128x128xf32, #tpu.memory_space<vmem>>
    %dma_start3A_791 = tpu.memref_squeeze %dma_start3A_790 : memref<1x128x128xf32, #tpu.memory_space<vmem>> -> memref<128x128xf32, #tpu.memory_space<vmem>>
    %dma_start3A_792 = arith.constant 0 : i32
    %dma_start3A_793 = tpu.memref_slice %arg7[%dma_start3A_785, %dma_start3A_786, %dma_start3A_792] : memref<10x4x128xi32, #tpu.memory_space<vmem>> -> memref<1x1x128xi32, #tpu.memory_space<vmem>>
    %dma_start3A_794 = tpu.memref_squeeze %dma_start3A_793 : memref<1x1x128xi32, #tpu.memory_space<vmem>> -> memref<128xi32, #tpu.memory_space<vmem>>
    %dma_start3A_795 = arith.constant 0 : i32
    %dma_start3A_796 = arith.constant 0 : i32
    %dma_start3A_797 = tpu.memref_slice %arg2[%dma_start3A_795, %dma_start3A_796] : memref<100000x128xf32, #tpu.memory_space<hbm>> -> memref<100000x128xf32, #tpu.memory_space<hbm>>
    tpu.enqueue_indirect_dma source(%dma_start3A_797 : memref<100000x128xf32, #tpu.memory_space<hbm>>) target(%dma_start3A_791 : memref<128x128xf32, #tpu.memory_space<vmem>>) offsets(%dma_start3A_794 : memref<128xi32, #tpu.memory_space<vmem>>) semaphore(%arg12 : memref<!tpu.dma_semaphore, #tpu.memory_space<semaphore_mem>>) {add = true}
    %dma_wait3A_798 = arith.constant 0 : i32
    %dma_wait3A_799 = arith.constant 0 : i32
    %dma_wait3A_800 = arith.constant 0 : i32
    %dma_wait3A_801 = tpu.memref_slice %arg8[%dma_wait3A_798, %dma_wait3A_799, %dma_wait3A_800] : memref<2x128x128xf32, #tpu.memory_space<vmem>> -> memref<1x128x128xf32, #tpu.memory_space<vmem>>
    %dma_wait3A_802 = tpu.memref_squeeze %dma_wait3A_801 : memref<1x128x128xf32, #tpu.memory_space<vmem>> -> memref<128x128xf32, #tpu.memory_space<vmem>>
    %dma_wait3A_803 = arith.constant 0 : i32
    %dma_wait3A_804 = tpu.memref_slice %arg5[%mul3A_641, %dma_wait3A_803] : memref<16384x256xf32, #tpu.memory_space<hbm>> -> memref<128x128xf32, #tpu.memory_space<hbm>>
    %dma_wait3A_805 = arith.constant 0 : i32
    %dma_wait3A_806 = tpu.memref_slice %arg5[%mul3A_641, %dma_wait3A_805] : memref<16384x256xf32, #tpu.memory_space<hbm>> -> memref<128x128xf32, #tpu.memory_space<hbm>>
    %dma_wait3A_807 = arith.constant 0 : i32
    %dma_wait3A_808 = arith.constant 0 : i32
    %dma_wait3A_809 = tpu.memref_slice %arg8[%dma_wait3A_798, %dma_wait3A_807, %dma_wait3A_808] : memref<2x128x128xf32, #tpu.memory_space<vmem>> -> memref<1x128x128xf32, #tpu.memory_space<vmem>>
    %dma_wait3A_810 = tpu.memref_squeeze %dma_wait3A_809 : memref<1x128x128xf32, #tpu.memory_space<vmem>> -> memref<128x128xf32, #tpu.memory_space<vmem>>
    tpu.wait_dma2 semaphore(%arg15 : memref<!tpu.dma_semaphore, #tpu.memory_space<semaphore_mem>>) src(%dma_wait3A_810 : memref<128x128xf32, #tpu.memory_space<vmem>>) dst(%dma_wait3A_806 : memref<128x128xf32, #tpu.memory_space<hbm>>)
    %dma_wait3A_811 = arith.constant 0 : i32
    %dma_wait3A_812 = arith.constant 0 : i32
    %dma_wait3A_813 = arith.constant 0 : i32
    %dma_wait3A_814 = tpu.memref_slice %arg9[%dma_wait3A_811, %dma_wait3A_812, %dma_wait3A_813] : memref<2x128x128xf32, #tpu.memory_space<vmem>> -> memref<1x128x128xf32, #tpu.memory_space<vmem>>
    %dma_wait3A_815 = tpu.memref_squeeze %dma_wait3A_814 : memref<1x128x128xf32, #tpu.memory_space<vmem>> -> memref<128x128xf32, #tpu.memory_space<vmem>>
    %dma_wait3A_816 = arith.constant 128 : i32
    %dma_wait3A_817 = tpu.memref_slice %arg5[%mul3A_641, %dma_wait3A_816] : memref<16384x256xf32, #tpu.memory_space<hbm>> -> memref<128x128xf32, #tpu.memory_space<hbm>>
    %dma_wait3A_818 = arith.constant 128 : i32
    %dma_wait3A_819 = tpu.memref_slice %arg5[%mul3A_641, %dma_wait3A_818] : memref<16384x256xf32, #tpu.memory_space<hbm>> -> memref<128x128xf32, #tpu.memory_space<hbm>>
    %dma_wait3A_820 = arith.constant 0 : i32
    %dma_wait3A_821 = arith.constant 0 : i32
    %dma_wait3A_822 = tpu.memref_slice %arg9[%dma_wait3A_811, %dma_wait3A_820, %dma_wait3A_821] : memref<2x128x128xf32, #tpu.memory_space<vmem>> -> memref<1x128x128xf32, #tpu.memory_space<vmem>>
    %dma_wait3A_823 = tpu.memref_squeeze %dma_wait3A_822 : memref<1x128x128xf32, #tpu.memory_space<vmem>> -> memref<128x128xf32, #tpu.memory_space<vmem>>
    tpu.wait_dma2 semaphore(%arg15 : memref<!tpu.dma_semaphore, #tpu.memory_space<semaphore_mem>>) src(%dma_wait3A_823 : memref<128x128xf32, #tpu.memory_space<vmem>>) dst(%dma_wait3A_819 : memref<128x128xf32, #tpu.memory_space<hbm>>)
    %dma_start3A_824 = arith.constant 0 : i32
    %dma_start3A_825 = arith.constant 2 : i32
    %dma_start3A_826 = arith.constant 0 : i32
    %dma_start3A_827 = arith.constant 0 : i32
    %dma_start3A_828 = arith.constant 0 : i32
    %dma_start3A_829 = tpu.memref_slice %arg9[%dma_start3A_826, %dma_start3A_827, %dma_start3A_828] : memref<2x128x128xf32, #tpu.memory_space<vmem>> -> memref<1x128x128xf32, #tpu.memory_space<vmem>>
    %dma_start3A_830 = tpu.memref_squeeze %dma_start3A_829 : memref<1x128x128xf32, #tpu.memory_space<vmem>> -> memref<128x128xf32, #tpu.memory_space<vmem>>
    %dma_start3A_831 = arith.constant 0 : i32
    %dma_start3A_832 = tpu.memref_slice %arg7[%dma_start3A_824, %dma_start3A_825, %dma_start3A_831] : memref<10x4x128xi32, #tpu.memory_space<vmem>> -> memref<1x1x128xi32, #tpu.memory_space<vmem>>
    %dma_start3A_833 = tpu.memref_squeeze %dma_start3A_832 : memref<1x1x128xi32, #tpu.memory_space<vmem>> -> memref<128xi32, #tpu.memory_space<vmem>>
    %dma_start3A_834 = arith.constant 0 : i32
    %dma_start3A_835 = arith.constant 0 : i32
    %dma_start3A_836 = tpu.memref_slice %arg2[%dma_start3A_834, %dma_start3A_835] : memref<100000x128xf32, #tpu.memory_space<hbm>> -> memref<100000x128xf32, #tpu.memory_space<hbm>>
    tpu.enqueue_indirect_dma source(%dma_start3A_836 : memref<100000x128xf32, #tpu.memory_space<hbm>>) target(%dma_start3A_830 : memref<128x128xf32, #tpu.memory_space<vmem>>) offsets(%dma_start3A_833 : memref<128xi32, #tpu.memory_space<vmem>>) semaphore(%arg11 : memref<!tpu.dma_semaphore, #tpu.memory_space<semaphore_mem>>)
    %dma_start3A_837 = arith.constant 2 : i32
    %dma_start3A_838 = arith.constant 0 : i32
    %dma_start3A_839 = arith.constant 0 : i32
    %dma_start3A_840 = arith.constant 0 : i32
    %dma_start3A_841 = tpu.memref_slice %arg8[%dma_start3A_838, %dma_start3A_839, %dma_start3A_840] : memref<2x128x128xf32, #tpu.memory_space<vmem>> -> memref<1x128x128xf32, #tpu.memory_space<vmem>>
    %dma_start3A_842 = tpu.memref_squeeze %dma_start3A_841 : memref<1x128x128xf32, #tpu.memory_space<vmem>> -> memref<128x128xf32, #tpu.memory_space<vmem>>
    %dma_start3A_843 = arith.constant 0 : i32
    %dma_start3A_844 = tpu.memref_slice %arg6[%dma_start3A_837, %dma_start3A_843] : memref<4x128xi32, #tpu.memory_space<vmem>> -> memref<1x128xi32, #tpu.memory_space<vmem>>
    %dma_start3A_845 = tpu.memref_squeeze %dma_start3A_844 : memref<1x128xi32, #tpu.memory_space<vmem>> -> memref<128xi32, #tpu.memory_space<vmem>>
    %dma_start3A_846 = arith.constant 0 : i32
    %dma_start3A_847 = arith.constant 0 : i32
    %dma_start3A_848 = tpu.memref_slice %arg2[%dma_start3A_846, %dma_start3A_847] : memref<100000x128xf32, #tpu.memory_space<hbm>> -> memref<100000x128xf32, #tpu.memory_space<hbm>>
    tpu.enqueue_indirect_dma source(%dma_start3A_848 : memref<100000x128xf32, #tpu.memory_space<hbm>>) target(%dma_start3A_842 : memref<128x128xf32, #tpu.memory_space<vmem>>) offsets(%dma_start3A_845 : memref<128xi32, #tpu.memory_space<vmem>>) semaphore(%arg13 : memref<!tpu.dma_semaphore, #tpu.memory_space<semaphore_mem>>)
    %dma_wait3A_849 = arith.constant 1 : i32
    %dma_wait3A_850 = arith.constant 1 : i32
    %dma_wait3A_851 = arith.constant 1 : i32
    %dma_wait3A_852 = arith.constant 0 : i32
    %dma_wait3A_853 = arith.constant 0 : i32
    %dma_wait3A_854 = tpu.memref_slice %arg9[%dma_wait3A_851, %dma_wait3A_852, %dma_wait3A_853] : memref<2x128x128xf32, #tpu.memory_space<vmem>> -> memref<1x128x128xf32, #tpu.memory_space<vmem>>
    %dma_wait3A_855 = tpu.memref_squeeze %dma_wait3A_854 : memref<1x128x128xf32, #tpu.memory_space<vmem>> -> memref<128x128xf32, #tpu.memory_space<vmem>>
    %dma_wait3A_856 = arith.constant 0 : i32
    %dma_wait3A_857 = tpu.memref_slice %arg7[%dma_wait3A_849, %dma_wait3A_850, %dma_wait3A_856] : memref<10x4x128xi32, #tpu.memory_space<vmem>> -> memref<1x1x128xi32, #tpu.memory_space<vmem>>
    %dma_wait3A_858 = tpu.memref_squeeze %dma_wait3A_857 : memref<1x1x128xi32, #tpu.memory_space<vmem>> -> memref<128xi32, #tpu.memory_space<vmem>>
    %dma_wait3A_859 = arith.constant 0 : i32
    %dma_wait3A_860 = arith.constant 0 : i32
    %dma_wait3A_861 = tpu.memref_slice %arg2[%dma_wait3A_859, %dma_wait3A_860] : memref<100000x128xf32, #tpu.memory_space<hbm>> -> memref<100000x128xf32, #tpu.memory_space<hbm>>
    tpu.wait_indirect_dma semaphore(%arg12 : memref<!tpu.dma_semaphore, #tpu.memory_space<semaphore_mem>>) src(%dma_wait3A_861 : memref<100000x128xf32, #tpu.memory_space<hbm>>) dst(%dma_wait3A_855 : memref<128x128xf32, #tpu.memory_space<vmem>>)
    %dma_wait3A_862 = arith.constant 2 : i32
    %dma_wait3A_863 = arith.constant 1 : i32
    %dma_wait3A_864 = arith.constant 1 : i32
    %dma_wait3A_865 = arith.constant 0 : i32
    %dma_wait3A_866 = arith.constant 0 : i32
    %dma_wait3A_867 = tpu.memref_slice %arg9[%dma_wait3A_864, %dma_wait3A_865, %dma_wait3A_866] : memref<2x128x128xf32, #tpu.memory_space<vmem>> -> memref<1x128x128xf32, #tpu.memory_space<vmem>>
    %dma_wait3A_868 = tpu.memref_squeeze %dma_wait3A_867 : memref<1x128x128xf32, #tpu.memory_space<vmem>> -> memref<128x128xf32, #tpu.memory_space<vmem>>
    %dma_wait3A_869 = arith.constant 0 : i32
    %dma_wait3A_870 = tpu.memref_slice %arg7[%dma_wait3A_862, %dma_wait3A_863, %dma_wait3A_869] : memref<10x4x128xi32, #tpu.memory_space<vmem>> -> memref<1x1x128xi32, #tpu.memory_space<vmem>>
    %dma_wait3A_871 = tpu.memref_squeeze %dma_wait3A_870 : memref<1x1x128xi32, #tpu.memory_space<vmem>> -> memref<128xi32, #tpu.memory_space<vmem>>
    %dma_wait3A_872 = arith.constant 0 : i32
    %dma_wait3A_873 = arith.constant 0 : i32
    %dma_wait3A_874 = tpu.memref_slice %arg2[%dma_wait3A_872, %dma_wait3A_873] : memref<100000x128xf32, #tpu.memory_space<hbm>> -> memref<100000x128xf32, #tpu.memory_space<hbm>>
    tpu.wait_indirect_dma semaphore(%arg12 : memref<!tpu.dma_semaphore, #tpu.memory_space<semaphore_mem>>) src(%dma_wait3A_874 : memref<100000x128xf32, #tpu.memory_space<hbm>>) dst(%dma_wait3A_868 : memref<128x128xf32, #tpu.memory_space<vmem>>)
    %dma_wait3A_875 = arith.constant 3 : i32
    %dma_wait3A_876 = arith.constant 1 : i32
    %dma_wait3A_877 = arith.constant 1 : i32
    %dma_wait3A_878 = arith.constant 0 : i32
    %dma_wait3A_879 = arith.constant 0 : i32
    %dma_wait3A_880 = tpu.memref_slice %arg9[%dma_wait3A_877, %dma_wait3A_878, %dma_wait3A_879] : memref<2x128x128xf32, #tpu.memory_space<vmem>> -> memref<1x128x128xf32, #tpu.memory_space<vmem>>
    %dma_wait3A_881 = tpu.memref_squeeze %dma_wait3A_880 : memref<1x128x128xf32, #tpu.memory_space<vmem>> -> memref<128x128xf32, #tpu.memory_space<vmem>>
    %dma_wait3A_882 = arith.constant 0 : i32
    %dma_wait3A_883 = tpu.memref_slice %arg7[%dma_wait3A_875, %dma_wait3A_876, %dma_wait3A_882] : memref<10x4x128xi32, #tpu.memory_space<vmem>> -> memref<1x1x128xi32, #tpu.memory_space<vmem>>
    %dma_wait3A_884 = tpu.memref_squeeze %dma_wait3A_883 : memref<1x1x128xi32, #tpu.memory_space<vmem>> -> memref<128xi32, #tpu.memory_space<vmem>>
    %dma_wait3A_885 = arith.constant 0 : i32
    %dma_wait3A_886 = arith.constant 0 : i32
    %dma_wait3A_887 = tpu.memref_slice %arg2[%dma_wait3A_885, %dma_wait3A_886] : memref<100000x128xf32, #tpu.memory_space<hbm>> -> memref<100000x128xf32, #tpu.memory_space<hbm>>
    tpu.wait_indirect_dma semaphore(%arg12 : memref<!tpu.dma_semaphore, #tpu.memory_space<semaphore_mem>>) src(%dma_wait3A_887 : memref<100000x128xf32, #tpu.memory_space<hbm>>) dst(%dma_wait3A_881 : memref<128x128xf32, #tpu.memory_space<vmem>>)
    %dma_wait3A_888 = arith.constant 4 : i32
    %dma_wait3A_889 = arith.constant 1 : i32
    %dma_wait3A_890 = arith.constant 1 : i32
    %dma_wait3A_891 = arith.constant 0 : i32
    %dma_wait3A_892 = arith.constant 0 : i32
    %dma_wait3A_893 = tpu.memref_slice %arg9[%dma_wait3A_890, %dma_wait3A_891, %dma_wait3A_892] : memref<2x128x128xf32, #tpu.memory_space<vmem>> -> memref<1x128x128xf32, #tpu.memory_space<vmem>>
    %dma_wait3A_894 = tpu.memref_squeeze %dma_wait3A_893 : memref<1x128x128xf32, #tpu.memory_space<vmem>> -> memref<128x128xf32, #tpu.memory_space<vmem>>
    %dma_wait3A_895 = arith.constant 0 : i32
    %dma_wait3A_896 = tpu.memref_slice %arg7[%dma_wait3A_888, %dma_wait3A_889, %dma_wait3A_895] : memref<10x4x128xi32, #tpu.memory_space<vmem>> -> memref<1x1x128xi32, #tpu.memory_space<vmem>>
    %dma_wait3A_897 = tpu.memref_squeeze %dma_wait3A_896 : memref<1x1x128xi32, #tpu.memory_space<vmem>> -> memref<128xi32, #tpu.memory_space<vmem>>
    %dma_wait3A_898 = arith.constant 0 : i32
    %dma_wait3A_899 = arith.constant 0 : i32
    %dma_wait3A_900 = tpu.memref_slice %arg2[%dma_wait3A_898, %dma_wait3A_899] : memref<100000x128xf32, #tpu.memory_space<hbm>> -> memref<100000x128xf32, #tpu.memory_space<hbm>>
    tpu.wait_indirect_dma semaphore(%arg12 : memref<!tpu.dma_semaphore, #tpu.memory_space<semaphore_mem>>) src(%dma_wait3A_900 : memref<100000x128xf32, #tpu.memory_space<hbm>>) dst(%dma_wait3A_894 : memref<128x128xf32, #tpu.memory_space<vmem>>)
    %dma_wait3A_901 = arith.constant 5 : i32
    %dma_wait3A_902 = arith.constant 1 : i32
    %dma_wait3A_903 = arith.constant 1 : i32
    %dma_wait3A_904 = arith.constant 0 : i32
    %dma_wait3A_905 = arith.constant 0 : i32
    %dma_wait3A_906 = tpu.memref_slice %arg9[%dma_wait3A_903, %dma_wait3A_904, %dma_wait3A_905] : memref<2x128x128xf32, #tpu.memory_space<vmem>> -> memref<1x128x128xf32, #tpu.memory_space<vmem>>
    %dma_wait3A_907 = tpu.memref_squeeze %dma_wait3A_906 : memref<1x128x128xf32, #tpu.memory_space<vmem>> -> memref<128x128xf32, #tpu.memory_space<vmem>>
    %dma_wait3A_908 = arith.constant 0 : i32
    %dma_wait3A_909 = tpu.memref_slice %arg7[%dma_wait3A_901, %dma_wait3A_902, %dma_wait3A_908] : memref<10x4x128xi32, #tpu.memory_space<vmem>> -> memref<1x1x128xi32, #tpu.memory_space<vmem>>
    %dma_wait3A_910 = tpu.memref_squeeze %dma_wait3A_909 : memref<1x1x128xi32, #tpu.memory_space<vmem>> -> memref<128xi32, #tpu.memory_space<vmem>>
    %dma_wait3A_911 = arith.constant 0 : i32
    %dma_wait3A_912 = arith.constant 0 : i32
    %dma_wait3A_913 = tpu.memref_slice %arg2[%dma_wait3A_911, %dma_wait3A_912] : memref<100000x128xf32, #tpu.memory_space<hbm>> -> memref<100000x128xf32, #tpu.memory_space<hbm>>
    tpu.wait_indirect_dma semaphore(%arg12 : memref<!tpu.dma_semaphore, #tpu.memory_space<semaphore_mem>>) src(%dma_wait3A_913 : memref<100000x128xf32, #tpu.memory_space<hbm>>) dst(%dma_wait3A_907 : memref<128x128xf32, #tpu.memory_space<vmem>>)
    %dma_wait3A_914 = arith.constant 6 : i32
    %dma_wait3A_915 = arith.constant 1 : i32
    %dma_wait3A_916 = arith.constant 1 : i32
    %dma_wait3A_917 = arith.constant 0 : i32
    %dma_wait3A_918 = arith.constant 0 : i32
    %dma_wait3A_919 = tpu.memref_slice %arg9[%dma_wait3A_916, %dma_wait3A_917, %dma_wait3A_918] : memref<2x128x128xf32, #tpu.memory_space<vmem>> -> memref<1x128x128xf32, #tpu.memory_space<vmem>>
    %dma_wait3A_920 = tpu.memref_squeeze %dma_wait3A_919 : memref<1x128x128xf32, #tpu.memory_space<vmem>> -> memref<128x128xf32, #tpu.memory_space<vmem>>
    %dma_wait3A_921 = arith.constant 0 : i32
    %dma_wait3A_922 = tpu.memref_slice %arg7[%dma_wait3A_914, %dma_wait3A_915, %dma_wait3A_921] : memref<10x4x128xi32, #tpu.memory_space<vmem>> -> memref<1x1x128xi32, #tpu.memory_space<vmem>>
    %dma_wait3A_923 = tpu.memref_squeeze %dma_wait3A_922 : memref<1x1x128xi32, #tpu.memory_space<vmem>> -> memref<128xi32, #tpu.memory_space<vmem>>
    %dma_wait3A_924 = arith.constant 0 : i32
    %dma_wait3A_925 = arith.constant 0 : i32
    %dma_wait3A_926 = tpu.memref_slice %arg2[%dma_wait3A_924, %dma_wait3A_925] : memref<100000x128xf32, #tpu.memory_space<hbm>> -> memref<100000x128xf32, #tpu.memory_space<hbm>>
    tpu.wait_indirect_dma semaphore(%arg12 : memref<!tpu.dma_semaphore, #tpu.memory_space<semaphore_mem>>) src(%dma_wait3A_926 : memref<100000x128xf32, #tpu.memory_space<hbm>>) dst(%dma_wait3A_920 : memref<128x128xf32, #tpu.memory_space<vmem>>)
    %dma_wait3A_927 = arith.constant 7 : i32
    %dma_wait3A_928 = arith.constant 1 : i32
    %dma_wait3A_929 = arith.constant 1 : i32
    %dma_wait3A_930 = arith.constant 0 : i32
    %dma_wait3A_931 = arith.constant 0 : i32
    %dma_wait3A_932 = tpu.memref_slice %arg9[%dma_wait3A_929, %dma_wait3A_930, %dma_wait3A_931] : memref<2x128x128xf32, #tpu.memory_space<vmem>> -> memref<1x128x128xf32, #tpu.memory_space<vmem>>
    %dma_wait3A_933 = tpu.memref_squeeze %dma_wait3A_932 : memref<1x128x128xf32, #tpu.memory_space<vmem>> -> memref<128x128xf32, #tpu.memory_space<vmem>>
    %dma_wait3A_934 = arith.constant 0 : i32
    %dma_wait3A_935 = tpu.memref_slice %arg7[%dma_wait3A_927, %dma_wait3A_928, %dma_wait3A_934] : memref<10x4x128xi32, #tpu.memory_space<vmem>> -> memref<1x1x128xi32, #tpu.memory_space<vmem>>
    %dma_wait3A_936 = tpu.memref_squeeze %dma_wait3A_935 : memref<1x1x128xi32, #tpu.memory_space<vmem>> -> memref<128xi32, #tpu.memory_space<vmem>>
    %dma_wait3A_937 = arith.constant 0 : i32
    %dma_wait3A_938 = arith.constant 0 : i32
    %dma_wait3A_939 = tpu.memref_slice %arg2[%dma_wait3A_937, %dma_wait3A_938] : memref<100000x128xf32, #tpu.memory_space<hbm>> -> memref<100000x128xf32, #tpu.memory_space<hbm>>
    tpu.wait_indirect_dma semaphore(%arg12 : memref<!tpu.dma_semaphore, #tpu.memory_space<semaphore_mem>>) src(%dma_wait3A_939 : memref<100000x128xf32, #tpu.memory_space<hbm>>) dst(%dma_wait3A_933 : memref<128x128xf32, #tpu.memory_space<vmem>>)
    %dma_wait3A_940 = arith.constant 8 : i32
    %dma_wait3A_941 = arith.constant 1 : i32
    %dma_wait3A_942 = arith.constant 1 : i32
    %dma_wait3A_943 = arith.constant 0 : i32
    %dma_wait3A_944 = arith.constant 0 : i32
    %dma_wait3A_945 = tpu.memref_slice %arg9[%dma_wait3A_942, %dma_wait3A_943, %dma_wait3A_944] : memref<2x128x128xf32, #tpu.memory_space<vmem>> -> memref<1x128x128xf32, #tpu.memory_space<vmem>>
    %dma_wait3A_946 = tpu.memref_squeeze %dma_wait3A_945 : memref<1x128x128xf32, #tpu.memory_space<vmem>> -> memref<128x128xf32, #tpu.memory_space<vmem>>
    %dma_wait3A_947 = arith.constant 0 : i32
    %dma_wait3A_948 = tpu.memref_slice %arg7[%dma_wait3A_940, %dma_wait3A_941, %dma_wait3A_947] : memref<10x4x128xi32, #tpu.memory_space<vmem>> -> memref<1x1x128xi32, #tpu.memory_space<vmem>>
    %dma_wait3A_949 = tpu.memref_squeeze %dma_wait3A_948 : memref<1x1x128xi32, #tpu.memory_space<vmem>> -> memref<128xi32, #tpu.memory_space<vmem>>
    %dma_wait3A_950 = arith.constant 0 : i32
    %dma_wait3A_951 = arith.constant 0 : i32
    %dma_wait3A_952 = tpu.memref_slice %arg2[%dma_wait3A_950, %dma_wait3A_951] : memref<100000x128xf32, #tpu.memory_space<hbm>> -> memref<100000x128xf32, #tpu.memory_space<hbm>>
    tpu.wait_indirect_dma semaphore(%arg12 : memref<!tpu.dma_semaphore, #tpu.memory_space<semaphore_mem>>) src(%dma_wait3A_952 : memref<100000x128xf32, #tpu.memory_space<hbm>>) dst(%dma_wait3A_946 : memref<128x128xf32, #tpu.memory_space<vmem>>)
    %dma_wait3A_953 = arith.constant 9 : i32
    %dma_wait3A_954 = arith.constant 1 : i32
    %dma_wait3A_955 = arith.constant 1 : i32
    %dma_wait3A_956 = arith.constant 0 : i32
    %dma_wait3A_957 = arith.constant 0 : i32
    %dma_wait3A_958 = tpu.memref_slice %arg9[%dma_wait3A_955, %dma_wait3A_956, %dma_wait3A_957] : memref<2x128x128xf32, #tpu.memory_space<vmem>> -> memref<1x128x128xf32, #tpu.memory_space<vmem>>
    %dma_wait3A_959 = tpu.memref_squeeze %dma_wait3A_958 : memref<1x128x128xf32, #tpu.memory_space<vmem>> -> memref<128x128xf32, #tpu.memory_space<vmem>>
    %dma_wait3A_960 = arith.constant 0 : i32
    %dma_wait3A_961 = tpu.memref_slice %arg7[%dma_wait3A_953, %dma_wait3A_954, %dma_wait3A_960] : memref<10x4x128xi32, #tpu.memory_space<vmem>> -> memref<1x1x128xi32, #tpu.memory_space<vmem>>
    %dma_wait3A_962 = tpu.memref_squeeze %dma_wait3A_961 : memref<1x1x128xi32, #tpu.memory_space<vmem>> -> memref<128xi32, #tpu.memory_space<vmem>>
    %dma_wait3A_963 = arith.constant 0 : i32
    %dma_wait3A_964 = arith.constant 0 : i32
    %dma_wait3A_965 = tpu.memref_slice %arg2[%dma_wait3A_963, %dma_wait3A_964] : memref<100000x128xf32, #tpu.memory_space<hbm>> -> memref<100000x128xf32, #tpu.memory_space<hbm>>
    tpu.wait_indirect_dma semaphore(%arg12 : memref<!tpu.dma_semaphore, #tpu.memory_space<semaphore_mem>>) src(%dma_wait3A_965 : memref<100000x128xf32, #tpu.memory_space<hbm>>) dst(%dma_wait3A_959 : memref<128x128xf32, #tpu.memory_space<vmem>>)
    %dma_wait3A_966 = arith.constant 1 : i32
    %dma_wait3A_967 = arith.constant 1 : i32
    %dma_wait3A_968 = arith.constant 0 : i32
    %dma_wait3A_969 = arith.constant 0 : i32
    %dma_wait3A_970 = tpu.memref_slice %arg8[%dma_wait3A_967, %dma_wait3A_968, %dma_wait3A_969] : memref<2x128x128xf32, #tpu.memory_space<vmem>> -> memref<1x128x128xf32, #tpu.memory_space<vmem>>
    %dma_wait3A_971 = tpu.memref_squeeze %dma_wait3A_970 : memref<1x128x128xf32, #tpu.memory_space<vmem>> -> memref<128x128xf32, #tpu.memory_space<vmem>>
    %dma_wait3A_972 = arith.constant 0 : i32
    %dma_wait3A_973 = tpu.memref_slice %arg6[%dma_wait3A_966, %dma_wait3A_972] : memref<4x128xi32, #tpu.memory_space<vmem>> -> memref<1x128xi32, #tpu.memory_space<vmem>>
    %dma_wait3A_974 = tpu.memref_squeeze %dma_wait3A_973 : memref<1x128xi32, #tpu.memory_space<vmem>> -> memref<128xi32, #tpu.memory_space<vmem>>
    %dma_wait3A_975 = arith.constant 0 : i32
    %dma_wait3A_976 = arith.constant 0 : i32
    %dma_wait3A_977 = tpu.memref_slice %arg2[%dma_wait3A_975, %dma_wait3A_976] : memref<100000x128xf32, #tpu.memory_space<hbm>> -> memref<100000x128xf32, #tpu.memory_space<hbm>>
    tpu.wait_indirect_dma semaphore(%arg14 : memref<!tpu.dma_semaphore, #tpu.memory_space<semaphore_mem>>) src(%dma_wait3A_977 : memref<100000x128xf32, #tpu.memory_space<hbm>>) dst(%dma_wait3A_971 : memref<128x128xf32, #tpu.memory_space<vmem>>)
    %add3A_978 = arith.constant 1 : i32
    %add3A_979 = arith.addi %mul3A_2, %add3A_978 : i32
    %mul3A_980 = arith.constant 128 : i32
    %mul3A_981 = arith.muli %add3A_979, %mul3A_980 : i32
    %dma_start3A_982 = arith.constant 1 : i32
    %dma_start3A_983 = arith.constant 0 : i32
    %dma_start3A_984 = arith.constant 0 : i32
    %dma_start3A_985 = tpu.memref_slice %arg8[%dma_start3A_982, %dma_start3A_983, %dma_start3A_984] : memref<2x128x128xf32, #tpu.memory_space<vmem>> -> memref<1x128x128xf32, #tpu.memory_space<vmem>>
    %dma_start3A_986 = tpu.memref_squeeze %dma_start3A_985 : memref<1x128x128xf32, #tpu.memory_space<vmem>> -> memref<128x128xf32, #tpu.memory_space<vmem>>
    %dma_start3A_987 = arith.constant 0 : i32
    %dma_start3A_988 = tpu.memref_slice %arg5[%mul3A_981, %dma_start3A_987] : memref<16384x256xf32, #tpu.memory_space<hbm>> -> memref<128x128xf32, #tpu.memory_space<hbm>>
    %dma_start3A_989 = arith.constant 0 : i32
    %dma_start3A_990 = tpu.memref_slice %arg5[%mul3A_981, %dma_start3A_989] : memref<16384x256xf32, #tpu.memory_space<hbm>> -> memref<128x128xf32, #tpu.memory_space<hbm>>
    %dma_start3A_991 = arith.constant 0 : i32
    %dma_start3A_992 = arith.constant 0 : i32
    %dma_start3A_993 = tpu.memref_slice %arg8[%dma_start3A_982, %dma_start3A_991, %dma_start3A_992] : memref<2x128x128xf32, #tpu.memory_space<vmem>> -> memref<1x128x128xf32, #tpu.memory_space<vmem>>
    %dma_start3A_994 = tpu.memref_squeeze %dma_start3A_993 : memref<1x128x128xf32, #tpu.memory_space<vmem>> -> memref<128x128xf32, #tpu.memory_space<vmem>>
    tpu.enqueue_dma source(%dma_start3A_994 : memref<128x128xf32, #tpu.memory_space<vmem>>) target(%dma_start3A_990 : memref<128x128xf32, #tpu.memory_space<hbm>>) target_semaphore(%arg16 : memref<!tpu.dma_semaphore, #tpu.memory_space<semaphore_mem>>)
    %dma_start3A_995 = arith.constant 1 : i32
    %dma_start3A_996 = arith.constant 0 : i32
    %dma_start3A_997 = arith.constant 0 : i32
    %dma_start3A_998 = tpu.memref_slice %arg9[%dma_start3A_995, %dma_start3A_996, %dma_start3A_997] : memref<2x128x128xf32, #tpu.memory_space<vmem>> -> memref<1x128x128xf32, #tpu.memory_space<vmem>>
    %dma_start3A_999 = tpu.memref_squeeze %dma_start3A_998 : memref<1x128x128xf32, #tpu.memory_space<vmem>> -> memref<128x128xf32, #tpu.memory_space<vmem>>
    %dma_start3A_1000 = arith.constant 128 : i32
    %dma_start3A_1001 = tpu.memref_slice %arg5[%mul3A_981, %dma_start3A_1000] : memref<16384x256xf32, #tpu.memory_space<hbm>> -> memref<128x128xf32, #tpu.memory_space<hbm>>
    %dma_start3A_1002 = arith.constant 128 : i32
    %dma_start3A_1003 = tpu.memref_slice %arg5[%mul3A_981, %dma_start3A_1002] : memref<16384x256xf32, #tpu.memory_space<hbm>> -> memref<128x128xf32, #tpu.memory_space<hbm>>
    %dma_start3A_1004 = arith.constant 0 : i32
    %dma_start3A_1005 = arith.constant 0 : i32
    %dma_start3A_1006 = tpu.memref_slice %arg9[%dma_start3A_995, %dma_start3A_1004, %dma_start3A_1005] : memref<2x128x128xf32, #tpu.memory_space<vmem>> -> memref<1x128x128xf32, #tpu.memory_space<vmem>>
    %dma_start3A_1007 = tpu.memref_squeeze %dma_start3A_1006 : memref<1x128x128xf32, #tpu.memory_space<vmem>> -> memref<128x128xf32, #tpu.memory_space<vmem>>
    tpu.enqueue_dma source(%dma_start3A_1007 : memref<128x128xf32, #tpu.memory_space<vmem>>) target(%dma_start3A_1003 : memref<128x128xf32, #tpu.memory_space<hbm>>) target_semaphore(%arg16 : memref<!tpu.dma_semaphore, #tpu.memory_space<semaphore_mem>>)
    %dma_wait3A_1008 = arith.constant 0 : i32
    %dma_wait3A_1009 = arith.constant 2 : i32
    %dma_wait3A_1010 = arith.constant 0 : i32
    %dma_wait3A_1011 = arith.constant 0 : i32
    %dma_wait3A_1012 = arith.constant 0 : i32
    %dma_wait3A_1013 = tpu.memref_slice %arg9[%dma_wait3A_1010, %dma_wait3A_1011, %dma_wait3A_1012] : memref<2x128x128xf32, #tpu.memory_space<vmem>> -> memref<1x128x128xf32, #tpu.memory_space<vmem>>
    %dma_wait3A_1014 = tpu.memref_squeeze %dma_wait3A_1013 : memref<1x128x128xf32, #tpu.memory_space<vmem>> -> memref<128x128xf32, #tpu.memory_space<vmem>>
    %dma_wait3A_1015 = arith.constant 0 : i32
    %dma_wait3A_1016 = tpu.memref_slice %arg7[%dma_wait3A_1008, %dma_wait3A_1009, %dma_wait3A_1015] : memref<10x4x128xi32, #tpu.memory_space<vmem>> -> memref<1x1x128xi32, #tpu.memory_space<vmem>>
    %dma_wait3A_1017 = tpu.memref_squeeze %dma_wait3A_1016 : memref<1x1x128xi32, #tpu.memory_space<vmem>> -> memref<128xi32, #tpu.memory_space<vmem>>
    %dma_wait3A_1018 = arith.constant 0 : i32
    %dma_wait3A_1019 = arith.constant 0 : i32
    %dma_wait3A_1020 = tpu.memref_slice %arg2[%dma_wait3A_1018, %dma_wait3A_1019] : memref<100000x128xf32, #tpu.memory_space<hbm>> -> memref<100000x128xf32, #tpu.memory_space<hbm>>
    tpu.wait_indirect_dma semaphore(%arg11 : memref<!tpu.dma_semaphore, #tpu.memory_space<semaphore_mem>>) src(%dma_wait3A_1020 : memref<100000x128xf32, #tpu.memory_space<hbm>>) dst(%dma_wait3A_1014 : memref<128x128xf32, #tpu.memory_space<vmem>>)
    %dma_start3A_1021 = arith.constant 1 : i32
    %dma_start3A_1022 = arith.constant 2 : i32
    %dma_start3A_1023 = arith.constant 0 : i32
    %dma_start3A_1024 = arith.constant 0 : i32
    %dma_start3A_1025 = arith.constant 0 : i32
    %dma_start3A_1026 = tpu.memref_slice %arg9[%dma_start3A_1023, %dma_start3A_1024, %dma_start3A_1025] : memref<2x128x128xf32, #tpu.memory_space<vmem>> -> memref<1x128x128xf32, #tpu.memory_space<vmem>>
    %dma_start3A_1027 = tpu.memref_squeeze %dma_start3A_1026 : memref<1x128x128xf32, #tpu.memory_space<vmem>> -> memref<128x128xf32, #tpu.memory_space<vmem>>
    %dma_start3A_1028 = arith.constant 0 : i32
    %dma_start3A_1029 = tpu.memref_slice %arg7[%dma_start3A_1021, %dma_start3A_1022, %dma_start3A_1028] : memref<10x4x128xi32, #tpu.memory_space<vmem>> -> memref<1x1x128xi32, #tpu.memory_space<vmem>>
    %dma_start3A_1030 = tpu.memref_squeeze %dma_start3A_1029 : memref<1x1x128xi32, #tpu.memory_space<vmem>> -> memref<128xi32, #tpu.memory_space<vmem>>
    %dma_start3A_1031 = arith.constant 0 : i32
    %dma_start3A_1032 = arith.constant 0 : i32
    %dma_start3A_1033 = tpu.memref_slice %arg2[%dma_start3A_1031, %dma_start3A_1032] : memref<100000x128xf32, #tpu.memory_space<hbm>> -> memref<100000x128xf32, #tpu.memory_space<hbm>>
    tpu.enqueue_indirect_dma source(%dma_start3A_1033 : memref<100000x128xf32, #tpu.memory_space<hbm>>) target(%dma_start3A_1027 : memref<128x128xf32, #tpu.memory_space<vmem>>) offsets(%dma_start3A_1030 : memref<128xi32, #tpu.memory_space<vmem>>) semaphore(%arg11 : memref<!tpu.dma_semaphore, #tpu.memory_space<semaphore_mem>>) {add = true}
    %dma_start3A_1034 = arith.constant 2 : i32
    %dma_start3A_1035 = arith.constant 2 : i32
    %dma_start3A_1036 = arith.constant 0 : i32
    %dma_start3A_1037 = arith.constant 0 : i32
    %dma_start3A_1038 = arith.constant 0 : i32
    %dma_start3A_1039 = tpu.memref_slice %arg9[%dma_start3A_1036, %dma_start3A_1037, %dma_start3A_1038] : memref<2x128x128xf32, #tpu.memory_space<vmem>> -> memref<1x128x128xf32, #tpu.memory_space<vmem>>
    %dma_start3A_1040 = tpu.memref_squeeze %dma_start3A_1039 : memref<1x128x128xf32, #tpu.memory_space<vmem>> -> memref<128x128xf32, #tpu.memory_space<vmem>>
    %dma_start3A_1041 = arith.constant 0 : i32
    %dma_start3A_1042 = tpu.memref_slice %arg7[%dma_start3A_1034, %dma_start3A_1035, %dma_start3A_1041] : memref<10x4x128xi32, #tpu.memory_space<vmem>> -> memref<1x1x128xi32, #tpu.memory_space<vmem>>
    %dma_start3A_1043 = tpu.memref_squeeze %dma_start3A_1042 : memref<1x1x128xi32, #tpu.memory_space<vmem>> -> memref<128xi32, #tpu.memory_space<vmem>>
    %dma_start3A_1044 = arith.constant 0 : i32
    %dma_start3A_1045 = arith.constant 0 : i32
    %dma_start3A_1046 = tpu.memref_slice %arg2[%dma_start3A_1044, %dma_start3A_1045] : memref<100000x128xf32, #tpu.memory_space<hbm>> -> memref<100000x128xf32, #tpu.memory_space<hbm>>
    tpu.enqueue_indirect_dma source(%dma_start3A_1046 : memref<100000x128xf32, #tpu.memory_space<hbm>>) target(%dma_start3A_1040 : memref<128x128xf32, #tpu.memory_space<vmem>>) offsets(%dma_start3A_1043 : memref<128xi32, #tpu.memory_space<vmem>>) semaphore(%arg11 : memref<!tpu.dma_semaphore, #tpu.memory_space<semaphore_mem>>) {add = true}
    %dma_start3A_1047 = arith.constant 3 : i32
    %dma_start3A_1048 = arith.constant 2 : i32
    %dma_start3A_1049 = arith.constant 0 : i32
    %dma_start3A_1050 = arith.constant 0 : i32
    %dma_start3A_1051 = arith.constant 0 : i32
    %dma_start3A_1052 = tpu.memref_slice %arg9[%dma_start3A_1049, %dma_start3A_1050, %dma_start3A_1051] : memref<2x128x128xf32, #tpu.memory_space<vmem>> -> memref<1x128x128xf32, #tpu.memory_space<vmem>>
    %dma_start3A_1053 = tpu.memref_squeeze %dma_start3A_1052 : memref<1x128x128xf32, #tpu.memory_space<vmem>> -> memref<128x128xf32, #tpu.memory_space<vmem>>
    %dma_start3A_1054 = arith.constant 0 : i32
    %dma_start3A_1055 = tpu.memref_slice %arg7[%dma_start3A_1047, %dma_start3A_1048, %dma_start3A_1054] : memref<10x4x128xi32, #tpu.memory_space<vmem>> -> memref<1x1x128xi32, #tpu.memory_space<vmem>>
    %dma_start3A_1056 = tpu.memref_squeeze %dma_start3A_1055 : memref<1x1x128xi32, #tpu.memory_space<vmem>> -> memref<128xi32, #tpu.memory_space<vmem>>
    %dma_start3A_1057 = arith.constant 0 : i32
    %dma_start3A_1058 = arith.constant 0 : i32
    %dma_start3A_1059 = tpu.memref_slice %arg2[%dma_start3A_1057, %dma_start3A_1058] : memref<100000x128xf32, #tpu.memory_space<hbm>> -> memref<100000x128xf32, #tpu.memory_space<hbm>>
    tpu.enqueue_indirect_dma source(%dma_start3A_1059 : memref<100000x128xf32, #tpu.memory_space<hbm>>) target(%dma_start3A_1053 : memref<128x128xf32, #tpu.memory_space<vmem>>) offsets(%dma_start3A_1056 : memref<128xi32, #tpu.memory_space<vmem>>) semaphore(%arg11 : memref<!tpu.dma_semaphore, #tpu.memory_space<semaphore_mem>>) {add = true}
    %dma_start3A_1060 = arith.constant 4 : i32
    %dma_start3A_1061 = arith.constant 2 : i32
    %dma_start3A_1062 = arith.constant 0 : i32
    %dma_start3A_1063 = arith.constant 0 : i32
    %dma_start3A_1064 = arith.constant 0 : i32
    %dma_start3A_1065 = tpu.memref_slice %arg9[%dma_start3A_1062, %dma_start3A_1063, %dma_start3A_1064] : memref<2x128x128xf32, #tpu.memory_space<vmem>> -> memref<1x128x128xf32, #tpu.memory_space<vmem>>
    %dma_start3A_1066 = tpu.memref_squeeze %dma_start3A_1065 : memref<1x128x128xf32, #tpu.memory_space<vmem>> -> memref<128x128xf32, #tpu.memory_space<vmem>>
    %dma_start3A_1067 = arith.constant 0 : i32
    %dma_start3A_1068 = tpu.memref_slice %arg7[%dma_start3A_1060, %dma_start3A_1061, %dma_start3A_1067] : memref<10x4x128xi32, #tpu.memory_space<vmem>> -> memref<1x1x128xi32, #tpu.memory_space<vmem>>
    %dma_start3A_1069 = tpu.memref_squeeze %dma_start3A_1068 : memref<1x1x128xi32, #tpu.memory_space<vmem>> -> memref<128xi32, #tpu.memory_space<vmem>>
    %dma_start3A_1070 = arith.constant 0 : i32
    %dma_start3A_1071 = arith.constant 0 : i32
    %dma_start3A_1072 = tpu.memref_slice %arg2[%dma_start3A_1070, %dma_start3A_1071] : memref<100000x128xf32, #tpu.memory_space<hbm>> -> memref<100000x128xf32, #tpu.memory_space<hbm>>
    tpu.enqueue_indirect_dma source(%dma_start3A_1072 : memref<100000x128xf32, #tpu.memory_space<hbm>>) target(%dma_start3A_1066 : memref<128x128xf32, #tpu.memory_space<vmem>>) offsets(%dma_start3A_1069 : memref<128xi32, #tpu.memory_space<vmem>>) semaphore(%arg11 : memref<!tpu.dma_semaphore, #tpu.memory_space<semaphore_mem>>) {add = true}
    %dma_start3A_1073 = arith.constant 5 : i32
    %dma_start3A_1074 = arith.constant 2 : i32
    %dma_start3A_1075 = arith.constant 0 : i32
    %dma_start3A_1076 = arith.constant 0 : i32
    %dma_start3A_1077 = arith.constant 0 : i32
    %dma_start3A_1078 = tpu.memref_slice %arg9[%dma_start3A_1075, %dma_start3A_1076, %dma_start3A_1077] : memref<2x128x128xf32, #tpu.memory_space<vmem>> -> memref<1x128x128xf32, #tpu.memory_space<vmem>>
    %dma_start3A_1079 = tpu.memref_squeeze %dma_start3A_1078 : memref<1x128x128xf32, #tpu.memory_space<vmem>> -> memref<128x128xf32, #tpu.memory_space<vmem>>
    %dma_start3A_1080 = arith.constant 0 : i32
    %dma_start3A_1081 = tpu.memref_slice %arg7[%dma_start3A_1073, %dma_start3A_1074, %dma_start3A_1080] : memref<10x4x128xi32, #tpu.memory_space<vmem>> -> memref<1x1x128xi32, #tpu.memory_space<vmem>>
    %dma_start3A_1082 = tpu.memref_squeeze %dma_start3A_1081 : memref<1x1x128xi32, #tpu.memory_space<vmem>> -> memref<128xi32, #tpu.memory_space<vmem>>
    %dma_start3A_1083 = arith.constant 0 : i32
    %dma_start3A_1084 = arith.constant 0 : i32
    %dma_start3A_1085 = tpu.memref_slice %arg2[%dma_start3A_1083, %dma_start3A_1084] : memref<100000x128xf32, #tpu.memory_space<hbm>> -> memref<100000x128xf32, #tpu.memory_space<hbm>>
    tpu.enqueue_indirect_dma source(%dma_start3A_1085 : memref<100000x128xf32, #tpu.memory_space<hbm>>) target(%dma_start3A_1079 : memref<128x128xf32, #tpu.memory_space<vmem>>) offsets(%dma_start3A_1082 : memref<128xi32, #tpu.memory_space<vmem>>) semaphore(%arg11 : memref<!tpu.dma_semaphore, #tpu.memory_space<semaphore_mem>>) {add = true}
    %dma_start3A_1086 = arith.constant 6 : i32
    %dma_start3A_1087 = arith.constant 2 : i32
    %dma_start3A_1088 = arith.constant 0 : i32
    %dma_start3A_1089 = arith.constant 0 : i32
    %dma_start3A_1090 = arith.constant 0 : i32
    %dma_start3A_1091 = tpu.memref_slice %arg9[%dma_start3A_1088, %dma_start3A_1089, %dma_start3A_1090] : memref<2x128x128xf32, #tpu.memory_space<vmem>> -> memref<1x128x128xf32, #tpu.memory_space<vmem>>
    %dma_start3A_1092 = tpu.memref_squeeze %dma_start3A_1091 : memref<1x128x128xf32, #tpu.memory_space<vmem>> -> memref<128x128xf32, #tpu.memory_space<vmem>>
    %dma_start3A_1093 = arith.constant 0 : i32
    %dma_start3A_1094 = tpu.memref_slice %arg7[%dma_start3A_1086, %dma_start3A_1087, %dma_start3A_1093] : memref<10x4x128xi32, #tpu.memory_space<vmem>> -> memref<1x1x128xi32, #tpu.memory_space<vmem>>
    %dma_start3A_1095 = tpu.memref_squeeze %dma_start3A_1094 : memref<1x1x128xi32, #tpu.memory_space<vmem>> -> memref<128xi32, #tpu.memory_space<vmem>>
    %dma_start3A_1096 = arith.constant 0 : i32
    %dma_start3A_1097 = arith.constant 0 : i32
    %dma_start3A_1098 = tpu.memref_slice %arg2[%dma_start3A_1096, %dma_start3A_1097] : memref<100000x128xf32, #tpu.memory_space<hbm>> -> memref<100000x128xf32, #tpu.memory_space<hbm>>
    tpu.enqueue_indirect_dma source(%dma_start3A_1098 : memref<100000x128xf32, #tpu.memory_space<hbm>>) target(%dma_start3A_1092 : memref<128x128xf32, #tpu.memory_space<vmem>>) offsets(%dma_start3A_1095 : memref<128xi32, #tpu.memory_space<vmem>>) semaphore(%arg11 : memref<!tpu.dma_semaphore, #tpu.memory_space<semaphore_mem>>) {add = true}
    %dma_start3A_1099 = arith.constant 7 : i32
    %dma_start3A_1100 = arith.constant 2 : i32
    %dma_start3A_1101 = arith.constant 0 : i32
    %dma_start3A_1102 = arith.constant 0 : i32
    %dma_start3A_1103 = arith.constant 0 : i32
    %dma_start3A_1104 = tpu.memref_slice %arg9[%dma_start3A_1101, %dma_start3A_1102, %dma_start3A_1103] : memref<2x128x128xf32, #tpu.memory_space<vmem>> -> memref<1x128x128xf32, #tpu.memory_space<vmem>>
    %dma_start3A_1105 = tpu.memref_squeeze %dma_start3A_1104 : memref<1x128x128xf32, #tpu.memory_space<vmem>> -> memref<128x128xf32, #tpu.memory_space<vmem>>
    %dma_start3A_1106 = arith.constant 0 : i32
    %dma_start3A_1107 = tpu.memref_slice %arg7[%dma_start3A_1099, %dma_start3A_1100, %dma_start3A_1106] : memref<10x4x128xi32, #tpu.memory_space<vmem>> -> memref<1x1x128xi32, #tpu.memory_space<vmem>>
    %dma_start3A_1108 = tpu.memref_squeeze %dma_start3A_1107 : memref<1x1x128xi32, #tpu.memory_space<vmem>> -> memref<128xi32, #tpu.memory_space<vmem>>
    %dma_start3A_1109 = arith.constant 0 : i32
    %dma_start3A_1110 = arith.constant 0 : i32
    %dma_start3A_1111 = tpu.memref_slice %arg2[%dma_start3A_1109, %dma_start3A_1110] : memref<100000x128xf32, #tpu.memory_space<hbm>> -> memref<100000x128xf32, #tpu.memory_space<hbm>>
    tpu.enqueue_indirect_dma source(%dma_start3A_1111 : memref<100000x128xf32, #tpu.memory_space<hbm>>) target(%dma_start3A_1105 : memref<128x128xf32, #tpu.memory_space<vmem>>) offsets(%dma_start3A_1108 : memref<128xi32, #tpu.memory_space<vmem>>) semaphore(%arg11 : memref<!tpu.dma_semaphore, #tpu.memory_space<semaphore_mem>>) {add = true}
    %dma_start3A_1112 = arith.constant 8 : i32
    %dma_start3A_1113 = arith.constant 2 : i32
    %dma_start3A_1114 = arith.constant 0 : i32
    %dma_start3A_1115 = arith.constant 0 : i32
    %dma_start3A_1116 = arith.constant 0 : i32
    %dma_start3A_1117 = tpu.memref_slice %arg9[%dma_start3A_1114, %dma_start3A_1115, %dma_start3A_1116] : memref<2x128x128xf32, #tpu.memory_space<vmem>> -> memref<1x128x128xf32, #tpu.memory_space<vmem>>
    %dma_start3A_1118 = tpu.memref_squeeze %dma_start3A_1117 : memref<1x128x128xf32, #tpu.memory_space<vmem>> -> memref<128x128xf32, #tpu.memory_space<vmem>>
    %dma_start3A_1119 = arith.constant 0 : i32
    %dma_start3A_1120 = tpu.memref_slice %arg7[%dma_start3A_1112, %dma_start3A_1113, %dma_start3A_1119] : memref<10x4x128xi32, #tpu.memory_space<vmem>> -> memref<1x1x128xi32, #tpu.memory_space<vmem>>
    %dma_start3A_1121 = tpu.memref_squeeze %dma_start3A_1120 : memref<1x1x128xi32, #tpu.memory_space<vmem>> -> memref<128xi32, #tpu.memory_space<vmem>>
    %dma_start3A_1122 = arith.constant 0 : i32
    %dma_start3A_1123 = arith.constant 0 : i32
    %dma_start3A_1124 = tpu.memref_slice %arg2[%dma_start3A_1122, %dma_start3A_1123] : memref<100000x128xf32, #tpu.memory_space<hbm>> -> memref<100000x128xf32, #tpu.memory_space<hbm>>
    tpu.enqueue_indirect_dma source(%dma_start3A_1124 : memref<100000x128xf32, #tpu.memory_space<hbm>>) target(%dma_start3A_1118 : memref<128x128xf32, #tpu.memory_space<vmem>>) offsets(%dma_start3A_1121 : memref<128xi32, #tpu.memory_space<vmem>>) semaphore(%arg11 : memref<!tpu.dma_semaphore, #tpu.memory_space<semaphore_mem>>) {add = true}
    %dma_start3A_1125 = arith.constant 9 : i32
    %dma_start3A_1126 = arith.constant 2 : i32
    %dma_start3A_1127 = arith.constant 0 : i32
    %dma_start3A_1128 = arith.constant 0 : i32
    %dma_start3A_1129 = arith.constant 0 : i32
    %dma_start3A_1130 = tpu.memref_slice %arg9[%dma_start3A_1127, %dma_start3A_1128, %dma_start3A_1129] : memref<2x128x128xf32, #tpu.memory_space<vmem>> -> memref<1x128x128xf32, #tpu.memory_space<vmem>>
    %dma_start3A_1131 = tpu.memref_squeeze %dma_start3A_1130 : memref<1x128x128xf32, #tpu.memory_space<vmem>> -> memref<128x128xf32, #tpu.memory_space<vmem>>
    %dma_start3A_1132 = arith.constant 0 : i32
    %dma_start3A_1133 = tpu.memref_slice %arg7[%dma_start3A_1125, %dma_start3A_1126, %dma_start3A_1132] : memref<10x4x128xi32, #tpu.memory_space<vmem>> -> memref<1x1x128xi32, #tpu.memory_space<vmem>>
    %dma_start3A_1134 = tpu.memref_squeeze %dma_start3A_1133 : memref<1x1x128xi32, #tpu.memory_space<vmem>> -> memref<128xi32, #tpu.memory_space<vmem>>
    %dma_start3A_1135 = arith.constant 0 : i32
    %dma_start3A_1136 = arith.constant 0 : i32
    %dma_start3A_1137 = tpu.memref_slice %arg2[%dma_start3A_1135, %dma_start3A_1136] : memref<100000x128xf32, #tpu.memory_space<hbm>> -> memref<100000x128xf32, #tpu.memory_space<hbm>>
    tpu.enqueue_indirect_dma source(%dma_start3A_1137 : memref<100000x128xf32, #tpu.memory_space<hbm>>) target(%dma_start3A_1131 : memref<128x128xf32, #tpu.memory_space<vmem>>) offsets(%dma_start3A_1134 : memref<128xi32, #tpu.memory_space<vmem>>) semaphore(%arg11 : memref<!tpu.dma_semaphore, #tpu.memory_space<semaphore_mem>>) {add = true}
    %dma_wait3A_1138 = arith.constant 1 : i32
    %dma_wait3A_1139 = arith.constant 0 : i32
    %dma_wait3A_1140 = arith.constant 0 : i32
    %dma_wait3A_1141 = tpu.memref_slice %arg8[%dma_wait3A_1138, %dma_wait3A_1139, %dma_wait3A_1140] : memref<2x128x128xf32, #tpu.memory_space<vmem>> -> memref<1x128x128xf32, #tpu.memory_space<vmem>>
    %dma_wait3A_1142 = tpu.memref_squeeze %dma_wait3A_1141 : memref<1x128x128xf32, #tpu.memory_space<vmem>> -> memref<128x128xf32, #tpu.memory_space<vmem>>
    %dma_wait3A_1143 = arith.constant 0 : i32
    %dma_wait3A_1144 = tpu.memref_slice %arg5[%mul3A_981, %dma_wait3A_1143] : memref<16384x256xf32, #tpu.memory_space<hbm>> -> memref<128x128xf32, #tpu.memory_space<hbm>>
    %dma_wait3A_1145 = arith.constant 0 : i32
    %dma_wait3A_1146 = tpu.memref_slice %arg5[%mul3A_981, %dma_wait3A_1145] : memref<16384x256xf32, #tpu.memory_space<hbm>> -> memref<128x128xf32, #tpu.memory_space<hbm>>
    %dma_wait3A_1147 = arith.constant 0 : i32
    %dma_wait3A_1148 = arith.constant 0 : i32
    %dma_wait3A_1149 = tpu.memref_slice %arg8[%dma_wait3A_1138, %dma_wait3A_1147, %dma_wait3A_1148] : memref<2x128x128xf32, #tpu.memory_space<vmem>> -> memref<1x128x128xf32, #tpu.memory_space<vmem>>
    %dma_wait3A_1150 = tpu.memref_squeeze %dma_wait3A_1149 : memref<1x128x128xf32, #tpu.memory_space<vmem>> -> memref<128x128xf32, #tpu.memory_space<vmem>>
    tpu.wait_dma2 semaphore(%arg16 : memref<!tpu.dma_semaphore, #tpu.memory_space<semaphore_mem>>) src(%dma_wait3A_1150 : memref<128x128xf32, #tpu.memory_space<vmem>>) dst(%dma_wait3A_1146 : memref<128x128xf32, #tpu.memory_space<hbm>>)
    %dma_wait3A_1151 = arith.constant 1 : i32
    %dma_wait3A_1152 = arith.constant 0 : i32
    %dma_wait3A_1153 = arith.constant 0 : i32
    %dma_wait3A_1154 = tpu.memref_slice %arg9[%dma_wait3A_1151, %dma_wait3A_1152, %dma_wait3A_1153] : memref<2x128x128xf32, #tpu.memory_space<vmem>> -> memref<1x128x128xf32, #tpu.memory_space<vmem>>
    %dma_wait3A_1155 = tpu.memref_squeeze %dma_wait3A_1154 : memref<1x128x128xf32, #tpu.memory_space<vmem>> -> memref<128x128xf32, #tpu.memory_space<vmem>>
    %dma_wait3A_1156 = arith.constant 128 : i32
    %dma_wait3A_1157 = tpu.memref_slice %arg5[%mul3A_981, %dma_wait3A_1156] : memref<16384x256xf32, #tpu.memory_space<hbm>> -> memref<128x128xf32, #tpu.memory_space<hbm>>
    %dma_wait3A_1158 = arith.constant 128 : i32
    %dma_wait3A_1159 = tpu.memref_slice %arg5[%mul3A_981, %dma_wait3A_1158] : memref<16384x256xf32, #tpu.memory_space<hbm>> -> memref<128x128xf32, #tpu.memory_space<hbm>>
    %dma_wait3A_1160 = arith.constant 0 : i32
    %dma_wait3A_1161 = arith.constant 0 : i32
    %dma_wait3A_1162 = tpu.memref_slice %arg9[%dma_wait3A_1151, %dma_wait3A_1160, %dma_wait3A_1161] : memref<2x128x128xf32, #tpu.memory_space<vmem>> -> memref<1x128x128xf32, #tpu.memory_space<vmem>>
    %dma_wait3A_1163 = tpu.memref_squeeze %dma_wait3A_1162 : memref<1x128x128xf32, #tpu.memory_space<vmem>> -> memref<128x128xf32, #tpu.memory_space<vmem>>
    tpu.wait_dma2 semaphore(%arg16 : memref<!tpu.dma_semaphore, #tpu.memory_space<semaphore_mem>>) src(%dma_wait3A_1163 : memref<128x128xf32, #tpu.memory_space<vmem>>) dst(%dma_wait3A_1159 : memref<128x128xf32, #tpu.memory_space<hbm>>)
    %dma_start3A_1164 = arith.constant 0 : i32
    %dma_start3A_1165 = arith.constant 3 : i32
    %dma_start3A_1166 = arith.constant 1 : i32
    %dma_start3A_1167 = arith.constant 0 : i32
    %dma_start3A_1168 = arith.constant 0 : i32
    %dma_start3A_1169 = tpu.memref_slice %arg9[%dma_start3A_1166, %dma_start3A_1167, %dma_start3A_1168] : memref<2x128x128xf32, #tpu.memory_space<vmem>> -> memref<1x128x128xf32, #tpu.memory_space<vmem>>
    %dma_start3A_1170 = tpu.memref_squeeze %dma_start3A_1169 : memref<1x128x128xf32, #tpu.memory_space<vmem>> -> memref<128x128xf32, #tpu.memory_space<vmem>>
    %dma_start3A_1171 = arith.constant 0 : i32
    %dma_start3A_1172 = tpu.memref_slice %arg7[%dma_start3A_1164, %dma_start3A_1165, %dma_start3A_1171] : memref<10x4x128xi32, #tpu.memory_space<vmem>> -> memref<1x1x128xi32, #tpu.memory_space<vmem>>
    %dma_start3A_1173 = tpu.memref_squeeze %dma_start3A_1172 : memref<1x1x128xi32, #tpu.memory_space<vmem>> -> memref<128xi32, #tpu.memory_space<vmem>>
    %dma_start3A_1174 = arith.constant 0 : i32
    %dma_start3A_1175 = arith.constant 0 : i32
    %dma_start3A_1176 = tpu.memref_slice %arg2[%dma_start3A_1174, %dma_start3A_1175] : memref<100000x128xf32, #tpu.memory_space<hbm>> -> memref<100000x128xf32, #tpu.memory_space<hbm>>
    tpu.enqueue_indirect_dma source(%dma_start3A_1176 : memref<100000x128xf32, #tpu.memory_space<hbm>>) target(%dma_start3A_1170 : memref<128x128xf32, #tpu.memory_space<vmem>>) offsets(%dma_start3A_1173 : memref<128xi32, #tpu.memory_space<vmem>>) semaphore(%arg12 : memref<!tpu.dma_semaphore, #tpu.memory_space<semaphore_mem>>)
    %dma_start3A_1177 = arith.constant 3 : i32
    %dma_start3A_1178 = arith.constant 1 : i32
    %dma_start3A_1179 = arith.constant 0 : i32
    %dma_start3A_1180 = arith.constant 0 : i32
    %dma_start3A_1181 = tpu.memref_slice %arg8[%dma_start3A_1178, %dma_start3A_1179, %dma_start3A_1180] : memref<2x128x128xf32, #tpu.memory_space<vmem>> -> memref<1x128x128xf32, #tpu.memory_space<vmem>>
    %dma_start3A_1182 = tpu.memref_squeeze %dma_start3A_1181 : memref<1x128x128xf32, #tpu.memory_space<vmem>> -> memref<128x128xf32, #tpu.memory_space<vmem>>
    %dma_start3A_1183 = arith.constant 0 : i32
    %dma_start3A_1184 = tpu.memref_slice %arg6[%dma_start3A_1177, %dma_start3A_1183] : memref<4x128xi32, #tpu.memory_space<vmem>> -> memref<1x128xi32, #tpu.memory_space<vmem>>
    %dma_start3A_1185 = tpu.memref_squeeze %dma_start3A_1184 : memref<1x128xi32, #tpu.memory_space<vmem>> -> memref<128xi32, #tpu.memory_space<vmem>>
    %dma_start3A_1186 = arith.constant 0 : i32
    %dma_start3A_1187 = arith.constant 0 : i32
    %dma_start3A_1188 = tpu.memref_slice %arg2[%dma_start3A_1186, %dma_start3A_1187] : memref<100000x128xf32, #tpu.memory_space<hbm>> -> memref<100000x128xf32, #tpu.memory_space<hbm>>
    tpu.enqueue_indirect_dma source(%dma_start3A_1188 : memref<100000x128xf32, #tpu.memory_space<hbm>>) target(%dma_start3A_1182 : memref<128x128xf32, #tpu.memory_space<vmem>>) offsets(%dma_start3A_1185 : memref<128xi32, #tpu.memory_space<vmem>>) semaphore(%arg14 : memref<!tpu.dma_semaphore, #tpu.memory_space<semaphore_mem>>)
    %dma_wait3A_1189 = arith.constant 1 : i32
    %dma_wait3A_1190 = arith.constant 2 : i32
    %dma_wait3A_1191 = arith.constant 0 : i32
    %dma_wait3A_1192 = arith.constant 0 : i32
    %dma_wait3A_1193 = arith.constant 0 : i32
    %dma_wait3A_1194 = tpu.memref_slice %arg9[%dma_wait3A_1191, %dma_wait3A_1192, %dma_wait3A_1193] : memref<2x128x128xf32, #tpu.memory_space<vmem>> -> memref<1x128x128xf32, #tpu.memory_space<vmem>>
    %dma_wait3A_1195 = tpu.memref_squeeze %dma_wait3A_1194 : memref<1x128x128xf32, #tpu.memory_space<vmem>> -> memref<128x128xf32, #tpu.memory_space<vmem>>
    %dma_wait3A_1196 = arith.constant 0 : i32
    %dma_wait3A_1197 = tpu.memref_slice %arg7[%dma_wait3A_1189, %dma_wait3A_1190, %dma_wait3A_1196] : memref<10x4x128xi32, #tpu.memory_space<vmem>> -> memref<1x1x128xi32, #tpu.memory_space<vmem>>
    %dma_wait3A_1198 = tpu.memref_squeeze %dma_wait3A_1197 : memref<1x1x128xi32, #tpu.memory_space<vmem>> -> memref<128xi32, #tpu.memory_space<vmem>>
    %dma_wait3A_1199 = arith.constant 0 : i32
    %dma_wait3A_1200 = arith.constant 0 : i32
    %dma_wait3A_1201 = tpu.memref_slice %arg2[%dma_wait3A_1199, %dma_wait3A_1200] : memref<100000x128xf32, #tpu.memory_space<hbm>> -> memref<100000x128xf32, #tpu.memory_space<hbm>>
    tpu.wait_indirect_dma semaphore(%arg11 : memref<!tpu.dma_semaphore, #tpu.memory_space<semaphore_mem>>) src(%dma_wait3A_1201 : memref<100000x128xf32, #tpu.memory_space<hbm>>) dst(%dma_wait3A_1195 : memref<128x128xf32, #tpu.memory_space<vmem>>)
    %dma_wait3A_1202 = arith.constant 2 : i32
    %dma_wait3A_1203 = arith.constant 2 : i32
    %dma_wait3A_1204 = arith.constant 0 : i32
    %dma_wait3A_1205 = arith.constant 0 : i32
    %dma_wait3A_1206 = arith.constant 0 : i32
    %dma_wait3A_1207 = tpu.memref_slice %arg9[%dma_wait3A_1204, %dma_wait3A_1205, %dma_wait3A_1206] : memref<2x128x128xf32, #tpu.memory_space<vmem>> -> memref<1x128x128xf32, #tpu.memory_space<vmem>>
    %dma_wait3A_1208 = tpu.memref_squeeze %dma_wait3A_1207 : memref<1x128x128xf32, #tpu.memory_space<vmem>> -> memref<128x128xf32, #tpu.memory_space<vmem>>
    %dma_wait3A_1209 = arith.constant 0 : i32
    %dma_wait3A_1210 = tpu.memref_slice %arg7[%dma_wait3A_1202, %dma_wait3A_1203, %dma_wait3A_1209] : memref<10x4x128xi32, #tpu.memory_space<vmem>> -> memref<1x1x128xi32, #tpu.memory_space<vmem>>
    %dma_wait3A_1211 = tpu.memref_squeeze %dma_wait3A_1210 : memref<1x1x128xi32, #tpu.memory_space<vmem>> -> memref<128xi32, #tpu.memory_space<vmem>>
    %dma_wait3A_1212 = arith.constant 0 : i32
    %dma_wait3A_1213 = arith.constant 0 : i32
    %dma_wait3A_1214 = tpu.memref_slice %arg2[%dma_wait3A_1212, %dma_wait3A_1213] : memref<100000x128xf32, #tpu.memory_space<hbm>> -> memref<100000x128xf32, #tpu.memory_space<hbm>>
    tpu.wait_indirect_dma semaphore(%arg11 : memref<!tpu.dma_semaphore, #tpu.memory_space<semaphore_mem>>) src(%dma_wait3A_1214 : memref<100000x128xf32, #tpu.memory_space<hbm>>) dst(%dma_wait3A_1208 : memref<128x128xf32, #tpu.memory_space<vmem>>)
    %dma_wait3A_1215 = arith.constant 3 : i32
    %dma_wait3A_1216 = arith.constant 2 : i32
    %dma_wait3A_1217 = arith.constant 0 : i32
    %dma_wait3A_1218 = arith.constant 0 : i32
    %dma_wait3A_1219 = arith.constant 0 : i32
    %dma_wait3A_1220 = tpu.memref_slice %arg9[%dma_wait3A_1217, %dma_wait3A_1218, %dma_wait3A_1219] : memref<2x128x128xf32, #tpu.memory_space<vmem>> -> memref<1x128x128xf32, #tpu.memory_space<vmem>>
    %dma_wait3A_1221 = tpu.memref_squeeze %dma_wait3A_1220 : memref<1x128x128xf32, #tpu.memory_space<vmem>> -> memref<128x128xf32, #tpu.memory_space<vmem>>
    %dma_wait3A_1222 = arith.constant 0 : i32
    %dma_wait3A_1223 = tpu.memref_slice %arg7[%dma_wait3A_1215, %dma_wait3A_1216, %dma_wait3A_1222] : memref<10x4x128xi32, #tpu.memory_space<vmem>> -> memref<1x1x128xi32, #tpu.memory_space<vmem>>
    %dma_wait3A_1224 = tpu.memref_squeeze %dma_wait3A_1223 : memref<1x1x128xi32, #tpu.memory_space<vmem>> -> memref<128xi32, #tpu.memory_space<vmem>>
    %dma_wait3A_1225 = arith.constant 0 : i32
    %dma_wait3A_1226 = arith.constant 0 : i32
    %dma_wait3A_1227 = tpu.memref_slice %arg2[%dma_wait3A_1225, %dma_wait3A_1226] : memref<100000x128xf32, #tpu.memory_space<hbm>> -> memref<100000x128xf32, #tpu.memory_space<hbm>>
    tpu.wait_indirect_dma semaphore(%arg11 : memref<!tpu.dma_semaphore, #tpu.memory_space<semaphore_mem>>) src(%dma_wait3A_1227 : memref<100000x128xf32, #tpu.memory_space<hbm>>) dst(%dma_wait3A_1221 : memref<128x128xf32, #tpu.memory_space<vmem>>)
    %dma_wait3A_1228 = arith.constant 4 : i32
    %dma_wait3A_1229 = arith.constant 2 : i32
    %dma_wait3A_1230 = arith.constant 0 : i32
    %dma_wait3A_1231 = arith.constant 0 : i32
    %dma_wait3A_1232 = arith.constant 0 : i32
    %dma_wait3A_1233 = tpu.memref_slice %arg9[%dma_wait3A_1230, %dma_wait3A_1231, %dma_wait3A_1232] : memref<2x128x128xf32, #tpu.memory_space<vmem>> -> memref<1x128x128xf32, #tpu.memory_space<vmem>>
    %dma_wait3A_1234 = tpu.memref_squeeze %dma_wait3A_1233 : memref<1x128x128xf32, #tpu.memory_space<vmem>> -> memref<128x128xf32, #tpu.memory_space<vmem>>
    %dma_wait3A_1235 = arith.constant 0 : i32
    %dma_wait3A_1236 = tpu.memref_slice %arg7[%dma_wait3A_1228, %dma_wait3A_1229, %dma_wait3A_1235] : memref<10x4x128xi32, #tpu.memory_space<vmem>> -> memref<1x1x128xi32, #tpu.memory_space<vmem>>
    %dma_wait3A_1237 = tpu.memref_squeeze %dma_wait3A_1236 : memref<1x1x128xi32, #tpu.memory_space<vmem>> -> memref<128xi32, #tpu.memory_space<vmem>>
    %dma_wait3A_1238 = arith.constant 0 : i32
    %dma_wait3A_1239 = arith.constant 0 : i32
    %dma_wait3A_1240 = tpu.memref_slice %arg2[%dma_wait3A_1238, %dma_wait3A_1239] : memref<100000x128xf32, #tpu.memory_space<hbm>> -> memref<100000x128xf32, #tpu.memory_space<hbm>>
    tpu.wait_indirect_dma semaphore(%arg11 : memref<!tpu.dma_semaphore, #tpu.memory_space<semaphore_mem>>) src(%dma_wait3A_1240 : memref<100000x128xf32, #tpu.memory_space<hbm>>) dst(%dma_wait3A_1234 : memref<128x128xf32, #tpu.memory_space<vmem>>)
    %dma_wait3A_1241 = arith.constant 5 : i32
    %dma_wait3A_1242 = arith.constant 2 : i32
    %dma_wait3A_1243 = arith.constant 0 : i32
    %dma_wait3A_1244 = arith.constant 0 : i32
    %dma_wait3A_1245 = arith.constant 0 : i32
    %dma_wait3A_1246 = tpu.memref_slice %arg9[%dma_wait3A_1243, %dma_wait3A_1244, %dma_wait3A_1245] : memref<2x128x128xf32, #tpu.memory_space<vmem>> -> memref<1x128x128xf32, #tpu.memory_space<vmem>>
    %dma_wait3A_1247 = tpu.memref_squeeze %dma_wait3A_1246 : memref<1x128x128xf32, #tpu.memory_space<vmem>> -> memref<128x128xf32, #tpu.memory_space<vmem>>
    %dma_wait3A_1248 = arith.constant 0 : i32
    %dma_wait3A_1249 = tpu.memref_slice %arg7[%dma_wait3A_1241, %dma_wait3A_1242, %dma_wait3A_1248] : memref<10x4x128xi32, #tpu.memory_space<vmem>> -> memref<1x1x128xi32, #tpu.memory_space<vmem>>
    %dma_wait3A_1250 = tpu.memref_squeeze %dma_wait3A_1249 : memref<1x1x128xi32, #tpu.memory_space<vmem>> -> memref<128xi32, #tpu.memory_space<vmem>>
    %dma_wait3A_1251 = arith.constant 0 : i32
    %dma_wait3A_1252 = arith.constant 0 : i32
    %dma_wait3A_1253 = tpu.memref_slice %arg2[%dma_wait3A_1251, %dma_wait3A_1252] : memref<100000x128xf32, #tpu.memory_space<hbm>> -> memref<100000x128xf32, #tpu.memory_space<hbm>>
    tpu.wait_indirect_dma semaphore(%arg11 : memref<!tpu.dma_semaphore, #tpu.memory_space<semaphore_mem>>) src(%dma_wait3A_1253 : memref<100000x128xf32, #tpu.memory_space<hbm>>) dst(%dma_wait3A_1247 : memref<128x128xf32, #tpu.memory_space<vmem>>)
    %dma_wait3A_1254 = arith.constant 6 : i32
    %dma_wait3A_1255 = arith.constant 2 : i32
    %dma_wait3A_1256 = arith.constant 0 : i32
    %dma_wait3A_1257 = arith.constant 0 : i32
    %dma_wait3A_1258 = arith.constant 0 : i32
    %dma_wait3A_1259 = tpu.memref_slice %arg9[%dma_wait3A_1256, %dma_wait3A_1257, %dma_wait3A_1258] : memref<2x128x128xf32, #tpu.memory_space<vmem>> -> memref<1x128x128xf32, #tpu.memory_space<vmem>>
    %dma_wait3A_1260 = tpu.memref_squeeze %dma_wait3A_1259 : memref<1x128x128xf32, #tpu.memory_space<vmem>> -> memref<128x128xf32, #tpu.memory_space<vmem>>
    %dma_wait3A_1261 = arith.constant 0 : i32
    %dma_wait3A_1262 = tpu.memref_slice %arg7[%dma_wait3A_1254, %dma_wait3A_1255, %dma_wait3A_1261] : memref<10x4x128xi32, #tpu.memory_space<vmem>> -> memref<1x1x128xi32, #tpu.memory_space<vmem>>
    %dma_wait3A_1263 = tpu.memref_squeeze %dma_wait3A_1262 : memref<1x1x128xi32, #tpu.memory_space<vmem>> -> memref<128xi32, #tpu.memory_space<vmem>>
    %dma_wait3A_1264 = arith.constant 0 : i32
    %dma_wait3A_1265 = arith.constant 0 : i32
    %dma_wait3A_1266 = tpu.memref_slice %arg2[%dma_wait3A_1264, %dma_wait3A_1265] : memref<100000x128xf32, #tpu.memory_space<hbm>> -> memref<100000x128xf32, #tpu.memory_space<hbm>>
    tpu.wait_indirect_dma semaphore(%arg11 : memref<!tpu.dma_semaphore, #tpu.memory_space<semaphore_mem>>) src(%dma_wait3A_1266 : memref<100000x128xf32, #tpu.memory_space<hbm>>) dst(%dma_wait3A_1260 : memref<128x128xf32, #tpu.memory_space<vmem>>)
    %dma_wait3A_1267 = arith.constant 7 : i32
    %dma_wait3A_1268 = arith.constant 2 : i32
    %dma_wait3A_1269 = arith.constant 0 : i32
    %dma_wait3A_1270 = arith.constant 0 : i32
    %dma_wait3A_1271 = arith.constant 0 : i32
    %dma_wait3A_1272 = tpu.memref_slice %arg9[%dma_wait3A_1269, %dma_wait3A_1270, %dma_wait3A_1271] : memref<2x128x128xf32, #tpu.memory_space<vmem>> -> memref<1x128x128xf32, #tpu.memory_space<vmem>>
    %dma_wait3A_1273 = tpu.memref_squeeze %dma_wait3A_1272 : memref<1x128x128xf32, #tpu.memory_space<vmem>> -> memref<128x128xf32, #tpu.memory_space<vmem>>
    %dma_wait3A_1274 = arith.constant 0 : i32
    %dma_wait3A_1275 = tpu.memref_slice %arg7[%dma_wait3A_1267, %dma_wait3A_1268, %dma_wait3A_1274] : memref<10x4x128xi32, #tpu.memory_space<vmem>> -> memref<1x1x128xi32, #tpu.memory_space<vmem>>
    %dma_wait3A_1276 = tpu.memref_squeeze %dma_wait3A_1275 : memref<1x1x128xi32, #tpu.memory_space<vmem>> -> memref<128xi32, #tpu.memory_space<vmem>>
    %dma_wait3A_1277 = arith.constant 0 : i32
    %dma_wait3A_1278 = arith.constant 0 : i32
    %dma_wait3A_1279 = tpu.memref_slice %arg2[%dma_wait3A_1277, %dma_wait3A_1278] : memref<100000x128xf32, #tpu.memory_space<hbm>> -> memref<100000x128xf32, #tpu.memory_space<hbm>>
    tpu.wait_indirect_dma semaphore(%arg11 : memref<!tpu.dma_semaphore, #tpu.memory_space<semaphore_mem>>) src(%dma_wait3A_1279 : memref<100000x128xf32, #tpu.memory_space<hbm>>) dst(%dma_wait3A_1273 : memref<128x128xf32, #tpu.memory_space<vmem>>)
    %dma_wait3A_1280 = arith.constant 8 : i32
    %dma_wait3A_1281 = arith.constant 2 : i32
    %dma_wait3A_1282 = arith.constant 0 : i32
    %dma_wait3A_1283 = arith.constant 0 : i32
    %dma_wait3A_1284 = arith.constant 0 : i32
    %dma_wait3A_1285 = tpu.memref_slice %arg9[%dma_wait3A_1282, %dma_wait3A_1283, %dma_wait3A_1284] : memref<2x128x128xf32, #tpu.memory_space<vmem>> -> memref<1x128x128xf32, #tpu.memory_space<vmem>>
    %dma_wait3A_1286 = tpu.memref_squeeze %dma_wait3A_1285 : memref<1x128x128xf32, #tpu.memory_space<vmem>> -> memref<128x128xf32, #tpu.memory_space<vmem>>
    %dma_wait3A_1287 = arith.constant 0 : i32
    %dma_wait3A_1288 = tpu.memref_slice %arg7[%dma_wait3A_1280, %dma_wait3A_1281, %dma_wait3A_1287] : memref<10x4x128xi32, #tpu.memory_space<vmem>> -> memref<1x1x128xi32, #tpu.memory_space<vmem>>
    %dma_wait3A_1289 = tpu.memref_squeeze %dma_wait3A_1288 : memref<1x1x128xi32, #tpu.memory_space<vmem>> -> memref<128xi32, #tpu.memory_space<vmem>>
    %dma_wait3A_1290 = arith.constant 0 : i32
    %dma_wait3A_1291 = arith.constant 0 : i32
    %dma_wait3A_1292 = tpu.memref_slice %arg2[%dma_wait3A_1290, %dma_wait3A_1291] : memref<100000x128xf32, #tpu.memory_space<hbm>> -> memref<100000x128xf32, #tpu.memory_space<hbm>>
    tpu.wait_indirect_dma semaphore(%arg11 : memref<!tpu.dma_semaphore, #tpu.memory_space<semaphore_mem>>) src(%dma_wait3A_1292 : memref<100000x128xf32, #tpu.memory_space<hbm>>) dst(%dma_wait3A_1286 : memref<128x128xf32, #tpu.memory_space<vmem>>)
    %dma_wait3A_1293 = arith.constant 9 : i32
    %dma_wait3A_1294 = arith.constant 2 : i32
    %dma_wait3A_1295 = arith.constant 0 : i32
    %dma_wait3A_1296 = arith.constant 0 : i32
    %dma_wait3A_1297 = arith.constant 0 : i32
    %dma_wait3A_1298 = tpu.memref_slice %arg9[%dma_wait3A_1295, %dma_wait3A_1296, %dma_wait3A_1297] : memref<2x128x128xf32, #tpu.memory_space<vmem>> -> memref<1x128x128xf32, #tpu.memory_space<vmem>>
    %dma_wait3A_1299 = tpu.memref_squeeze %dma_wait3A_1298 : memref<1x128x128xf32, #tpu.memory_space<vmem>> -> memref<128x128xf32, #tpu.memory_space<vmem>>
    %dma_wait3A_1300 = arith.constant 0 : i32
    %dma_wait3A_1301 = tpu.memref_slice %arg7[%dma_wait3A_1293, %dma_wait3A_1294, %dma_wait3A_1300] : memref<10x4x128xi32, #tpu.memory_space<vmem>> -> memref<1x1x128xi32, #tpu.memory_space<vmem>>
    %dma_wait3A_1302 = tpu.memref_squeeze %dma_wait3A_1301 : memref<1x1x128xi32, #tpu.memory_space<vmem>> -> memref<128xi32, #tpu.memory_space<vmem>>
    %dma_wait3A_1303 = arith.constant 0 : i32
    %dma_wait3A_1304 = arith.constant 0 : i32
    %dma_wait3A_1305 = tpu.memref_slice %arg2[%dma_wait3A_1303, %dma_wait3A_1304] : memref<100000x128xf32, #tpu.memory_space<hbm>> -> memref<100000x128xf32, #tpu.memory_space<hbm>>
    tpu.wait_indirect_dma semaphore(%arg11 : memref<!tpu.dma_semaphore, #tpu.memory_space<semaphore_mem>>) src(%dma_wait3A_1305 : memref<100000x128xf32, #tpu.memory_space<hbm>>) dst(%dma_wait3A_1299 : memref<128x128xf32, #tpu.memory_space<vmem>>)
    %dma_wait3A_1306 = arith.constant 2 : i32
    %dma_wait3A_1307 = arith.constant 0 : i32
    %dma_wait3A_1308 = arith.constant 0 : i32
    %dma_wait3A_1309 = arith.constant 0 : i32
    %dma_wait3A_1310 = tpu.memref_slice %arg8[%dma_wait3A_1307, %dma_wait3A_1308, %dma_wait3A_1309] : memref<2x128x128xf32, #tpu.memory_space<vmem>> -> memref<1x128x128xf32, #tpu.memory_space<vmem>>
    %dma_wait3A_1311 = tpu.memref_squeeze %dma_wait3A_1310 : memref<1x128x128xf32, #tpu.memory_space<vmem>> -> memref<128x128xf32, #tpu.memory_space<vmem>>
    %dma_wait3A_1312 = arith.constant 0 : i32
    %dma_wait3A_1313 = tpu.memref_slice %arg6[%dma_wait3A_1306, %dma_wait3A_1312] : memref<4x128xi32, #tpu.memory_space<vmem>> -> memref<1x128xi32, #tpu.memory_space<vmem>>
    %dma_wait3A_1314 = tpu.memref_squeeze %dma_wait3A_1313 : memref<1x128xi32, #tpu.memory_space<vmem>> -> memref<128xi32, #tpu.memory_space<vmem>>
    %dma_wait3A_1315 = arith.constant 0 : i32
    %dma_wait3A_1316 = arith.constant 0 : i32
    %dma_wait3A_1317 = tpu.memref_slice %arg2[%dma_wait3A_1315, %dma_wait3A_1316] : memref<100000x128xf32, #tpu.memory_space<hbm>> -> memref<100000x128xf32, #tpu.memory_space<hbm>>
    tpu.wait_indirect_dma semaphore(%arg13 : memref<!tpu.dma_semaphore, #tpu.memory_space<semaphore_mem>>) src(%dma_wait3A_1317 : memref<100000x128xf32, #tpu.memory_space<hbm>>) dst(%dma_wait3A_1311 : memref<128x128xf32, #tpu.memory_space<vmem>>)
    %add3A_1318 = arith.constant 2 : i32
    %add3A_1319 = arith.addi %mul3A_2, %add3A_1318 : i32
    %mul3A_1320 = arith.constant 128 : i32
    %mul3A_1321 = arith.muli %add3A_1319, %mul3A_1320 : i32
    %dma_start3A_1322 = arith.constant 0 : i32
    %dma_start3A_1323 = arith.constant 0 : i32
    %dma_start3A_1324 = arith.constant 0 : i32
    %dma_start3A_1325 = tpu.memref_slice %arg8[%dma_start3A_1322, %dma_start3A_1323, %dma_start3A_1324] : memref<2x128x128xf32, #tpu.memory_space<vmem>> -> memref<1x128x128xf32, #tpu.memory_space<vmem>>
    %dma_start3A_1326 = tpu.memref_squeeze %dma_start3A_1325 : memref<1x128x128xf32, #tpu.memory_space<vmem>> -> memref<128x128xf32, #tpu.memory_space<vmem>>
    %dma_start3A_1327 = arith.constant 0 : i32
    %dma_start3A_1328 = tpu.memref_slice %arg5[%mul3A_1321, %dma_start3A_1327] : memref<16384x256xf32, #tpu.memory_space<hbm>> -> memref<128x128xf32, #tpu.memory_space<hbm>>
    %dma_start3A_1329 = arith.constant 0 : i32
    %dma_start3A_1330 = tpu.memref_slice %arg5[%mul3A_1321, %dma_start3A_1329] : memref<16384x256xf32, #tpu.memory_space<hbm>> -> memref<128x128xf32, #tpu.memory_space<hbm>>
    %dma_start3A_1331 = arith.constant 0 : i32
    %dma_start3A_1332 = arith.constant 0 : i32
    %dma_start3A_1333 = tpu.memref_slice %arg8[%dma_start3A_1322, %dma_start3A_1331, %dma_start3A_1332] : memref<2x128x128xf32, #tpu.memory_space<vmem>> -> memref<1x128x128xf32, #tpu.memory_space<vmem>>
    %dma_start3A_1334 = tpu.memref_squeeze %dma_start3A_1333 : memref<1x128x128xf32, #tpu.memory_space<vmem>> -> memref<128x128xf32, #tpu.memory_space<vmem>>
    tpu.enqueue_dma source(%dma_start3A_1334 : memref<128x128xf32, #tpu.memory_space<vmem>>) target(%dma_start3A_1330 : memref<128x128xf32, #tpu.memory_space<hbm>>) target_semaphore(%arg15 : memref<!tpu.dma_semaphore, #tpu.memory_space<semaphore_mem>>)
    %dma_start3A_1335 = arith.constant 0 : i32
    %dma_start3A_1336 = arith.constant 0 : i32
    %dma_start3A_1337 = arith.constant 0 : i32
    %dma_start3A_1338 = tpu.memref_slice %arg9[%dma_start3A_1335, %dma_start3A_1336, %dma_start3A_1337] : memref<2x128x128xf32, #tpu.memory_space<vmem>> -> memref<1x128x128xf32, #tpu.memory_space<vmem>>
    %dma_start3A_1339 = tpu.memref_squeeze %dma_start3A_1338 : memref<1x128x128xf32, #tpu.memory_space<vmem>> -> memref<128x128xf32, #tpu.memory_space<vmem>>
    %dma_start3A_1340 = arith.constant 128 : i32
    %dma_start3A_1341 = tpu.memref_slice %arg5[%mul3A_1321, %dma_start3A_1340] : memref<16384x256xf32, #tpu.memory_space<hbm>> -> memref<128x128xf32, #tpu.memory_space<hbm>>
    %dma_start3A_1342 = arith.constant 128 : i32
    %dma_start3A_1343 = tpu.memref_slice %arg5[%mul3A_1321, %dma_start3A_1342] : memref<16384x256xf32, #tpu.memory_space<hbm>> -> memref<128x128xf32, #tpu.memory_space<hbm>>
    %dma_start3A_1344 = arith.constant 0 : i32
    %dma_start3A_1345 = arith.constant 0 : i32
    %dma_start3A_1346 = tpu.memref_slice %arg9[%dma_start3A_1335, %dma_start3A_1344, %dma_start3A_1345] : memref<2x128x128xf32, #tpu.memory_space<vmem>> -> memref<1x128x128xf32, #tpu.memory_space<vmem>>
    %dma_start3A_1347 = tpu.memref_squeeze %dma_start3A_1346 : memref<1x128x128xf32, #tpu.memory_space<vmem>> -> memref<128x128xf32, #tpu.memory_space<vmem>>
    tpu.enqueue_dma source(%dma_start3A_1347 : memref<128x128xf32, #tpu.memory_space<vmem>>) target(%dma_start3A_1343 : memref<128x128xf32, #tpu.memory_space<hbm>>) target_semaphore(%arg15 : memref<!tpu.dma_semaphore, #tpu.memory_space<semaphore_mem>>)
    %dma_wait3A_1348 = arith.constant 0 : i32
    %dma_wait3A_1349 = arith.constant 3 : i32
    %dma_wait3A_1350 = arith.constant 1 : i32
    %dma_wait3A_1351 = arith.constant 0 : i32
    %dma_wait3A_1352 = arith.constant 0 : i32
    %dma_wait3A_1353 = tpu.memref_slice %arg9[%dma_wait3A_1350, %dma_wait3A_1351, %dma_wait3A_1352] : memref<2x128x128xf32, #tpu.memory_space<vmem>> -> memref<1x128x128xf32, #tpu.memory_space<vmem>>
    %dma_wait3A_1354 = tpu.memref_squeeze %dma_wait3A_1353 : memref<1x128x128xf32, #tpu.memory_space<vmem>> -> memref<128x128xf32, #tpu.memory_space<vmem>>
    %dma_wait3A_1355 = arith.constant 0 : i32
    %dma_wait3A_1356 = tpu.memref_slice %arg7[%dma_wait3A_1348, %dma_wait3A_1349, %dma_wait3A_1355] : memref<10x4x128xi32, #tpu.memory_space<vmem>> -> memref<1x1x128xi32, #tpu.memory_space<vmem>>
    %dma_wait3A_1357 = tpu.memref_squeeze %dma_wait3A_1356 : memref<1x1x128xi32, #tpu.memory_space<vmem>> -> memref<128xi32, #tpu.memory_space<vmem>>
    %dma_wait3A_1358 = arith.constant 0 : i32
    %dma_wait3A_1359 = arith.constant 0 : i32
    %dma_wait3A_1360 = tpu.memref_slice %arg2[%dma_wait3A_1358, %dma_wait3A_1359] : memref<100000x128xf32, #tpu.memory_space<hbm>> -> memref<100000x128xf32, #tpu.memory_space<hbm>>
    tpu.wait_indirect_dma semaphore(%arg12 : memref<!tpu.dma_semaphore, #tpu.memory_space<semaphore_mem>>) src(%dma_wait3A_1360 : memref<100000x128xf32, #tpu.memory_space<hbm>>) dst(%dma_wait3A_1354 : memref<128x128xf32, #tpu.memory_space<vmem>>)
    %dma_start3A_1361 = arith.constant 1 : i32
    %dma_start3A_1362 = arith.constant 3 : i32
    %dma_start3A_1363 = arith.constant 1 : i32
    %dma_start3A_1364 = arith.constant 0 : i32
    %dma_start3A_1365 = arith.constant 0 : i32
    %dma_start3A_1366 = tpu.memref_slice %arg9[%dma_start3A_1363, %dma_start3A_1364, %dma_start3A_1365] : memref<2x128x128xf32, #tpu.memory_space<vmem>> -> memref<1x128x128xf32, #tpu.memory_space<vmem>>
    %dma_start3A_1367 = tpu.memref_squeeze %dma_start3A_1366 : memref<1x128x128xf32, #tpu.memory_space<vmem>> -> memref<128x128xf32, #tpu.memory_space<vmem>>
    %dma_start3A_1368 = arith.constant 0 : i32
    %dma_start3A_1369 = tpu.memref_slice %arg7[%dma_start3A_1361, %dma_start3A_1362, %dma_start3A_1368] : memref<10x4x128xi32, #tpu.memory_space<vmem>> -> memref<1x1x128xi32, #tpu.memory_space<vmem>>
    %dma_start3A_1370 = tpu.memref_squeeze %dma_start3A_1369 : memref<1x1x128xi32, #tpu.memory_space<vmem>> -> memref<128xi32, #tpu.memory_space<vmem>>
    %dma_start3A_1371 = arith.constant 0 : i32
    %dma_start3A_1372 = arith.constant 0 : i32
    %dma_start3A_1373 = tpu.memref_slice %arg2[%dma_start3A_1371, %dma_start3A_1372] : memref<100000x128xf32, #tpu.memory_space<hbm>> -> memref<100000x128xf32, #tpu.memory_space<hbm>>
    tpu.enqueue_indirect_dma source(%dma_start3A_1373 : memref<100000x128xf32, #tpu.memory_space<hbm>>) target(%dma_start3A_1367 : memref<128x128xf32, #tpu.memory_space<vmem>>) offsets(%dma_start3A_1370 : memref<128xi32, #tpu.memory_space<vmem>>) semaphore(%arg12 : memref<!tpu.dma_semaphore, #tpu.memory_space<semaphore_mem>>) {add = true}
    %dma_start3A_1374 = arith.constant 2 : i32
    %dma_start3A_1375 = arith.constant 3 : i32
    %dma_start3A_1376 = arith.constant 1 : i32
    %dma_start3A_1377 = arith.constant 0 : i32
    %dma_start3A_1378 = arith.constant 0 : i32
    %dma_start3A_1379 = tpu.memref_slice %arg9[%dma_start3A_1376, %dma_start3A_1377, %dma_start3A_1378] : memref<2x128x128xf32, #tpu.memory_space<vmem>> -> memref<1x128x128xf32, #tpu.memory_space<vmem>>
    %dma_start3A_1380 = tpu.memref_squeeze %dma_start3A_1379 : memref<1x128x128xf32, #tpu.memory_space<vmem>> -> memref<128x128xf32, #tpu.memory_space<vmem>>
    %dma_start3A_1381 = arith.constant 0 : i32
    %dma_start3A_1382 = tpu.memref_slice %arg7[%dma_start3A_1374, %dma_start3A_1375, %dma_start3A_1381] : memref<10x4x128xi32, #tpu.memory_space<vmem>> -> memref<1x1x128xi32, #tpu.memory_space<vmem>>
    %dma_start3A_1383 = tpu.memref_squeeze %dma_start3A_1382 : memref<1x1x128xi32, #tpu.memory_space<vmem>> -> memref<128xi32, #tpu.memory_space<vmem>>
    %dma_start3A_1384 = arith.constant 0 : i32
    %dma_start3A_1385 = arith.constant 0 : i32
    %dma_start3A_1386 = tpu.memref_slice %arg2[%dma_start3A_1384, %dma_start3A_1385] : memref<100000x128xf32, #tpu.memory_space<hbm>> -> memref<100000x128xf32, #tpu.memory_space<hbm>>
    tpu.enqueue_indirect_dma source(%dma_start3A_1386 : memref<100000x128xf32, #tpu.memory_space<hbm>>) target(%dma_start3A_1380 : memref<128x128xf32, #tpu.memory_space<vmem>>) offsets(%dma_start3A_1383 : memref<128xi32, #tpu.memory_space<vmem>>) semaphore(%arg12 : memref<!tpu.dma_semaphore, #tpu.memory_space<semaphore_mem>>) {add = true}
    %dma_start3A_1387 = arith.constant 3 : i32
    %dma_start3A_1388 = arith.constant 3 : i32
    %dma_start3A_1389 = arith.constant 1 : i32
    %dma_start3A_1390 = arith.constant 0 : i32
    %dma_start3A_1391 = arith.constant 0 : i32
    %dma_start3A_1392 = tpu.memref_slice %arg9[%dma_start3A_1389, %dma_start3A_1390, %dma_start3A_1391] : memref<2x128x128xf32, #tpu.memory_space<vmem>> -> memref<1x128x128xf32, #tpu.memory_space<vmem>>
    %dma_start3A_1393 = tpu.memref_squeeze %dma_start3A_1392 : memref<1x128x128xf32, #tpu.memory_space<vmem>> -> memref<128x128xf32, #tpu.memory_space<vmem>>
    %dma_start3A_1394 = arith.constant 0 : i32
    %dma_start3A_1395 = tpu.memref_slice %arg7[%dma_start3A_1387, %dma_start3A_1388, %dma_start3A_1394] : memref<10x4x128xi32, #tpu.memory_space<vmem>> -> memref<1x1x128xi32, #tpu.memory_space<vmem>>
    %dma_start3A_1396 = tpu.memref_squeeze %dma_start3A_1395 : memref<1x1x128xi32, #tpu.memory_space<vmem>> -> memref<128xi32, #tpu.memory_space<vmem>>
    %dma_start3A_1397 = arith.constant 0 : i32
    %dma_start3A_1398 = arith.constant 0 : i32
    %dma_start3A_1399 = tpu.memref_slice %arg2[%dma_start3A_1397, %dma_start3A_1398] : memref<100000x128xf32, #tpu.memory_space<hbm>> -> memref<100000x128xf32, #tpu.memory_space<hbm>>
    tpu.enqueue_indirect_dma source(%dma_start3A_1399 : memref<100000x128xf32, #tpu.memory_space<hbm>>) target(%dma_start3A_1393 : memref<128x128xf32, #tpu.memory_space<vmem>>) offsets(%dma_start3A_1396 : memref<128xi32, #tpu.memory_space<vmem>>) semaphore(%arg12 : memref<!tpu.dma_semaphore, #tpu.memory_space<semaphore_mem>>) {add = true}
    %dma_start3A_1400 = arith.constant 4 : i32
    %dma_start3A_1401 = arith.constant 3 : i32
    %dma_start3A_1402 = arith.constant 1 : i32
    %dma_start3A_1403 = arith.constant 0 : i32
    %dma_start3A_1404 = arith.constant 0 : i32
    %dma_start3A_1405 = tpu.memref_slice %arg9[%dma_start3A_1402, %dma_start3A_1403, %dma_start3A_1404] : memref<2x128x128xf32, #tpu.memory_space<vmem>> -> memref<1x128x128xf32, #tpu.memory_space<vmem>>
    %dma_start3A_1406 = tpu.memref_squeeze %dma_start3A_1405 : memref<1x128x128xf32, #tpu.memory_space<vmem>> -> memref<128x128xf32, #tpu.memory_space<vmem>>
    %dma_start3A_1407 = arith.constant 0 : i32
    %dma_start3A_1408 = tpu.memref_slice %arg7[%dma_start3A_1400, %dma_start3A_1401, %dma_start3A_1407] : memref<10x4x128xi32, #tpu.memory_space<vmem>> -> memref<1x1x128xi32, #tpu.memory_space<vmem>>
    %dma_start3A_1409 = tpu.memref_squeeze %dma_start3A_1408 : memref<1x1x128xi32, #tpu.memory_space<vmem>> -> memref<128xi32, #tpu.memory_space<vmem>>
    %dma_start3A_1410 = arith.constant 0 : i32
    %dma_start3A_1411 = arith.constant 0 : i32
    %dma_start3A_1412 = tpu.memref_slice %arg2[%dma_start3A_1410, %dma_start3A_1411] : memref<100000x128xf32, #tpu.memory_space<hbm>> -> memref<100000x128xf32, #tpu.memory_space<hbm>>
    tpu.enqueue_indirect_dma source(%dma_start3A_1412 : memref<100000x128xf32, #tpu.memory_space<hbm>>) target(%dma_start3A_1406 : memref<128x128xf32, #tpu.memory_space<vmem>>) offsets(%dma_start3A_1409 : memref<128xi32, #tpu.memory_space<vmem>>) semaphore(%arg12 : memref<!tpu.dma_semaphore, #tpu.memory_space<semaphore_mem>>) {add = true}
    %dma_start3A_1413 = arith.constant 5 : i32
    %dma_start3A_1414 = arith.constant 3 : i32
    %dma_start3A_1415 = arith.constant 1 : i32
    %dma_start3A_1416 = arith.constant 0 : i32
    %dma_start3A_1417 = arith.constant 0 : i32
    %dma_start3A_1418 = tpu.memref_slice %arg9[%dma_start3A_1415, %dma_start3A_1416, %dma_start3A_1417] : memref<2x128x128xf32, #tpu.memory_space<vmem>> -> memref<1x128x128xf32, #tpu.memory_space<vmem>>
    %dma_start3A_1419 = tpu.memref_squeeze %dma_start3A_1418 : memref<1x128x128xf32, #tpu.memory_space<vmem>> -> memref<128x128xf32, #tpu.memory_space<vmem>>
    %dma_start3A_1420 = arith.constant 0 : i32
    %dma_start3A_1421 = tpu.memref_slice %arg7[%dma_start3A_1413, %dma_start3A_1414, %dma_start3A_1420] : memref<10x4x128xi32, #tpu.memory_space<vmem>> -> memref<1x1x128xi32, #tpu.memory_space<vmem>>
    %dma_start3A_1422 = tpu.memref_squeeze %dma_start3A_1421 : memref<1x1x128xi32, #tpu.memory_space<vmem>> -> memref<128xi32, #tpu.memory_space<vmem>>
    %dma_start3A_1423 = arith.constant 0 : i32
    %dma_start3A_1424 = arith.constant 0 : i32
    %dma_start3A_1425 = tpu.memref_slice %arg2[%dma_start3A_1423, %dma_start3A_1424] : memref<100000x128xf32, #tpu.memory_space<hbm>> -> memref<100000x128xf32, #tpu.memory_space<hbm>>
    tpu.enqueue_indirect_dma source(%dma_start3A_1425 : memref<100000x128xf32, #tpu.memory_space<hbm>>) target(%dma_start3A_1419 : memref<128x128xf32, #tpu.memory_space<vmem>>) offsets(%dma_start3A_1422 : memref<128xi32, #tpu.memory_space<vmem>>) semaphore(%arg12 : memref<!tpu.dma_semaphore, #tpu.memory_space<semaphore_mem>>) {add = true}
    %dma_start3A_1426 = arith.constant 6 : i32
    %dma_start3A_1427 = arith.constant 3 : i32
    %dma_start3A_1428 = arith.constant 1 : i32
    %dma_start3A_1429 = arith.constant 0 : i32
    %dma_start3A_1430 = arith.constant 0 : i32
    %dma_start3A_1431 = tpu.memref_slice %arg9[%dma_start3A_1428, %dma_start3A_1429, %dma_start3A_1430] : memref<2x128x128xf32, #tpu.memory_space<vmem>> -> memref<1x128x128xf32, #tpu.memory_space<vmem>>
    %dma_start3A_1432 = tpu.memref_squeeze %dma_start3A_1431 : memref<1x128x128xf32, #tpu.memory_space<vmem>> -> memref<128x128xf32, #tpu.memory_space<vmem>>
    %dma_start3A_1433 = arith.constant 0 : i32
    %dma_start3A_1434 = tpu.memref_slice %arg7[%dma_start3A_1426, %dma_start3A_1427, %dma_start3A_1433] : memref<10x4x128xi32, #tpu.memory_space<vmem>> -> memref<1x1x128xi32, #tpu.memory_space<vmem>>
    %dma_start3A_1435 = tpu.memref_squeeze %dma_start3A_1434 : memref<1x1x128xi32, #tpu.memory_space<vmem>> -> memref<128xi32, #tpu.memory_space<vmem>>
    %dma_start3A_1436 = arith.constant 0 : i32
    %dma_start3A_1437 = arith.constant 0 : i32
    %dma_start3A_1438 = tpu.memref_slice %arg2[%dma_start3A_1436, %dma_start3A_1437] : memref<100000x128xf32, #tpu.memory_space<hbm>> -> memref<100000x128xf32, #tpu.memory_space<hbm>>
    tpu.enqueue_indirect_dma source(%dma_start3A_1438 : memref<100000x128xf32, #tpu.memory_space<hbm>>) target(%dma_start3A_1432 : memref<128x128xf32, #tpu.memory_space<vmem>>) offsets(%dma_start3A_1435 : memref<128xi32, #tpu.memory_space<vmem>>) semaphore(%arg12 : memref<!tpu.dma_semaphore, #tpu.memory_space<semaphore_mem>>) {add = true}
    %dma_start3A_1439 = arith.constant 7 : i32
    %dma_start3A_1440 = arith.constant 3 : i32
    %dma_start3A_1441 = arith.constant 1 : i32
    %dma_start3A_1442 = arith.constant 0 : i32
    %dma_start3A_1443 = arith.constant 0 : i32
    %dma_start3A_1444 = tpu.memref_slice %arg9[%dma_start3A_1441, %dma_start3A_1442, %dma_start3A_1443] : memref<2x128x128xf32, #tpu.memory_space<vmem>> -> memref<1x128x128xf32, #tpu.memory_space<vmem>>
    %dma_start3A_1445 = tpu.memref_squeeze %dma_start3A_1444 : memref<1x128x128xf32, #tpu.memory_space<vmem>> -> memref<128x128xf32, #tpu.memory_space<vmem>>
    %dma_start3A_1446 = arith.constant 0 : i32
    %dma_start3A_1447 = tpu.memref_slice %arg7[%dma_start3A_1439, %dma_start3A_1440, %dma_start3A_1446] : memref<10x4x128xi32, #tpu.memory_space<vmem>> -> memref<1x1x128xi32, #tpu.memory_space<vmem>>
    %dma_start3A_1448 = tpu.memref_squeeze %dma_start3A_1447 : memref<1x1x128xi32, #tpu.memory_space<vmem>> -> memref<128xi32, #tpu.memory_space<vmem>>
    %dma_start3A_1449 = arith.constant 0 : i32
    %dma_start3A_1450 = arith.constant 0 : i32
    %dma_start3A_1451 = tpu.memref_slice %arg2[%dma_start3A_1449, %dma_start3A_1450] : memref<100000x128xf32, #tpu.memory_space<hbm>> -> memref<100000x128xf32, #tpu.memory_space<hbm>>
    tpu.enqueue_indirect_dma source(%dma_start3A_1451 : memref<100000x128xf32, #tpu.memory_space<hbm>>) target(%dma_start3A_1445 : memref<128x128xf32, #tpu.memory_space<vmem>>) offsets(%dma_start3A_1448 : memref<128xi32, #tpu.memory_space<vmem>>) semaphore(%arg12 : memref<!tpu.dma_semaphore, #tpu.memory_space<semaphore_mem>>) {add = true}
    %dma_start3A_1452 = arith.constant 8 : i32
    %dma_start3A_1453 = arith.constant 3 : i32
    %dma_start3A_1454 = arith.constant 1 : i32
    %dma_start3A_1455 = arith.constant 0 : i32
    %dma_start3A_1456 = arith.constant 0 : i32
    %dma_start3A_1457 = tpu.memref_slice %arg9[%dma_start3A_1454, %dma_start3A_1455, %dma_start3A_1456] : memref<2x128x128xf32, #tpu.memory_space<vmem>> -> memref<1x128x128xf32, #tpu.memory_space<vmem>>
    %dma_start3A_1458 = tpu.memref_squeeze %dma_start3A_1457 : memref<1x128x128xf32, #tpu.memory_space<vmem>> -> memref<128x128xf32, #tpu.memory_space<vmem>>
    %dma_start3A_1459 = arith.constant 0 : i32
    %dma_start3A_1460 = tpu.memref_slice %arg7[%dma_start3A_1452, %dma_start3A_1453, %dma_start3A_1459] : memref<10x4x128xi32, #tpu.memory_space<vmem>> -> memref<1x1x128xi32, #tpu.memory_space<vmem>>
    %dma_start3A_1461 = tpu.memref_squeeze %dma_start3A_1460 : memref<1x1x128xi32, #tpu.memory_space<vmem>> -> memref<128xi32, #tpu.memory_space<vmem>>
    %dma_start3A_1462 = arith.constant 0 : i32
    %dma_start3A_1463 = arith.constant 0 : i32
    %dma_start3A_1464 = tpu.memref_slice %arg2[%dma_start3A_1462, %dma_start3A_1463] : memref<100000x128xf32, #tpu.memory_space<hbm>> -> memref<100000x128xf32, #tpu.memory_space<hbm>>
    tpu.enqueue_indirect_dma source(%dma_start3A_1464 : memref<100000x128xf32, #tpu.memory_space<hbm>>) target(%dma_start3A_1458 : memref<128x128xf32, #tpu.memory_space<vmem>>) offsets(%dma_start3A_1461 : memref<128xi32, #tpu.memory_space<vmem>>) semaphore(%arg12 : memref<!tpu.dma_semaphore, #tpu.memory_space<semaphore_mem>>) {add = true}
    %dma_start3A_1465 = arith.constant 9 : i32
    %dma_start3A_1466 = arith.constant 3 : i32
    %dma_start3A_1467 = arith.constant 1 : i32
    %dma_start3A_1468 = arith.constant 0 : i32
    %dma_start3A_1469 = arith.constant 0 : i32
    %dma_start3A_1470 = tpu.memref_slice %arg9[%dma_start3A_1467, %dma_start3A_1468, %dma_start3A_1469] : memref<2x128x128xf32, #tpu.memory_space<vmem>> -> memref<1x128x128xf32, #tpu.memory_space<vmem>>
    %dma_start3A_1471 = tpu.memref_squeeze %dma_start3A_1470 : memref<1x128x128xf32, #tpu.memory_space<vmem>> -> memref<128x128xf32, #tpu.memory_space<vmem>>
    %dma_start3A_1472 = arith.constant 0 : i32
    %dma_start3A_1473 = tpu.memref_slice %arg7[%dma_start3A_1465, %dma_start3A_1466, %dma_start3A_1472] : memref<10x4x128xi32, #tpu.memory_space<vmem>> -> memref<1x1x128xi32, #tpu.memory_space<vmem>>
    %dma_start3A_1474 = tpu.memref_squeeze %dma_start3A_1473 : memref<1x1x128xi32, #tpu.memory_space<vmem>> -> memref<128xi32, #tpu.memory_space<vmem>>
    %dma_start3A_1475 = arith.constant 0 : i32
    %dma_start3A_1476 = arith.constant 0 : i32
    %dma_start3A_1477 = tpu.memref_slice %arg2[%dma_start3A_1475, %dma_start3A_1476] : memref<100000x128xf32, #tpu.memory_space<hbm>> -> memref<100000x128xf32, #tpu.memory_space<hbm>>
    tpu.enqueue_indirect_dma source(%dma_start3A_1477 : memref<100000x128xf32, #tpu.memory_space<hbm>>) target(%dma_start3A_1471 : memref<128x128xf32, #tpu.memory_space<vmem>>) offsets(%dma_start3A_1474 : memref<128xi32, #tpu.memory_space<vmem>>) semaphore(%arg12 : memref<!tpu.dma_semaphore, #tpu.memory_space<semaphore_mem>>) {add = true}
    %dma_wait3A_1478 = arith.constant 1 : i32
    %dma_wait3A_1479 = arith.constant 3 : i32
    %dma_wait3A_1480 = arith.constant 1 : i32
    %dma_wait3A_1481 = arith.constant 0 : i32
    %dma_wait3A_1482 = arith.constant 0 : i32
    %dma_wait3A_1483 = tpu.memref_slice %arg9[%dma_wait3A_1480, %dma_wait3A_1481, %dma_wait3A_1482] : memref<2x128x128xf32, #tpu.memory_space<vmem>> -> memref<1x128x128xf32, #tpu.memory_space<vmem>>
    %dma_wait3A_1484 = tpu.memref_squeeze %dma_wait3A_1483 : memref<1x128x128xf32, #tpu.memory_space<vmem>> -> memref<128x128xf32, #tpu.memory_space<vmem>>
    %dma_wait3A_1485 = arith.constant 0 : i32
    %dma_wait3A_1486 = tpu.memref_slice %arg7[%dma_wait3A_1478, %dma_wait3A_1479, %dma_wait3A_1485] : memref<10x4x128xi32, #tpu.memory_space<vmem>> -> memref<1x1x128xi32, #tpu.memory_space<vmem>>
    %dma_wait3A_1487 = tpu.memref_squeeze %dma_wait3A_1486 : memref<1x1x128xi32, #tpu.memory_space<vmem>> -> memref<128xi32, #tpu.memory_space<vmem>>
    %dma_wait3A_1488 = arith.constant 0 : i32
    %dma_wait3A_1489 = arith.constant 0 : i32
    %dma_wait3A_1490 = tpu.memref_slice %arg2[%dma_wait3A_1488, %dma_wait3A_1489] : memref<100000x128xf32, #tpu.memory_space<hbm>> -> memref<100000x128xf32, #tpu.memory_space<hbm>>
    tpu.wait_indirect_dma semaphore(%arg12 : memref<!tpu.dma_semaphore, #tpu.memory_space<semaphore_mem>>) src(%dma_wait3A_1490 : memref<100000x128xf32, #tpu.memory_space<hbm>>) dst(%dma_wait3A_1484 : memref<128x128xf32, #tpu.memory_space<vmem>>)
    %dma_wait3A_1491 = arith.constant 2 : i32
    %dma_wait3A_1492 = arith.constant 3 : i32
    %dma_wait3A_1493 = arith.constant 1 : i32
    %dma_wait3A_1494 = arith.constant 0 : i32
    %dma_wait3A_1495 = arith.constant 0 : i32
    %dma_wait3A_1496 = tpu.memref_slice %arg9[%dma_wait3A_1493, %dma_wait3A_1494, %dma_wait3A_1495] : memref<2x128x128xf32, #tpu.memory_space<vmem>> -> memref<1x128x128xf32, #tpu.memory_space<vmem>>
    %dma_wait3A_1497 = tpu.memref_squeeze %dma_wait3A_1496 : memref<1x128x128xf32, #tpu.memory_space<vmem>> -> memref<128x128xf32, #tpu.memory_space<vmem>>
    %dma_wait3A_1498 = arith.constant 0 : i32
    %dma_wait3A_1499 = tpu.memref_slice %arg7[%dma_wait3A_1491, %dma_wait3A_1492, %dma_wait3A_1498] : memref<10x4x128xi32, #tpu.memory_space<vmem>> -> memref<1x1x128xi32, #tpu.memory_space<vmem>>
    %dma_wait3A_1500 = tpu.memref_squeeze %dma_wait3A_1499 : memref<1x1x128xi32, #tpu.memory_space<vmem>> -> memref<128xi32, #tpu.memory_space<vmem>>
    %dma_wait3A_1501 = arith.constant 0 : i32
    %dma_wait3A_1502 = arith.constant 0 : i32
    %dma_wait3A_1503 = tpu.memref_slice %arg2[%dma_wait3A_1501, %dma_wait3A_1502] : memref<100000x128xf32, #tpu.memory_space<hbm>> -> memref<100000x128xf32, #tpu.memory_space<hbm>>
    tpu.wait_indirect_dma semaphore(%arg12 : memref<!tpu.dma_semaphore, #tpu.memory_space<semaphore_mem>>) src(%dma_wait3A_1503 : memref<100000x128xf32, #tpu.memory_space<hbm>>) dst(%dma_wait3A_1497 : memref<128x128xf32, #tpu.memory_space<vmem>>)
    %dma_wait3A_1504 = arith.constant 3 : i32
    %dma_wait3A_1505 = arith.constant 3 : i32
    %dma_wait3A_1506 = arith.constant 1 : i32
    %dma_wait3A_1507 = arith.constant 0 : i32
    %dma_wait3A_1508 = arith.constant 0 : i32
    %dma_wait3A_1509 = tpu.memref_slice %arg9[%dma_wait3A_1506, %dma_wait3A_1507, %dma_wait3A_1508] : memref<2x128x128xf32, #tpu.memory_space<vmem>> -> memref<1x128x128xf32, #tpu.memory_space<vmem>>
    %dma_wait3A_1510 = tpu.memref_squeeze %dma_wait3A_1509 : memref<1x128x128xf32, #tpu.memory_space<vmem>> -> memref<128x128xf32, #tpu.memory_space<vmem>>
    %dma_wait3A_1511 = arith.constant 0 : i32
    %dma_wait3A_1512 = tpu.memref_slice %arg7[%dma_wait3A_1504, %dma_wait3A_1505, %dma_wait3A_1511] : memref<10x4x128xi32, #tpu.memory_space<vmem>> -> memref<1x1x128xi32, #tpu.memory_space<vmem>>
    %dma_wait3A_1513 = tpu.memref_squeeze %dma_wait3A_1512 : memref<1x1x128xi32, #tpu.memory_space<vmem>> -> memref<128xi32, #tpu.memory_space<vmem>>
    %dma_wait3A_1514 = arith.constant 0 : i32
    %dma_wait3A_1515 = arith.constant 0 : i32
    %dma_wait3A_1516 = tpu.memref_slice %arg2[%dma_wait3A_1514, %dma_wait3A_1515] : memref<100000x128xf32, #tpu.memory_space<hbm>> -> memref<100000x128xf32, #tpu.memory_space<hbm>>
    tpu.wait_indirect_dma semaphore(%arg12 : memref<!tpu.dma_semaphore, #tpu.memory_space<semaphore_mem>>) src(%dma_wait3A_1516 : memref<100000x128xf32, #tpu.memory_space<hbm>>) dst(%dma_wait3A_1510 : memref<128x128xf32, #tpu.memory_space<vmem>>)
    %dma_wait3A_1517 = arith.constant 4 : i32
    %dma_wait3A_1518 = arith.constant 3 : i32
    %dma_wait3A_1519 = arith.constant 1 : i32
    %dma_wait3A_1520 = arith.constant 0 : i32
    %dma_wait3A_1521 = arith.constant 0 : i32
    %dma_wait3A_1522 = tpu.memref_slice %arg9[%dma_wait3A_1519, %dma_wait3A_1520, %dma_wait3A_1521] : memref<2x128x128xf32, #tpu.memory_space<vmem>> -> memref<1x128x128xf32, #tpu.memory_space<vmem>>
    %dma_wait3A_1523 = tpu.memref_squeeze %dma_wait3A_1522 : memref<1x128x128xf32, #tpu.memory_space<vmem>> -> memref<128x128xf32, #tpu.memory_space<vmem>>
    %dma_wait3A_1524 = arith.constant 0 : i32
    %dma_wait3A_1525 = tpu.memref_slice %arg7[%dma_wait3A_1517, %dma_wait3A_1518, %dma_wait3A_1524] : memref<10x4x128xi32, #tpu.memory_space<vmem>> -> memref<1x1x128xi32, #tpu.memory_space<vmem>>
    %dma_wait3A_1526 = tpu.memref_squeeze %dma_wait3A_1525 : memref<1x1x128xi32, #tpu.memory_space<vmem>> -> memref<128xi32, #tpu.memory_space<vmem>>
    %dma_wait3A_1527 = arith.constant 0 : i32
    %dma_wait3A_1528 = arith.constant 0 : i32
    %dma_wait3A_1529 = tpu.memref_slice %arg2[%dma_wait3A_1527, %dma_wait3A_1528] : memref<100000x128xf32, #tpu.memory_space<hbm>> -> memref<100000x128xf32, #tpu.memory_space<hbm>>
    tpu.wait_indirect_dma semaphore(%arg12 : memref<!tpu.dma_semaphore, #tpu.memory_space<semaphore_mem>>) src(%dma_wait3A_1529 : memref<100000x128xf32, #tpu.memory_space<hbm>>) dst(%dma_wait3A_1523 : memref<128x128xf32, #tpu.memory_space<vmem>>)
    %dma_wait3A_1530 = arith.constant 5 : i32
    %dma_wait3A_1531 = arith.constant 3 : i32
    %dma_wait3A_1532 = arith.constant 1 : i32
    %dma_wait3A_1533 = arith.constant 0 : i32
    %dma_wait3A_1534 = arith.constant 0 : i32
    %dma_wait3A_1535 = tpu.memref_slice %arg9[%dma_wait3A_1532, %dma_wait3A_1533, %dma_wait3A_1534] : memref<2x128x128xf32, #tpu.memory_space<vmem>> -> memref<1x128x128xf32, #tpu.memory_space<vmem>>
    %dma_wait3A_1536 = tpu.memref_squeeze %dma_wait3A_1535 : memref<1x128x128xf32, #tpu.memory_space<vmem>> -> memref<128x128xf32, #tpu.memory_space<vmem>>
    %dma_wait3A_1537 = arith.constant 0 : i32
    %dma_wait3A_1538 = tpu.memref_slice %arg7[%dma_wait3A_1530, %dma_wait3A_1531, %dma_wait3A_1537] : memref<10x4x128xi32, #tpu.memory_space<vmem>> -> memref<1x1x128xi32, #tpu.memory_space<vmem>>
    %dma_wait3A_1539 = tpu.memref_squeeze %dma_wait3A_1538 : memref<1x1x128xi32, #tpu.memory_space<vmem>> -> memref<128xi32, #tpu.memory_space<vmem>>
    %dma_wait3A_1540 = arith.constant 0 : i32
    %dma_wait3A_1541 = arith.constant 0 : i32
    %dma_wait3A_1542 = tpu.memref_slice %arg2[%dma_wait3A_1540, %dma_wait3A_1541] : memref<100000x128xf32, #tpu.memory_space<hbm>> -> memref<100000x128xf32, #tpu.memory_space<hbm>>
    tpu.wait_indirect_dma semaphore(%arg12 : memref<!tpu.dma_semaphore, #tpu.memory_space<semaphore_mem>>) src(%dma_wait3A_1542 : memref<100000x128xf32, #tpu.memory_space<hbm>>) dst(%dma_wait3A_1536 : memref<128x128xf32, #tpu.memory_space<vmem>>)
    %dma_wait3A_1543 = arith.constant 6 : i32
    %dma_wait3A_1544 = arith.constant 3 : i32
    %dma_wait3A_1545 = arith.constant 1 : i32
    %dma_wait3A_1546 = arith.constant 0 : i32
    %dma_wait3A_1547 = arith.constant 0 : i32
    %dma_wait3A_1548 = tpu.memref_slice %arg9[%dma_wait3A_1545, %dma_wait3A_1546, %dma_wait3A_1547] : memref<2x128x128xf32, #tpu.memory_space<vmem>> -> memref<1x128x128xf32, #tpu.memory_space<vmem>>
    %dma_wait3A_1549 = tpu.memref_squeeze %dma_wait3A_1548 : memref<1x128x128xf32, #tpu.memory_space<vmem>> -> memref<128x128xf32, #tpu.memory_space<vmem>>
    %dma_wait3A_1550 = arith.constant 0 : i32
    %dma_wait3A_1551 = tpu.memref_slice %arg7[%dma_wait3A_1543, %dma_wait3A_1544, %dma_wait3A_1550] : memref<10x4x128xi32, #tpu.memory_space<vmem>> -> memref<1x1x128xi32, #tpu.memory_space<vmem>>
    %dma_wait3A_1552 = tpu.memref_squeeze %dma_wait3A_1551 : memref<1x1x128xi32, #tpu.memory_space<vmem>> -> memref<128xi32, #tpu.memory_space<vmem>>
    %dma_wait3A_1553 = arith.constant 0 : i32
    %dma_wait3A_1554 = arith.constant 0 : i32
    %dma_wait3A_1555 = tpu.memref_slice %arg2[%dma_wait3A_1553, %dma_wait3A_1554] : memref<100000x128xf32, #tpu.memory_space<hbm>> -> memref<100000x128xf32, #tpu.memory_space<hbm>>
    tpu.wait_indirect_dma semaphore(%arg12 : memref<!tpu.dma_semaphore, #tpu.memory_space<semaphore_mem>>) src(%dma_wait3A_1555 : memref<100000x128xf32, #tpu.memory_space<hbm>>) dst(%dma_wait3A_1549 : memref<128x128xf32, #tpu.memory_space<vmem>>)
    %dma_wait3A_1556 = arith.constant 7 : i32
    %dma_wait3A_1557 = arith.constant 3 : i32
    %dma_wait3A_1558 = arith.constant 1 : i32
    %dma_wait3A_1559 = arith.constant 0 : i32
    %dma_wait3A_1560 = arith.constant 0 : i32
    %dma_wait3A_1561 = tpu.memref_slice %arg9[%dma_wait3A_1558, %dma_wait3A_1559, %dma_wait3A_1560] : memref<2x128x128xf32, #tpu.memory_space<vmem>> -> memref<1x128x128xf32, #tpu.memory_space<vmem>>
    %dma_wait3A_1562 = tpu.memref_squeeze %dma_wait3A_1561 : memref<1x128x128xf32, #tpu.memory_space<vmem>> -> memref<128x128xf32, #tpu.memory_space<vmem>>
    %dma_wait3A_1563 = arith.constant 0 : i32
    %dma_wait3A_1564 = tpu.memref_slice %arg7[%dma_wait3A_1556, %dma_wait3A_1557, %dma_wait3A_1563] : memref<10x4x128xi32, #tpu.memory_space<vmem>> -> memref<1x1x128xi32, #tpu.memory_space<vmem>>
    %dma_wait3A_1565 = tpu.memref_squeeze %dma_wait3A_1564 : memref<1x1x128xi32, #tpu.memory_space<vmem>> -> memref<128xi32, #tpu.memory_space<vmem>>
    %dma_wait3A_1566 = arith.constant 0 : i32
    %dma_wait3A_1567 = arith.constant 0 : i32
    %dma_wait3A_1568 = tpu.memref_slice %arg2[%dma_wait3A_1566, %dma_wait3A_1567] : memref<100000x128xf32, #tpu.memory_space<hbm>> -> memref<100000x128xf32, #tpu.memory_space<hbm>>
    tpu.wait_indirect_dma semaphore(%arg12 : memref<!tpu.dma_semaphore, #tpu.memory_space<semaphore_mem>>) src(%dma_wait3A_1568 : memref<100000x128xf32, #tpu.memory_space<hbm>>) dst(%dma_wait3A_1562 : memref<128x128xf32, #tpu.memory_space<vmem>>)
    %dma_wait3A_1569 = arith.constant 8 : i32
    %dma_wait3A_1570 = arith.constant 3 : i32
    %dma_wait3A_1571 = arith.constant 1 : i32
    %dma_wait3A_1572 = arith.constant 0 : i32
    %dma_wait3A_1573 = arith.constant 0 : i32
    %dma_wait3A_1574 = tpu.memref_slice %arg9[%dma_wait3A_1571, %dma_wait3A_1572, %dma_wait3A_1573] : memref<2x128x128xf32, #tpu.memory_space<vmem>> -> memref<1x128x128xf32, #tpu.memory_space<vmem>>
    %dma_wait3A_1575 = tpu.memref_squeeze %dma_wait3A_1574 : memref<1x128x128xf32, #tpu.memory_space<vmem>> -> memref<128x128xf32, #tpu.memory_space<vmem>>
    %dma_wait3A_1576 = arith.constant 0 : i32
    %dma_wait3A_1577 = tpu.memref_slice %arg7[%dma_wait3A_1569, %dma_wait3A_1570, %dma_wait3A_1576] : memref<10x4x128xi32, #tpu.memory_space<vmem>> -> memref<1x1x128xi32, #tpu.memory_space<vmem>>
    %dma_wait3A_1578 = tpu.memref_squeeze %dma_wait3A_1577 : memref<1x1x128xi32, #tpu.memory_space<vmem>> -> memref<128xi32, #tpu.memory_space<vmem>>
    %dma_wait3A_1579 = arith.constant 0 : i32
    %dma_wait3A_1580 = arith.constant 0 : i32
    %dma_wait3A_1581 = tpu.memref_slice %arg2[%dma_wait3A_1579, %dma_wait3A_1580] : memref<100000x128xf32, #tpu.memory_space<hbm>> -> memref<100000x128xf32, #tpu.memory_space<hbm>>
    tpu.wait_indirect_dma semaphore(%arg12 : memref<!tpu.dma_semaphore, #tpu.memory_space<semaphore_mem>>) src(%dma_wait3A_1581 : memref<100000x128xf32, #tpu.memory_space<hbm>>) dst(%dma_wait3A_1575 : memref<128x128xf32, #tpu.memory_space<vmem>>)
    %dma_wait3A_1582 = arith.constant 9 : i32
    %dma_wait3A_1583 = arith.constant 3 : i32
    %dma_wait3A_1584 = arith.constant 1 : i32
    %dma_wait3A_1585 = arith.constant 0 : i32
    %dma_wait3A_1586 = arith.constant 0 : i32
    %dma_wait3A_1587 = tpu.memref_slice %arg9[%dma_wait3A_1584, %dma_wait3A_1585, %dma_wait3A_1586] : memref<2x128x128xf32, #tpu.memory_space<vmem>> -> memref<1x128x128xf32, #tpu.memory_space<vmem>>
    %dma_wait3A_1588 = tpu.memref_squeeze %dma_wait3A_1587 : memref<1x128x128xf32, #tpu.memory_space<vmem>> -> memref<128x128xf32, #tpu.memory_space<vmem>>
    %dma_wait3A_1589 = arith.constant 0 : i32
    %dma_wait3A_1590 = tpu.memref_slice %arg7[%dma_wait3A_1582, %dma_wait3A_1583, %dma_wait3A_1589] : memref<10x4x128xi32, #tpu.memory_space<vmem>> -> memref<1x1x128xi32, #tpu.memory_space<vmem>>
    %dma_wait3A_1591 = tpu.memref_squeeze %dma_wait3A_1590 : memref<1x1x128xi32, #tpu.memory_space<vmem>> -> memref<128xi32, #tpu.memory_space<vmem>>
    %dma_wait3A_1592 = arith.constant 0 : i32
    %dma_wait3A_1593 = arith.constant 0 : i32
    %dma_wait3A_1594 = tpu.memref_slice %arg2[%dma_wait3A_1592, %dma_wait3A_1593] : memref<100000x128xf32, #tpu.memory_space<hbm>> -> memref<100000x128xf32, #tpu.memory_space<hbm>>
    tpu.wait_indirect_dma semaphore(%arg12 : memref<!tpu.dma_semaphore, #tpu.memory_space<semaphore_mem>>) src(%dma_wait3A_1594 : memref<100000x128xf32, #tpu.memory_space<hbm>>) dst(%dma_wait3A_1588 : memref<128x128xf32, #tpu.memory_space<vmem>>)
    %dma_wait3A_1595 = arith.constant 3 : i32
    %dma_wait3A_1596 = arith.constant 1 : i32
    %dma_wait3A_1597 = arith.constant 0 : i32
    %dma_wait3A_1598 = arith.constant 0 : i32
    %dma_wait3A_1599 = tpu.memref_slice %arg8[%dma_wait3A_1596, %dma_wait3A_1597, %dma_wait3A_1598] : memref<2x128x128xf32, #tpu.memory_space<vmem>> -> memref<1x128x128xf32, #tpu.memory_space<vmem>>
    %dma_wait3A_1600 = tpu.memref_squeeze %dma_wait3A_1599 : memref<1x128x128xf32, #tpu.memory_space<vmem>> -> memref<128x128xf32, #tpu.memory_space<vmem>>
    %dma_wait3A_1601 = arith.constant 0 : i32
    %dma_wait3A_1602 = tpu.memref_slice %arg6[%dma_wait3A_1595, %dma_wait3A_1601] : memref<4x128xi32, #tpu.memory_space<vmem>> -> memref<1x128xi32, #tpu.memory_space<vmem>>
    %dma_wait3A_1603 = tpu.memref_squeeze %dma_wait3A_1602 : memref<1x128xi32, #tpu.memory_space<vmem>> -> memref<128xi32, #tpu.memory_space<vmem>>
    %dma_wait3A_1604 = arith.constant 0 : i32
    %dma_wait3A_1605 = arith.constant 0 : i32
    %dma_wait3A_1606 = tpu.memref_slice %arg2[%dma_wait3A_1604, %dma_wait3A_1605] : memref<100000x128xf32, #tpu.memory_space<hbm>> -> memref<100000x128xf32, #tpu.memory_space<hbm>>
    tpu.wait_indirect_dma semaphore(%arg14 : memref<!tpu.dma_semaphore, #tpu.memory_space<semaphore_mem>>) src(%dma_wait3A_1606 : memref<100000x128xf32, #tpu.memory_space<hbm>>) dst(%dma_wait3A_1600 : memref<128x128xf32, #tpu.memory_space<vmem>>)
    %add3A_1607 = arith.constant 3 : i32
    %add3A_1608 = arith.addi %mul3A_2, %add3A_1607 : i32
    %mul3A_1609 = arith.constant 128 : i32
    %mul3A_1610 = arith.muli %add3A_1608, %mul3A_1609 : i32
    %dma_start3A_1611 = arith.constant 1 : i32
    %dma_start3A_1612 = arith.constant 0 : i32
    %dma_start3A_1613 = arith.constant 0 : i32
    %dma_start3A_1614 = tpu.memref_slice %arg8[%dma_start3A_1611, %dma_start3A_1612, %dma_start3A_1613] : memref<2x128x128xf32, #tpu.memory_space<vmem>> -> memref<1x128x128xf32, #tpu.memory_space<vmem>>
    %dma_start3A_1615 = tpu.memref_squeeze %dma_start3A_1614 : memref<1x128x128xf32, #tpu.memory_space<vmem>> -> memref<128x128xf32, #tpu.memory_space<vmem>>
    %dma_start3A_1616 = arith.constant 0 : i32
    %dma_start3A_1617 = tpu.memref_slice %arg5[%mul3A_1610, %dma_start3A_1616] : memref<16384x256xf32, #tpu.memory_space<hbm>> -> memref<128x128xf32, #tpu.memory_space<hbm>>
    %dma_start3A_1618 = arith.constant 0 : i32
    %dma_start3A_1619 = tpu.memref_slice %arg5[%mul3A_1610, %dma_start3A_1618] : memref<16384x256xf32, #tpu.memory_space<hbm>> -> memref<128x128xf32, #tpu.memory_space<hbm>>
    %dma_start3A_1620 = arith.constant 0 : i32
    %dma_start3A_1621 = arith.constant 0 : i32
    %dma_start3A_1622 = tpu.memref_slice %arg8[%dma_start3A_1611, %dma_start3A_1620, %dma_start3A_1621] : memref<2x128x128xf32, #tpu.memory_space<vmem>> -> memref<1x128x128xf32, #tpu.memory_space<vmem>>
    %dma_start3A_1623 = tpu.memref_squeeze %dma_start3A_1622 : memref<1x128x128xf32, #tpu.memory_space<vmem>> -> memref<128x128xf32, #tpu.memory_space<vmem>>
    tpu.enqueue_dma source(%dma_start3A_1623 : memref<128x128xf32, #tpu.memory_space<vmem>>) target(%dma_start3A_1619 : memref<128x128xf32, #tpu.memory_space<hbm>>) target_semaphore(%arg16 : memref<!tpu.dma_semaphore, #tpu.memory_space<semaphore_mem>>)
    %dma_start3A_1624 = arith.constant 1 : i32
    %dma_start3A_1625 = arith.constant 0 : i32
    %dma_start3A_1626 = arith.constant 0 : i32
    %dma_start3A_1627 = tpu.memref_slice %arg9[%dma_start3A_1624, %dma_start3A_1625, %dma_start3A_1626] : memref<2x128x128xf32, #tpu.memory_space<vmem>> -> memref<1x128x128xf32, #tpu.memory_space<vmem>>
    %dma_start3A_1628 = tpu.memref_squeeze %dma_start3A_1627 : memref<1x128x128xf32, #tpu.memory_space<vmem>> -> memref<128x128xf32, #tpu.memory_space<vmem>>
    %dma_start3A_1629 = arith.constant 128 : i32
    %dma_start3A_1630 = tpu.memref_slice %arg5[%mul3A_1610, %dma_start3A_1629] : memref<16384x256xf32, #tpu.memory_space<hbm>> -> memref<128x128xf32, #tpu.memory_space<hbm>>
    %dma_start3A_1631 = arith.constant 128 : i32
    %dma_start3A_1632 = tpu.memref_slice %arg5[%mul3A_1610, %dma_start3A_1631] : memref<16384x256xf32, #tpu.memory_space<hbm>> -> memref<128x128xf32, #tpu.memory_space<hbm>>
    %dma_start3A_1633 = arith.constant 0 : i32
    %dma_start3A_1634 = arith.constant 0 : i32
    %dma_start3A_1635 = tpu.memref_slice %arg9[%dma_start3A_1624, %dma_start3A_1633, %dma_start3A_1634] : memref<2x128x128xf32, #tpu.memory_space<vmem>> -> memref<1x128x128xf32, #tpu.memory_space<vmem>>
    %dma_start3A_1636 = tpu.memref_squeeze %dma_start3A_1635 : memref<1x128x128xf32, #tpu.memory_space<vmem>> -> memref<128x128xf32, #tpu.memory_space<vmem>>
    tpu.enqueue_dma source(%dma_start3A_1636 : memref<128x128xf32, #tpu.memory_space<vmem>>) target(%dma_start3A_1632 : memref<128x128xf32, #tpu.memory_space<hbm>>) target_semaphore(%arg16 : memref<!tpu.dma_semaphore, #tpu.memory_space<semaphore_mem>>)
    %dma_wait3A_1637 = arith.constant 0 : i32
    %dma_wait3A_1638 = arith.constant 0 : i32
    %dma_wait3A_1639 = arith.constant 0 : i32
    %dma_wait3A_1640 = tpu.memref_slice %arg8[%dma_wait3A_1637, %dma_wait3A_1638, %dma_wait3A_1639] : memref<2x128x128xf32, #tpu.memory_space<vmem>> -> memref<1x128x128xf32, #tpu.memory_space<vmem>>
    %dma_wait3A_1641 = tpu.memref_squeeze %dma_wait3A_1640 : memref<1x128x128xf32, #tpu.memory_space<vmem>> -> memref<128x128xf32, #tpu.memory_space<vmem>>
    %dma_wait3A_1642 = arith.constant 0 : i32
    %dma_wait3A_1643 = tpu.memref_slice %arg5[%mul3A_1321, %dma_wait3A_1642] : memref<16384x256xf32, #tpu.memory_space<hbm>> -> memref<128x128xf32, #tpu.memory_space<hbm>>
    %dma_wait3A_1644 = arith.constant 0 : i32
    %dma_wait3A_1645 = tpu.memref_slice %arg5[%mul3A_1321, %dma_wait3A_1644] : memref<16384x256xf32, #tpu.memory_space<hbm>> -> memref<128x128xf32, #tpu.memory_space<hbm>>
    %dma_wait3A_1646 = arith.constant 0 : i32
    %dma_wait3A_1647 = arith.constant 0 : i32
    %dma_wait3A_1648 = tpu.memref_slice %arg8[%dma_wait3A_1637, %dma_wait3A_1646, %dma_wait3A_1647] : memref<2x128x128xf32, #tpu.memory_space<vmem>> -> memref<1x128x128xf32, #tpu.memory_space<vmem>>
    %dma_wait3A_1649 = tpu.memref_squeeze %dma_wait3A_1648 : memref<1x128x128xf32, #tpu.memory_space<vmem>> -> memref<128x128xf32, #tpu.memory_space<vmem>>
    tpu.wait_dma2 semaphore(%arg15 : memref<!tpu.dma_semaphore, #tpu.memory_space<semaphore_mem>>) src(%dma_wait3A_1649 : memref<128x128xf32, #tpu.memory_space<vmem>>) dst(%dma_wait3A_1645 : memref<128x128xf32, #tpu.memory_space<hbm>>)
    %dma_wait3A_1650 = arith.constant 0 : i32
    %dma_wait3A_1651 = arith.constant 0 : i32
    %dma_wait3A_1652 = arith.constant 0 : i32
    %dma_wait3A_1653 = tpu.memref_slice %arg9[%dma_wait3A_1650, %dma_wait3A_1651, %dma_wait3A_1652] : memref<2x128x128xf32, #tpu.memory_space<vmem>> -> memref<1x128x128xf32, #tpu.memory_space<vmem>>
    %dma_wait3A_1654 = tpu.memref_squeeze %dma_wait3A_1653 : memref<1x128x128xf32, #tpu.memory_space<vmem>> -> memref<128x128xf32, #tpu.memory_space<vmem>>
    %dma_wait3A_1655 = arith.constant 128 : i32
    %dma_wait3A_1656 = tpu.memref_slice %arg5[%mul3A_1321, %dma_wait3A_1655] : memref<16384x256xf32, #tpu.memory_space<hbm>> -> memref<128x128xf32, #tpu.memory_space<hbm>>
    %dma_wait3A_1657 = arith.constant 128 : i32
    %dma_wait3A_1658 = tpu.memref_slice %arg5[%mul3A_1321, %dma_wait3A_1657] : memref<16384x256xf32, #tpu.memory_space<hbm>> -> memref<128x128xf32, #tpu.memory_space<hbm>>
    %dma_wait3A_1659 = arith.constant 0 : i32
    %dma_wait3A_1660 = arith.constant 0 : i32
    %dma_wait3A_1661 = tpu.memref_slice %arg9[%dma_wait3A_1650, %dma_wait3A_1659, %dma_wait3A_1660] : memref<2x128x128xf32, #tpu.memory_space<vmem>> -> memref<1x128x128xf32, #tpu.memory_space<vmem>>
    %dma_wait3A_1662 = tpu.memref_squeeze %dma_wait3A_1661 : memref<1x128x128xf32, #tpu.memory_space<vmem>> -> memref<128x128xf32, #tpu.memory_space<vmem>>
    tpu.wait_dma2 semaphore(%arg15 : memref<!tpu.dma_semaphore, #tpu.memory_space<semaphore_mem>>) src(%dma_wait3A_1662 : memref<128x128xf32, #tpu.memory_space<vmem>>) dst(%dma_wait3A_1658 : memref<128x128xf32, #tpu.memory_space<hbm>>)
    %dma_wait3A_1663 = arith.constant 1 : i32
    %dma_wait3A_1664 = arith.constant 0 : i32
    %dma_wait3A_1665 = arith.constant 0 : i32
    %dma_wait3A_1666 = tpu.memref_slice %arg8[%dma_wait3A_1663, %dma_wait3A_1664, %dma_wait3A_1665] : memref<2x128x128xf32, #tpu.memory_space<vmem>> -> memref<1x128x128xf32, #tpu.memory_space<vmem>>
    %dma_wait3A_1667 = tpu.memref_squeeze %dma_wait3A_1666 : memref<1x128x128xf32, #tpu.memory_space<vmem>> -> memref<128x128xf32, #tpu.memory_space<vmem>>
    %dma_wait3A_1668 = arith.constant 0 : i32
    %dma_wait3A_1669 = tpu.memref_slice %arg5[%mul3A_1610, %dma_wait3A_1668] : memref<16384x256xf32, #tpu.memory_space<hbm>> -> memref<128x128xf32, #tpu.memory_space<hbm>>
    %dma_wait3A_1670 = arith.constant 0 : i32
    %dma_wait3A_1671 = tpu.memref_slice %arg5[%mul3A_1610, %dma_wait3A_1670] : memref<16384x256xf32, #tpu.memory_space<hbm>> -> memref<128x128xf32, #tpu.memory_space<hbm>>
    %dma_wait3A_1672 = arith.constant 0 : i32
    %dma_wait3A_1673 = arith.constant 0 : i32
    %dma_wait3A_1674 = tpu.memref_slice %arg8[%dma_wait3A_1663, %dma_wait3A_1672, %dma_wait3A_1673] : memref<2x128x128xf32, #tpu.memory_space<vmem>> -> memref<1x128x128xf32, #tpu.memory_space<vmem>>
    %dma_wait3A_1675 = tpu.memref_squeeze %dma_wait3A_1674 : memref<1x128x128xf32, #tpu.memory_space<vmem>> -> memref<128x128xf32, #tpu.memory_space<vmem>>
    tpu.wait_dma2 semaphore(%arg16 : memref<!tpu.dma_semaphore, #tpu.memory_space<semaphore_mem>>) src(%dma_wait3A_1675 : memref<128x128xf32, #tpu.memory_space<vmem>>) dst(%dma_wait3A_1671 : memref<128x128xf32, #tpu.memory_space<hbm>>)
    %dma_wait3A_1676 = arith.constant 1 : i32
    %dma_wait3A_1677 = arith.constant 0 : i32
    %dma_wait3A_1678 = arith.constant 0 : i32
    %dma_wait3A_1679 = tpu.memref_slice %arg9[%dma_wait3A_1676, %dma_wait3A_1677, %dma_wait3A_1678] : memref<2x128x128xf32, #tpu.memory_space<vmem>> -> memref<1x128x128xf32, #tpu.memory_space<vmem>>
    %dma_wait3A_1680 = tpu.memref_squeeze %dma_wait3A_1679 : memref<1x128x128xf32, #tpu.memory_space<vmem>> -> memref<128x128xf32, #tpu.memory_space<vmem>>
    %dma_wait3A_1681 = arith.constant 128 : i32
    %dma_wait3A_1682 = tpu.memref_slice %arg5[%mul3A_1610, %dma_wait3A_1681] : memref<16384x256xf32, #tpu.memory_space<hbm>> -> memref<128x128xf32, #tpu.memory_space<hbm>>
    %dma_wait3A_1683 = arith.constant 128 : i32
    %dma_wait3A_1684 = tpu.memref_slice %arg5[%mul3A_1610, %dma_wait3A_1683] : memref<16384x256xf32, #tpu.memory_space<hbm>> -> memref<128x128xf32, #tpu.memory_space<hbm>>
    %dma_wait3A_1685 = arith.constant 0 : i32
    %dma_wait3A_1686 = arith.constant 0 : i32
    %dma_wait3A_1687 = tpu.memref_slice %arg9[%dma_wait3A_1676, %dma_wait3A_1685, %dma_wait3A_1686] : memref<2x128x128xf32, #tpu.memory_space<vmem>> -> memref<1x128x128xf32, #tpu.memory_space<vmem>>
    %dma_wait3A_1688 = tpu.memref_squeeze %dma_wait3A_1687 : memref<1x128x128xf32, #tpu.memory_space<vmem>> -> memref<128x128xf32, #tpu.memory_space<vmem>>
    tpu.wait_dma2 semaphore(%arg16 : memref<!tpu.dma_semaphore, #tpu.memory_space<semaphore_mem>>) src(%dma_wait3A_1688 : memref<128x128xf32, #tpu.memory_space<vmem>>) dst(%dma_wait3A_1684 : memref<128x128xf32, #tpu.memory_space<hbm>>)
    return
  }
}

module attributes {stable_mosaic.version = 14 : i64} {
  func.func @body(%arg0: i32, %arg1: memref<2048x256xf32, #tpu.memory_space<vmem>>, %arg2: memref<128x256xf32, #tpu.memory_space<vmem>>, %arg3: memref<64x128xf32, #tpu.memory_space<vmem>>, %arg4: memref<2048x64xf32, #tpu.memory_space<vmem>>) attributes {dimension_semantics = [#tpu.dimension_semantics<parallel>], iteration_bounds = array<i64: 8>, scalar_prefetch = 0 : i64, scratch_operands = 0 : i64, tpu.core_type = #tpu.core_type<tc>, window_params = [{transform_indices = @transform_0, window_bounds = array<i64: 2048, 256>}, {pipeline_mode = #tpu.pipeline_mode<synchronous>, transform_indices = @transform_1, window_bounds = array<i64: 128, 256>}, {pipeline_mode = #tpu.pipeline_mode<synchronous>, transform_indices = @transform_2, window_bounds = array<i64: 64, 128>}, {transform_indices = @transform_3, window_bounds = array<i64: 2048, 64>}]} {
    %broadcast_in_dim3A = arith.constant 1.000000e+00 : f32
    %broadcast_in_dim3A_0 = vector.broadcast %broadcast_in_dim3A : f32 to vector<1x128xf32>
    %broadcast_in_dim3A_1 = arith.constant 1.000000e-01 : f32
    %broadcast_in_dim3A_2 = vector.broadcast %broadcast_in_dim3A_1 : f32 to vector<1x128xf32>
    %concatenate3A = tpu.concatenate %broadcast_in_dim3A_0, %broadcast_in_dim3A_2 in 1 : vector<1x128xf32>, vector<1x128xf32> -> vector<1x256xf32>
    %get3A = arith.constant 0 : index
    %get3A_3 = arith.constant 0 : index
    %get3A_4 = vector.load %arg2[%get3A, %get3A_3] : memref<128x256xf32, #tpu.memory_space<vmem>>, vector<128x256xf32>
    %mul3A = vector.broadcast %concatenate3A : vector<1x256xf32> to vector<128x256xf32>
    %mul3A_5 = arith.mulf %get3A_4, %mul3A : vector<128x256xf32>
    %convert_element_type3A = arith.truncf %mul3A_5 : vector<128x256xf32> to vector<128x256xbf16>
    %get3A_6 = arith.constant 0 : index
    %get3A_7 = arith.constant 0 : index
    %get3A_8 = vector.load %arg1[%get3A_6, %get3A_7] : memref<2048x256xf32, #tpu.memory_space<vmem>>, vector<2048x256xf32>
    %convert_element_type3A_9 = arith.truncf %get3A_8 : vector<2048x256xf32> to vector<2048x256xbf16>
    %transpose3A = tpu.transpose %convert_element_type3A, [1, 0] : vector<128x256xbf16> -> vector<256x128xbf16>
    %dot_general3A = arith.constant dense<0.000000e+00> : vector<2048x128xf32>
    %dot_general3A_10 = tpu.matmul %convert_element_type3A_9, %transpose3A, %dot_general3A {dimension_numbers = #tpu.dot_dimension_numbers<[1], [0], [0], [1], [0, 0, 1, 1], [], []>, transpose_lhs_hint = false} : vector<2048x256xbf16>, vector<256x128xbf16>, vector<2048x128xf32> -> vector<2048x128xf32>
    %max3A = arith.constant 0.000000e+00 : f32
    %max3A_11 = vector.broadcast %max3A : f32 to vector<2048x128xf32>
    %max3A_12 = arith.maximumf %dot_general3A_10, %max3A_11 : vector<2048x128xf32>
    %convert_element_type3A_13 = arith.truncf %max3A_12 : vector<2048x128xf32> to vector<2048x128xbf16>
    %get3A_14 = arith.constant 0 : index
    %get3A_15 = arith.constant 0 : index
    %get3A_16 = vector.load %arg3[%get3A_14, %get3A_15] : memref<64x128xf32, #tpu.memory_space<vmem>>, vector<64x128xf32>
    %transpose3A_17 = tpu.transpose %get3A_16, [1, 0] : vector<64x128xf32> -> vector<128x64xf32>
    %convert_element_type3A_18 = arith.truncf %transpose3A_17 : vector<128x64xf32> to vector<128x64xbf16>
    %dot_general3A_19 = arith.constant dense<0.000000e+00> : vector<2048x64xf32>
    %dot_general3A_20 = tpu.matmul %convert_element_type3A_13, %convert_element_type3A_18, %dot_general3A_19 {dimension_numbers = #tpu.dot_dimension_numbers<[1], [0], [0], [1], [0, 0, 1, 1], [], []>, transpose_lhs_hint = false} : vector<2048x128xbf16>, vector<128x64xbf16>, vector<2048x64xf32> -> vector<2048x64xf32>
    %swap3A = arith.constant 0 : index
    %swap3A_21 = arith.constant 0 : index
    %swap3A_22 = vector.load %arg4[%swap3A, %swap3A_21] : memref<2048x64xf32, #tpu.memory_space<vmem>>, vector<2048x64xf32>
    tpu.vector_store %arg4[%swap3A, %swap3A_21], %dot_general3A_20 {strides = array<i32>} : memref<2048x64xf32, #tpu.memory_space<vmem>>, vector<2048x64xf32>,
    return
  }
  func.func @transform_0(%arg0: i32) -> (i32, i32) {
    %c0_i32 = arith.constant 0 : i32
    %c0_i32_0 = arith.constant 0 : i32
    return %arg0, %c0_i32 : i32, i32
  }
  func.func @transform_1(%arg0: i32) -> (i32, i32) {
    %c0_i32 = arith.constant 0 : i32
    %c0_i32_0 = arith.constant 0 : i32
    %c0_i32_1 = arith.constant 0 : i32
    return %c0_i32, %c0_i32_0 : i32, i32
  }
  func.func @transform_2(%arg0: i32) -> (i32, i32) {
    %c0_i32 = arith.constant 0 : i32
    %c0_i32_0 = arith.constant 0 : i32
    %c0_i32_1 = arith.constant 0 : i32
    return %c0_i32, %c0_i32_0 : i32, i32
  }
  func.func @transform_3(%arg0: i32) -> (i32, i32) {
    %c0_i32 = arith.constant 0 : i32
    %c0_i32_0 = arith.constant 0 : i32
    return %arg0, %c0_i32 : i32, i32
  }
}

</mosaic_0001>

<sc_bundles>
// kernel: kernel.4.cloned.1.call-start
scs
__scs_entry_jumppad:
0x0: {  	(pc) =	sbr.rel $0x88, $3  }
0x1: {  	(tag) =	ssettag $0x0;
	lr =	simm.s32 $0x1  }
0x2: {  	[smem:$0x3F9C] =	sst lr;
	_ =	strace $0xD0000000  }
0x3: {  	_ = 	snop  }
0x4: {  	_ = 	snop  }
0x5: {  	_ = 	snop  }
0x6: {  	_ = 	snop  }
0x7: {  	_ = 	snop  }
__scs_overlays_trampoline_lowered:
0x8: {  	[smem:$0x3FAB] =	sst s0  }
0x9: {  	[smem:$0x3FAC] =	sst s1  }
0xa: {  	[smem:$0x3FAD] =	sst s2  }
0xb: {  	[smem:$0x3FAE] =	sst s3  }
0xc: {  	[smem:$0x3FAF] =	sst s4  }
0xd: {  	[smem:$0x3FB0] =	sst s5  }
0xe: {  	[smem:$0x3FB1] =	sst s6  }
0xf: {  	[smem:$0x3FB2] =	sst s7  }
0x10: {  	[smem:$0x3FB3] =	sst s8  }
0x11: {  	[smem:$0x3FB4] =	sst s9;
	s0 =	simm.s32 @!p0 $0x0  }
0x12: {  	s1 =	sld [smem:$0x3F9A];
	s0 =	simm.s32 @p0 $0x1  }
0x13: {  	[smem:$0x3FB5] =	sst s0;
	s0 =	simm.s32 @!p1 $0x0  }
0x14: {  	s2 =	sld [smem:$0x3F99];
	s0 =	simm.s32 @p1 $0x1  }
0x15: {  	[smem:$0x3FB6] =	sst s0;
	s0 =	simm.s32 @!p2 $0x0  }
0x16: {  	s3 =	sld [smem:$0x3FDB];
	s0 =	simm.s32 @p2 $0x1  }
0x17: {  	s4 =	simm.s32 $0x1BF5;
	[smem:$0x3FB8] =	sst s0  }
0x18: {  	s0 =	sld [smem:$0x3F9B];
	_ =	swait.ge [sflag:s4], $0x0  }
0x19: {  	s7 =	sld [smem:$0x3F9C]  }
0x1a: {  	s8 =	sadd.s32 $0xFFFFE003, lr  }
0x1b: {  	s9 =	sadd.s32 $0xFFFFFEF7, lr;
	s5 =	simm.s32 $0xFFFFFFFF;
	p2 =	slt.u32 s8, $0xFFFFF086  }
0x1c: {  	p1 =	slt.u32 s9, $0xF7A;
	s5 =	simm.s32 @!p2 $0x0  }
0x1d: {  	s5 =	simm.s32 @p1 $0x1;
	p0 =	seq.s32 s7, s2  }
0x1e: {  	s7 =	smul.u32 @!p0 $0xF7A, s2;
	p2 =	seq.s32 @!p0 s5, $0x0  }
0x1f: {  	s9 =	smul.u32 $0xF7A, s1;
	s8 =	simm.s32 @!p0 $0x1BF5;
	p2 =	por !p2, p0  }
0x20: {  	[sflag:s8] =	ssyncset.s32 @!p0 $0xFFFFF086;
	s6 =	sadd.s32 @!p0 s3, s7;
	s7 =	simm.s32 @!p0 $0x108  }
0x21: {  	s3 =	sadd.s32 s3, s9;
	s6 =	sadd.s32 @!p0 $0x88, s6;
	s7 =	simm.s32 @p2 $0x1082  }
0x22: {  	[simem:s7], [sflag:s8] =	dma.local @!p0 [hbm:s6], $0xF7A  }
0x23: {  	s9 =	sor.u32 $0xD0000000, s2;
	s6 =	simm.s32 $0x108;
	_ =	swait.ge @!p0 [sflag:s8], $0x0  }
0x24: {  	s3 =	sadd.s32 $0x88, s3;
	s6 =	simm.s32 @!p1 $0x1082;
	[sflag:s4] =	ssyncset.s32 $0xFFFFF086  }
0x25: {  	[simem:s6], [sflag:s4] =	dma.local [hbm:s3], $0xF7A  }
0x26: {  	[smem:$0x3F9C] =	sst s1;
	(tag) =	ssettag s2;
	_ =	strace s9  }
0x27: {  	s1 =	sld [smem:$0x3FAC]  }
0x28: {  	s2 =	sld [smem:$0x3FAD]  }
0x29: {  	s4 =	sld [smem:$0x3FAF]  }
0x2a: {  	p0 =	seq.s32 s5, $0x0;
	s5 =	sld [smem:$0x3FB0]  }
0x2b: {  	s6 =	sld [smem:$0x3FB1]  }
0x2c: {  	s7 =	sld [smem:$0x3FB2]  }
0x2d: {  	s3 =	simm.s32 $0x108;
	s8 =	sld [smem:$0x3FB3]  }
0x2e: {  	s3 =	simm.s32 @!p0 $0x1082;
	s9 =	sld [smem:$0x3FB4]  }
0x2f: {  	lr =	sadd.s32 s0, s3;
	s0 =	sld [smem:$0x3FAB]  }
0x30: {  	s3 =	sld [smem:$0x3FAE]  }
0x31: {  	[smem:$0x3FB7] =	sst s10  }
0x32: {  	s10 =	sld [smem:$0x3FB5];
	_ =	sdelay $0x3  }
0x33: {  	p0 =	seq.s32 s10, $0x1;
	s10 =	sld [smem:$0x3FB7];
	_ =	sdelay $0x3  }
0x34: {  	[smem:$0x3FB7] =	sst s10  }
0x35: {  	s10 =	sld [smem:$0x3FB6];
	_ =	sdelay $0x3  }
0x36: {  	p1 =	seq.s32 s10, $0x1;
	s10 =	sld [smem:$0x3FB7];
	_ =	sdelay $0x3  }
0x37: {  	[smem:$0x3FB7] =	sst s10  }
0x38: {  	s10 =	sld [smem:$0x3FB8]  }
0x39: {  	_ = 	snop;
	(pc) =	sbr.ind lr, $3  }
0x3a: {  	_ = 	snop  }
0x3b: {  	_ = 	snop  }
0x3c: {  	p2 =	seq.s32 s10, $0x1;
	s10 =	sld [smem:$0x3FB7]  }
0x3d: {  	_ =	shalt  }
0x3e: {  	_ =	shalt  }
0x3f: {  	_ =	shalt  }
0x40: {  	_ =	shalt  }
0x41: {  	_ =	shalt  }
0x42: {  	_ =	shalt  }
0x43: {  	_ =	shalt  }
0x44: {  	_ =	shalt  }
0x45: {  	_ =	shalt  }
0x46: {  	_ =	shalt  }
0x47: {  	_ =	shalt  }
0x48: {  	_ =	shalt  }
0x49: {  	_ =	shalt  }
0x4a: {  	_ =	shalt  }
0x4b: {  	_ =	shalt  }
0x4c: {  	_ =	shalt  }
0x4d: {  	_ =	shalt  }
0x4e: {  	_ =	shalt  }
0x4f: {  	_ =	shalt  }
0x50: {  	_ =	shalt  }
0x51: {  	_ =	shalt  }
0x52: {  	_ =	shalt  }
0x53: {  	_ =	shalt  }
0x54: {  	_ =	shalt  }
0x55: {  	_ =	shalt  }
0x56: {  	_ =	shalt  }
0x57: {  	_ =	shalt  }
0x58: {  	_ =	shalt  }
0x59: {  	_ =	shalt  }
0x5a: {  	_ =	shalt  }
0x5b: {  	_ =	shalt  }
0x5c: {  	_ =	shalt  }
0x5d: {  	_ =	shalt  }
0x5e: {  	_ =	shalt  }
0x5f: {  	_ =	shalt  }
0x60: {  	_ =	shalt  }
0x61: {  	_ =	shalt  }
0x62: {  	_ =	shalt  }
0x63: {  	_ =	shalt  }
0x64: {  	_ =	shalt  }
0x65: {  	_ =	shalt  }
0x66: {  	_ =	shalt  }
0x67: {  	_ =	shalt  }
0x68: {  	_ =	shalt  }
0x69: {  	_ =	shalt  }
0x6a: {  	_ =	shalt  }
0x6b: {  	_ =	shalt  }
0x6c: {  	_ =	shalt  }
0x6d: {  	_ =	shalt  }
0x6e: {  	_ =	shalt  }
0x6f: {  	_ =	shalt  }
0x70: {  	_ =	shalt  }
0x71: {  	_ =	shalt  }
0x72: {  	_ =	shalt  }
0x73: {  	_ =	shalt  }
0x74: {  	_ =	shalt  }
0x75: {  	_ =	shalt  }
0x76: {  	_ =	shalt  }
0x77: {  	_ =	shalt  }
0x78: {  	_ =	shalt  }
0x79: {  	_ =	shalt  }
0x7a: {  	_ =	shalt  }
0x7b: {  	_ =	shalt  }
0x7c: {  	_ =	shalt  }
0x7d: {  	_ =	shalt  }
0x7e: {  	_ =	shalt  }
0x7f: {  	_ =	shalt  }
0x80: {  	_ =	shalt  }
0x81: {  	_ =	shalt  }
0x82: {  	_ =	shalt  }
0x83: {  	_ =	shalt  }
0x84: {  	_ =	shalt  }
0x85: {  	_ =	shalt  }
0x86: {  	_ =	shalt  }
0x87: {  	_ =	shalt  }
.Lfunc_end0:
.L_simem_size_0:
called_computation_lowered:
.L_overlay_start_0:
0x88: {  	s2 =	sld [smem:$0x3FD9]  }
0x89: {  	s3 =	sld [smem:$0x3FFE];
	_ =	sdelay $0x1  }
0x8a: {  	s1 =	srdreg.scid  }
0x8b: {  	s0 =	sand.u32 $0x1, s1  }
0x8c: {  	s17 =	sshll.u32 s0, $0xA;
	s2 =	sadd.s32 s3, s2  }
0x8d: {  	s2 =	sadd.s32 s2, s17  }
0x8e: {  	[smem:$0x3FC3] =	sst s2  }
0x8f: {  	_ = 	snop  }
0x90: {  	s2 =	sld [smem:$0x3FC9]  }
0x91: {  	s18 =	sld [smem:$0x3FC7]  }
0x92: {  	s4 =	sld [smem:$0x3FD0];
	(tm) =	ssettm $0x1  }
0x93: {  	s5 =	sld [smem:$0x3FFB];
	_ =	sdelay $0x3  }
0x94: {  	_ =	strace s5  }
0x95: {  	s5 =	sld [smem:$0x3FFC];
	_ =	sdelay $0x3  }
0x96: {  	_ =	strace s5  }
0x97: {  	s5 =	sld [smem:$0x3FFD];
	_ =	sdelay $0x3  }
0x98: {  	_ =	strace s5  }
0x99: {  	_ =	strace $0x8FFFFFFF  }
0x9a: {  	s19 =	sld [smem:$0x3FDB];
	_ =	sdelay $0x1  }
0x9b: {  	s6 =	simm.s32 $_scs_section_size  }
0x9c: {  	s7 =	simm.s32 $_size__tile_overlayer_lowered;
	s8 =	simm.s32 $_tile_overlayer_lowered  }
0x9d: {  	s22 =	simm.s32 $0x1BFF;
	s21 =	sshll.u32 s8, $0x1;
	s5 =	sadd.s32 s6, s19  }
0x9e: {  	s9 =	simm.s32 $0x0;
	s20 =	sshll.u32 s7, $0x1;
	s7 =	sadd.s32 s21, s5  }
0x9f: {  	[timem:s9], [sflag:s22] =	dma.local [hbm:s7], s20  }
0xa0: {  	_ =	swait.ge [sflag:s22], s20  }
0xa1: {  	s6 =	ssub.s32 $0x0, s20;
	[sflag:s22] =	ssyncset.done $0x0  }
0xa2: {  	[sflag:s22] =	ssyncadd.s32 s6;
	_ =	sdelay $0x1  }
0xa3: {  	s23 =	simm.s32 $0x1B8B  }
0xa4: {  	_ =	swait.ge [sflag:s23], $0x1  }
0xa5: {  	[sflag:s23] =	ssyncset.done $0x0  }
0xa6: {  	s25 =	simm.s32 $0x1B8E;
	s24 =	sld [smem:$0x3FFE];
	[sflag:s23] =	ssyncadd.s32 $0xFFFFFFFF  }
0xa7: {  	s26 =	simm.s32 $execute0_lowered;
	[smem:$0x3FD2] =	sst s25  }
0xa8: {  	s7 =	sshll.u32 s26, $0x1;
	_ =	strace $0x80000046;
	[dreg:$0x1] =	wrdreg $0xFFFFFFFF  }
0xa9: {  	s28 =	simm.s32 $_size_execute0_lowered;
	s5 =	sadd.s32 s5, s7;
	[dreg:$0x0] =	wrdreg $0x0  }
0xaa: {  	s7 =	sshll.u32 s28, $0x1;
	[dreg:$0x2] =	wrdreg s5  }
0xab: {  	[dreg:$0x3] =	wrdreg s7  }
0xac: {  	[dreg:$0x4] =	wrdreg $0xC0  }
0xad: {  	_ =	task [dreg:s9], $0x5FFFF  }
0xae: {  	[dreg:$0x1] =	wrdreg $0xFFFFFFFF  }
0xaf: {  	[dreg:$0x0] =	wrdreg $0x60  }
0xb0: {  	[dreg:$0x2] =	wrdreg s18  }
0xb1: {  	[dreg:$0x3] =	wrdreg s2  }
0xb2: {  	[dreg:$0x4] =	wrdreg s4  }
0xb3: {  	[dreg:$0x5] =	wrdreg s24  }
0xb4: {  	[dreg:$0x6] =	wrdreg $0x9  }
0xb5: {  	_ =	task.clear_ibuf [dreg:s9], $0x7FFFF;
	_ =	strace $0x90000046  }
0xb6: {  	s29 =	simm.s32 $0x9;
	_ =	strace $0x80000048  }
0xb7: {  	_ =	swait.ge [sflag:s29], $0x1  }
0xb8: {  	[sflag:s29] =	ssyncadd.s32 $0xFFFFFFFF  }
0xb9: {  	_ =	strace $0x90000048  }
0xba: {  	_ =	sfence  }
0xbb: {  	s30 =	sld [smem:$0x0];
	_ =	sdelay $0x2  }
0xbc: {  	s31 =	sshll.u32 s1, $0xD;
	s1 =	sshrl.u32 s1, $0x2  }
0xbd: {  	s3 =	sand.u32 $0x4000, s31;
	s1 =	sadd.s32 s1, s30  }
0xbe: {  	s0 =	sor.u32 s3, s0;
	s1 =	sshll.u32 s1, $0x11  }
0xbf: {  	s0 =	sor.u32 s1, s0  }
0xc0: {  	s0 =	sadd.s32 $0x8F2B, s0  }
0xc1: {  	[sflag:s0] =	ssyncadd.remote.s32 $0x1  }
0xc2: {  	_ =	sfence.sel $0xFFFF  }
0xc3: {  	[dreg:$0x0] =	wrdreg $0xFFFFFFFF;
	(pc) =	sbr.abs _section_cstart, $3  }
0xc4: {  	[dreg:$0x1] =	wrdreg $0xFFFFFFFF  }
0xc5: {  	_ =	task.clear_ibuf [dreg:s9], $0x2FFFF;
	_ =	strace $0x9FFFFFFF  }
0xc6: {  	(tm) =	ssettm $0x7FFFFFFF  }
0xc7: {  	_ =	shalt  }
tec
execute0_lowered:
.L_overlay_start_1:
0x0: {  	(tag) =	ssettag $0x1  }
0x1: {  	s2 =	rddreg [dreg:$0x0]  }
0x2: {  	s0 =	rddreg [dreg:$0x1]  }
0x3: {  	s1 =	rddreg [dreg:$0x2]  }
0x4: {  	s3 =	rddreg [dreg:$0x3]  }
0x5: {  	s4 =	srdreg.scid;
	s15 =	rddreg [dreg:$0x4]  }
0x6: {  	s7 =	stileid.u32;
	s20 =	simm.s32 $0x0;
	s4 =	sand.u32 $0x1, s4  }
0x7: {  	s5 =	sshll.u32 s7, $0x7;
	[smem:$0x7FF] =	sst s20;
	s6 =	sshll.u32 s4, $0x6  }
0x8: {  	s23 =	simm.s32 $0x280;
	_ =	strace $0x80000047;
	s5 =	sor.u32 s6, s5  }
0x9: {  	[dreg:$0x17] =	wrdreg s23;
	s0 =	sadd.s32 s0, s5;
	s21 =	sadd.s32 s1, s5  }
0xa: {  	[dreg:$0x5] =	wrdreg s0;
	s24 =	sadd.s32 $0x800, s21  }
0xb: {  	s25 =	sadd.s32 $0x1000, s21;
	[dreg:$0x6] =	wrdreg s24  }
0xc: {  	s26 =	sadd.s32 $0x1800, s21;
	[dreg:$0x7] =	wrdreg s25  }
0xd: {  	s1 =	sadd.s32 $0x2000, s21;
	[dreg:$0x8] =	wrdreg s26  }
0xe: {  	s5 =	sadd.s32 $0x2800, s21;
	[dreg:$0x9] =	wrdreg s1  }
0xf: {  	s6 =	sshll.u32 s7, $0xF;
	s7 =	sadd.s32 $0x3000, s21;
	[dreg:$0xa] =	wrdreg s5  }
0x10: {  	s9 =	sadd.s32 $0x3800, s21;
	[dreg:$0xb] =	wrdreg s7  }
0x11: {  	s10 =	sadd.s32 $0x4000, s21;
	[dreg:$0xc] =	wrdreg s9  }
0x12: {  	s11 =	sadd.s32 $0x4800, s21;
	[dreg:$0xd] =	wrdreg s10  }
0x13: {  	[dreg:$0xe] =	wrdreg s11;
	s24 =	simm.s32 $0x480  }
0x14: {  	s25 =	simm.s32 $0x680;
	[dreg:$0x18] =	wrdreg s24  }
0x15: {  	s8 =	sshll.u32 s4, $0xE;
	s26 =	simm.s32 $0x880;
	[dreg:$0x19] =	wrdreg s25  }
0x16: {  	s1 =	sor.u32 s8, s6;
	s6 =	simm.s32 $0xE80;
	[dreg:$0x1a] =	wrdreg s26  }
0x17: {  	s7 =	simm.s32 $0x1080;
	[dreg:$0x1d] =	wrdreg s6  }
0x18: {  	s8 =	simm.s32 $0x1280;
	[dreg:$0x1e] =	wrdreg s7  }
0x19: {  	s9 =	simm.s32 $0x1480;
	[dreg:$0x1f] =	wrdreg s8  }
0x1a: {  	s10 =	simm.s32 $0x300;
	[smem:$0x7EB] =	sst s9  }
0x1b: {  	s11 =	simm.s32 $0x100;
	s1 =	sadd.s32 s1, s3;
	[smem:$0x7EC] =	sst s10  }
0x1c: {  	s3 =	ssub.s32 $0x2, s4;
	s4 =	simm.s32 $0xC80;
	[smem:$0x7ED] =	sst s11  }
0x1d: {  	s6 =	simm.s32 $0x1500;
	[dreg:$0x1c] =	wrdreg s4  }
0x1e: {  	s7 =	simm.s32 $0x380;
	[smem:$0x7F6] =	sst s6  }
0x1f: {  	s8 =	simm.s32 $0x180;
	[smem:$0x7F7] =	sst s7  }
0x20: {  	s28 =	simm.s32 $0x1000;
	s9 =	simm.s32 $0x580;
	[smem:$0x7F8] =	sst s8  }
0x21: {  	s29 =	simm.s32 $0x1200;
	s10 =	simm.s32 $0x780;
	[smem:$0x7F9] =	sst s9  }
0x22: {  	s30 =	simm.s32 $0x1400;
	s12 =	sadd.s32 $0x800, s1;
	[smem:$0x7FA] =	sst s10  }
0x23: {  	s31 =	simm.s32 $0x1;
	s13 =	sadd.s32 $0x880, s1;
	[dreg:$0xf] =	wrdreg s12  }
0x24: {  	p0 =	por $0x0, $0x0;
	s14 =	sadd.s32 $0x1800, s1;
	[dreg:$0x10] =	wrdreg s13  }
0x25: {  	s23 =	simm.s32 $0x600;
	s16 =	sadd.s32 $0x1880, s1;
	[dreg:$0x11] =	wrdreg s14  }
0x26: {  	s24 =	simm.s32 $0xA00;
	s17 =	sadd.s32 $0x2800, s1;
	[dreg:$0x12] =	wrdreg s16  }
0x27: {  	s25 =	simm.s32 $0xC00;
	s18 =	sadd.s32 $0x2880, s1;
	[dreg:$0x13] =	wrdreg s17  }
0x28: {  	s26 =	simm.s32 $0xE00;
	s19 =	sadd.s32 $0x3800, s1;
	[dreg:$0x14] =	wrdreg s18  }
0x29: {  	s11 =	simm.s32 $0x80;
	s22 =	sadd.s32 $0x3880, s1;
	[dreg:$0x15] =	wrdreg s19  }
0x2a: {  	s1 =	simm.s32 $0xA80;
	s5 =	sshrl.u32 s3, $0x1;
	[dreg:$0x16] =	wrdreg s22  }
0x2b: {  	s4 =	simm.s32 $0x800;
	[dreg:$0x1b] =	wrdreg s1;
	s12 =	simm.s32 $0x500  }
0x2c: {  	s6 =	simm.s32 $0x5600;
	s13 =	simm.s32 $0x700;
	[smem:$0x7EE] =	sst s12  }
0x2d: {  	s9 =	simm.s32 $0x3;
	s14 =	simm.s32 $0x900;
	[smem:$0x7EF] =	sst s13  }
0x2e: {  	s8 =	simm.s32 $0x6;
	s16 =	simm.s32 $0xB00;
	[smem:$0x7F0] =	sst s14  }
0x2f: {  	s10 =	simm.s32 $0x5;
	s17 =	simm.s32 $0xD00;
	[smem:$0x7F1] =	sst s16  }
0x30: {  	s7 =	simm.s32 $0x7;
	s18 =	simm.s32 $0xF00;
	[smem:$0x7F2] =	sst s17  }
0x31: {  	s1 =	ssub.s32 s3, s5;
	s19 =	simm.s32 $0x1100;
	[smem:$0x7F3] =	sst s18  }
0x32: {  	s22 =	simm.s32 $0x200;
	s5 =	simm.s32 $0x1300;
	[smem:$0x7F4] =	sst s19  }
0x33: {  	s3 =	simm.s32 $0x400;
	s0 =	smax.u32 s1, $0x1;
	[smem:$0x7F5] =	sst s5  }
0x34: {  	s12 =	simm.s32 $0x9600;
	s13 =	simm.s32 $0x1600;
	p1 =	sne.s32 s0, $0x1  }
.Ltmp0:
0x35: {  	s16 =	simm.s32 $0x980;
	s1 =	rddreg [dreg:$0x5];
	(pc) =	sbr.rel @!p1 .LBB2_1-.Ltmp0, $4  }
0x36: {  	s14 =	simm.s32 $0x2;
	s17 =	simm.s32 $0xB80;
	[smem:$0x7FB] =	sst s16  }
0x37: {  	s5 =	simm.s32 $0xD600;
	s18 =	simm.s32 $0xD80;
	[smem:$0x7FC] =	sst s17  }
0x38: {  	s19 =	simm.s32 $0x4;
	[smem:$0x7FD] =	sst s18;
	s0 =	sadd.s32 $0xFFFFFFFF, s0  }
0x39: {  	s17 =	simm.s32 $0x1180;
	s18 =	simm.s32 $0x1380;
	s16 =	simm.s32 $0x1580  }
0x3a: {  	[tilespmem:s20], [sflag:$0x1] =	stream.linear.gather [hbm4b:s1+s20], $0x200, $0x38;
	[tilespmem:$0x11600] =	vst v63  }
0x3b: {  	_ = 	snop  }
0x3c: {  	[tilespmem:s22], [sflag:$0x1] =	stream.linear.gather [hbm4b:s21+s20], $0x200, $0x38;
	[tilespmem:$0x11600] =	vst v63  }
0x3d: {  	s1 =	rddreg [dreg:$0x6]  }
0x3e: {  	[tilespmem:s3], [sflag:$0x1] =	stream.linear.gather [hbm4b:s1+s20], $0x200, $0x38;
	[tilespmem:$0x11600] =	vst v63  }
0x3f: {  	s15 =	smov.u32 s0;
	s0 =	rddreg [dreg:$0x7]  }
0x40: {  	[tilespmem:s23], [sflag:$0x1] =	stream.linear.gather [hbm4b:s0+s20], $0x200, $0x38;
	[tilespmem:$0x11600] =	vst v63  }
0x41: {  	s1 =	rddreg [dreg:$0x8]  }
0x42: {  	[tilespmem:s4], [sflag:$0x1] =	stream.linear.gather [hbm4b:s1+s20], $0x200, $0x38;
	[tilespmem:$0x11600] =	vst v63  }
0x43: {  	s0 =	rddreg [dreg:$0x9]  }
0x44: {  	[tilespmem:s24], [sflag:$0x1] =	stream.linear.gather [hbm4b:s0+s20], $0x200, $0x38;
	[tilespmem:$0x11600] =	vst v63  }
0x45: {  	s1 =	rddreg [dreg:$0xa]  }
0x46: {  	[tilespmem:s25], [sflag:$0x1] =	stream.linear.gather [hbm4b:s1+s20], $0x200, $0x38;
	[tilespmem:$0x11600] =	vst v63  }
0x47: {  	s0 =	rddreg [dreg:$0xb]  }
0x48: {  	[tilespmem:s26], [sflag:$0x1] =	stream.linear.gather [hbm4b:s0+s20], $0x200, $0x38;
	[tilespmem:$0x11600] =	vst v63  }
0x49: {  	s1 =	rddreg [dreg:$0xc]  }
0x4a: {  	[tilespmem:s28], [sflag:$0x1] =	stream.linear.gather [hbm4b:s1+s20], $0x200, $0x38;
	[tilespmem:$0x11600] =	vst v63  }
0x4b: {  	s0 =	rddreg [dreg:$0xd]  }
0x4c: {  	[tilespmem:s29], [sflag:$0x1] =	stream.linear.gather [hbm4b:s0+s20], $0x200, $0x38;
	[tilespmem:$0x11600] =	vst v63  }
0x4d: {  	s1 =	rddreg [dreg:$0xe]  }
0x4e: {  	[tilespmem:s30], [sflag:$0x1] =	stream.linear.gather [hbm4b:s1+s20], $0x200, $0x38;
	[tilespmem:$0x11600] =	vst v63  }
0x4f: {  	_ =	swait.ge [sflag:s31], $0x200  }
0x50: {  	[sflag:s31] =	ssyncset.done $0x0  }
0x51: {  	[sflag:s31] =	ssyncadd.s32 $0xFFFFFE00  }
0x52: {  	_ =	swait.ge [sflag:s31], $0x200  }
0x53: {  	[sflag:s31] =	ssyncset.done $0x0  }
0x54: {  	[sflag:s31] =	ssyncadd.s32 $0xFFFFFE00  }
0x55: {  	_ =	swait.ge [sflag:s31], $0x200  }
0x56: {  	[sflag:s31] =	ssyncset.done $0x0  }
0x57: {  	[sflag:s31] =	ssyncadd.s32 $0xFFFFFE00  }
0x58: {  	_ =	swait.ge [sflag:s31], $0x200  }
0x59: {  	[sflag:s31] =	ssyncset.done $0x0  }
0x5a: {  	[sflag:s31] =	ssyncadd.s32 $0xFFFFFE00  }
0x5b: {  	_ =	swait.ge [sflag:s31], $0x200  }
0x5c: {  	[sflag:s31] =	ssyncset.done $0x0  }
0x5d: {  	[sflag:s31] =	ssyncadd.s32 $0xFFFFFE00  }
0x5e: {  	_ =	swait.ge [sflag:s31], $0x200  }
0x5f: {  	[sflag:s31] =	ssyncset.done $0x0  }
0x60: {  	[sflag:s31] =	ssyncadd.s32 $0xFFFFFE00  }
0x61: {  	_ =	swait.ge [sflag:s31], $0x200  }
0x62: {  	[sflag:s31] =	ssyncset.done $0x0  }
0x63: {  	[sflag:s31] =	ssyncadd.s32 $0xFFFFFE00  }
0x64: {  	_ =	swait.ge [sflag:s31], $0x200  }
0x65: {  	[sflag:s31] =	ssyncset.done $0x0  }
0x66: {  	[sflag:s31] =	ssyncadd.s32 $0xFFFFFE00  }
0x67: {  	_ =	swait.ge [sflag:s31], $0x200  }
0x68: {  	[sflag:s31] =	ssyncset.done $0x0  }
0x69: {  	[sflag:s31] =	ssyncadd.s32 $0xFFFFFE00  }
0x6a: {  	_ =	swait.ge [sflag:s31], $0x200  }
0x6b: {  	[sflag:s31] =	ssyncset.done $0x0  }
0x6c: {  	[sflag:s31] =	ssyncadd.s32 $0xFFFFFE00  }
0x6d: {  	_ =	swait.ge [sflag:s31], $0x200  }
0x6e: {  	[sflag:s31] =	ssyncset.done $0x0  }
0x6f: {  	[sflag:s31] =	ssyncadd.s32 $0xFFFFFE00  }
0x70: {  	[tilespmem:s12], [sflag:$0x2] =	stream.indirect.gather [hbm4b:s2+s11], $0x80, s22, s11, $0xb8;
	[tilespmem:$0x11600] =	vst v63  }
0x71: {  	_ = 	snop  }
0x72: {  	[tilespmem:s13], [sflag:$0x4] =	stream.indirect.gather [hbm4b:s2+s11], $0x80, s20, s11, $0xb8;
	[tilespmem:$0x11600] =	vst v63  }
0x73: {  	_ =	swait.ge [sflag:s14], $0x4000  }
0x74: {  	[sflag:s14] =	ssyncset.done $0x0  }
0x75: {  	[sflag:s14] =	ssyncadd.s32 $0xFFFFC000  }
0x76: {  	[tilespmem:s12], [sflag:$0x2] =	stream.indirect.gather.add.f32 [hbm:s2], $0x80, s3, s11, $0xb8;
	[tilespmem:$0x11600] =	vst v63  }
0x77: {  	_ = 	snop  }
0x78: {  	[tilespmem:s12], [sflag:$0x2] =	stream.indirect.gather.add.f32 [hbm:s2], $0x80, s23, s11, $0xb8;
	[tilespmem:$0x11600] =	vst v63  }
0x79: {  	_ = 	snop  }
0x7a: {  	[tilespmem:s12], [sflag:$0x2] =	stream.indirect.gather.add.f32 [hbm:s2], $0x80, s4, s11, $0xb8;
	[tilespmem:$0x11600] =	vst v63  }
0x7b: {  	_ = 	snop  }
0x7c: {  	[tilespmem:s12], [sflag:$0x2] =	stream.indirect.gather.add.f32 [hbm:s2], $0x80, s24, s11, $0xb8;
	[tilespmem:$0x11600] =	vst v63  }
0x7d: {  	_ = 	snop  }
0x7e: {  	[tilespmem:s12], [sflag:$0x2] =	stream.indirect.gather.add.f32 [hbm:s2], $0x80, s25, s11, $0xb8;
	[tilespmem:$0x11600] =	vst v63  }
0x7f: {  	_ = 	snop  }
0x80: {  	[tilespmem:s12], [sflag:$0x2] =	stream.indirect.gather.add.f32 [hbm:s2], $0x80, s26, s11, $0xb8;
	[tilespmem:$0x11600] =	vst v63  }
0x81: {  	_ = 	snop  }
0x82: {  	[tilespmem:s12], [sflag:$0x2] =	stream.indirect.gather.add.f32 [hbm:s2], $0x80, s28, s11, $0xb8;
	[tilespmem:$0x11600] =	vst v63  }
0x83: {  	_ = 	snop  }
0x84: {  	[tilespmem:s12], [sflag:$0x2] =	stream.indirect.gather.add.f32 [hbm:s2], $0x80, s29, s11, $0xb8;
	[tilespmem:$0x11600] =	vst v63  }
0x85: {  	_ = 	snop  }
0x86: {  	[tilespmem:s12], [sflag:$0x2] =	stream.indirect.gather.add.f32 [hbm:s2], $0x80, s30, s11, $0xb8;
	[tilespmem:$0x11600] =	vst v63  }
0x87: {  	s1 =	rddreg [dreg:$0x17]  }
0x88: {  	[tilespmem:s5], [sflag:$0x3] =	stream.indirect.gather [hbm4b:s2+s11], $0x80, s1, s11, $0xb8;
	[tilespmem:$0x11600] =	vst v63  }
0x89: {  	_ = 	snop  }
0x8a: {  	[tilespmem:s6], [sflag:$0x5] =	stream.indirect.gather [hbm4b:s2+s11], $0x80, s11, s11, $0xb8;
	[tilespmem:$0x11600] =	vst v63  }
0x8b: {  	_ =	swait.ge [sflag:s14], $0x4000  }
0x8c: {  	[sflag:s14] =	ssyncset.done $0x0  }
0x8d: {  	[sflag:s14] =	ssyncadd.s32 $0xFFFFC000  }
0x8e: {  	_ =	swait.ge [sflag:s14], $0x4000  }
0x8f: {  	[sflag:s14] =	ssyncset.done $0x0  }
0x90: {  	[sflag:s14] =	ssyncadd.s32 $0xFFFFC000  }
0x91: {  	_ =	swait.ge [sflag:s14], $0x4000  }
0x92: {  	[sflag:s14] =	ssyncset.done $0x0  }
0x93: {  	[sflag:s14] =	ssyncadd.s32 $0xFFFFC000  }
0x94: {  	_ =	swait.ge [sflag:s14], $0x4000  }
0x95: {  	[sflag:s14] =	ssyncset.done $0x0  }
0x96: {  	[sflag:s14] =	ssyncadd.s32 $0xFFFFC000  }
0x97: {  	_ =	swait.ge [sflag:s14], $0x4000  }
0x98: {  	[sflag:s14] =	ssyncset.done $0x0  }
0x99: {  	[sflag:s14] =	ssyncadd.s32 $0xFFFFC000  }
0x9a: {  	_ =	swait.ge [sflag:s14], $0x4000  }
0x9b: {  	[sflag:s14] =	ssyncset.done $0x0  }
0x9c: {  	[sflag:s14] =	ssyncadd.s32 $0xFFFFC000  }
0x9d: {  	_ =	swait.ge [sflag:s14], $0x4000  }
0x9e: {  	[sflag:s14] =	ssyncset.done $0x0  }
0x9f: {  	[sflag:s14] =	ssyncadd.s32 $0xFFFFC000  }
0xa0: {  	_ =	swait.ge [sflag:s14], $0x4000  }
0xa1: {  	[sflag:s14] =	ssyncset.done $0x0  }
0xa2: {  	[sflag:s14] =	ssyncadd.s32 $0xFFFFC000  }
0xa3: {  	_ =	swait.ge [sflag:s14], $0x4000  }
0xa4: {  	[sflag:s14] =	ssyncset.done $0x0  }
0xa5: {  	[sflag:s14] =	ssyncadd.s32 $0xFFFFC000  }
0xa6: {  	_ =	swait.ge [sflag:s19], $0x4000  }
0xa7: {  	[sflag:s19] =	ssyncset.done $0x0  }
0xa8: {  	s0 =	rddreg [dreg:$0xf];
	[sflag:s19] =	ssyncadd.s32 $0xFFFFC000  }
0xa9: {  	[hbm4b:s0+s3] =	stream.strided.scatter [tilespmem:s13], [sflag:$0x6], $0x4000, s4, s3, $0x38;
	[tilespmem:$0x11600] =	vst v63  }
0xaa: {  	s1 =	rddreg [dreg:$0x10]  }
0xab: {  	[hbm4b:s1+s3] =	stream.strided.scatter [tilespmem:s12], [sflag:$0x6], $0x4000, s4, s3, $0x38;
	[tilespmem:$0x11600] =	vst v63  }
0xac: {  	_ =	swait.ge [sflag:s9], $0x4000  }
0xad: {  	s0 =	rddreg [dreg:$0x18];
	[sflag:s9] =	ssyncset.done $0x0  }
0xae: {  	s1 =	rddreg [dreg:$0x19];
	[sflag:s9] =	ssyncadd.s32 $0xFFFFC000  }
0xaf: {  	[tilespmem:s5], [sflag:$0x3] =	stream.indirect.gather.add.f32 [hbm:s2], $0x80, s0, s11, $0xb8;
	[tilespmem:$0x11600] =	vst v63  }
0xb0: {  	s0 =	rddreg [dreg:$0x1a]  }
0xb1: {  	[tilespmem:s5], [sflag:$0x3] =	stream.indirect.gather.add.f32 [hbm:s2], $0x80, s1, s11, $0xb8;
	[tilespmem:$0x11600] =	vst v63  }
0xb2: {  	s1 =	rddreg [dreg:$0x1b]  }
0xb3: {  	[tilespmem:s5], [sflag:$0x3] =	stream.indirect.gather.add.f32 [hbm:s2], $0x80, s0, s11, $0xb8;
	[tilespmem:$0x11600] =	vst v63  }
0xb4: {  	s0 =	rddreg [dreg:$0x1c]  }
0xb5: {  	[tilespmem:s5], [sflag:$0x3] =	stream.indirect.gather.add.f32 [hbm:s2], $0x80, s1, s11, $0xb8;
	[tilespmem:$0x11600] =	vst v63  }
0xb6: {  	s1 =	rddreg [dreg:$0x1d]  }
0xb7: {  	[tilespmem:s5], [sflag:$0x3] =	stream.indirect.gather.add.f32 [hbm:s2], $0x80, s0, s11, $0xb8;
	[tilespmem:$0x11600] =	vst v63  }
0xb8: {  	s0 =	rddreg [dreg:$0x1e]  }
0xb9: {  	[tilespmem:s5], [sflag:$0x3] =	stream.indirect.gather.add.f32 [hbm:s2], $0x80, s1, s11, $0xb8;
	[tilespmem:$0x11600] =	vst v63  }
0xba: {  	s1 =	rddreg [dreg:$0x1f]  }
0xbb: {  	[tilespmem:s5], [sflag:$0x3] =	stream.indirect.gather.add.f32 [hbm:s2], $0x80, s0, s11, $0xb8;
	[tilespmem:$0x11600] =	vst v63  }
0xbc: {  	s0 =	sld [smem:$0x7EB]  }
0xbd: {  	[tilespmem:s5], [sflag:$0x3] =	stream.indirect.gather.add.f32 [hbm:s2], $0x80, s1, s11, $0xb8;
	[tilespmem:$0x11600] =	vst v63  }
0xbe: {  	_ = 	snop  }
0xbf: {  	[tilespmem:s5], [sflag:$0x3] =	stream.indirect.gather.add.f32 [hbm:s2], $0x80, s0, s11, $0xb8;
	[tilespmem:$0x11600] =	vst v63  }
0xc0: {  	_ =	swait.ge [sflag:s8], $0x4000  }
0xc1: {  	[sflag:s8] =	ssyncset.done $0x0  }
0xc2: {  	[sflag:s8] =	ssyncadd.s32 $0xFFFFC000  }
0xc3: {  	_ =	swait.ge [sflag:s8], $0x4000  }
0xc4: {  	s0 =	sld [smem:$0x7EC]  }
0xc5: {  	[sflag:s8] =	ssyncset.done $0x0  }
0xc6: {  	s1 =	sld [smem:$0x7ED];
	[sflag:s8] =	ssyncadd.s32 $0xFFFFC000  }
0xc7: {  	[tilespmem:s12], [sflag:$0x2] =	stream.indirect.gather [hbm4b:s2+s11], $0x80, s0, s11, $0xb8;
	[tilespmem:$0x11600] =	vst v63  }
0xc8: {  	_ = 	snop  }
0xc9: {  	[tilespmem:s13], [sflag:$0x4] =	stream.indirect.gather [hbm4b:s2+s11], $0x80, s1, s11, $0xb8;
	[tilespmem:$0x11600] =	vst v63  }
0xca: {  	_ =	swait.ge [sflag:s9], $0x4000  }
0xcb: {  	[sflag:s9] =	ssyncset.done $0x0  }
0xcc: {  	[sflag:s9] =	ssyncadd.s32 $0xFFFFC000  }
0xcd: {  	_ =	swait.ge [sflag:s9], $0x4000  }
0xce: {  	[sflag:s9] =	ssyncset.done $0x0  }
0xcf: {  	[sflag:s9] =	ssyncadd.s32 $0xFFFFC000  }
0xd0: {  	_ =	swait.ge [sflag:s9], $0x4000  }
0xd1: {  	[sflag:s9] =	ssyncset.done $0x0  }
0xd2: {  	[sflag:s9] =	ssyncadd.s32 $0xFFFFC000  }
0xd3: {  	_ =	swait.ge [sflag:s9], $0x4000  }
0xd4: {  	[sflag:s9] =	ssyncset.done $0x0  }
0xd5: {  	[sflag:s9] =	ssyncadd.s32 $0xFFFFC000  }
0xd6: {  	_ =	swait.ge [sflag:s9], $0x4000  }
0xd7: {  	[sflag:s9] =	ssyncset.done $0x0  }
0xd8: {  	[sflag:s9] =	ssyncadd.s32 $0xFFFFC000  }
0xd9: {  	_ =	swait.ge [sflag:s9], $0x4000  }
0xda: {  	[sflag:s9] =	ssyncset.done $0x0  }
0xdb: {  	[sflag:s9] =	ssyncadd.s32 $0xFFFFC000  }
0xdc: {  	_ =	swait.ge [sflag:s9], $0x4000  }
0xdd: {  	[sflag:s9] =	ssyncset.done $0x0  }
0xde: {  	[sflag:s9] =	ssyncadd.s32 $0xFFFFC000  }
0xdf: {  	_ =	swait.ge [sflag:s9], $0x4000  }
0xe0: {  	[sflag:s9] =	ssyncset.done $0x0  }
0xe1: {  	[sflag:s9] =	ssyncadd.s32 $0xFFFFC000  }
0xe2: {  	_ =	swait.ge [sflag:s9], $0x4000  }
0xe3: {  	[sflag:s9] =	ssyncset.done $0x0  }
0xe4: {  	[sflag:s9] =	ssyncadd.s32 $0xFFFFC000  }
0xe5: {  	_ =	swait.ge [sflag:s10], $0x4000  }
0xe6: {  	[sflag:s10] =	ssyncset.done $0x0  }
0xe7: {  	s0 =	rddreg [dreg:$0x11];
	[sflag:s10] =	ssyncadd.s32 $0xFFFFC000  }
0xe8: {  	[hbm4b:s0+s3] =	stream.strided.scatter [tilespmem:s6], [sflag:$0x7], $0x4000, s4, s3, $0x38;
	[tilespmem:$0x11600] =	vst v63  }
0xe9: {  	s1 =	rddreg [dreg:$0x12]  }
0xea: {  	[hbm4b:s1+s3] =	stream.strided.scatter [tilespmem:s5], [sflag:$0x7], $0x4000, s4, s3, $0x38;
	[tilespmem:$0x11600] =	vst v63  }
0xeb: {  	_ =	swait.ge [sflag:s14], $0x4000  }
0xec: {  	s0 =	sld [smem:$0x7EE]  }
0xed: {  	[sflag:s14] =	ssyncset.done $0x0  }
0xee: {  	s1 =	sld [smem:$0x7EF];
	[sflag:s14] =	ssyncadd.s32 $0xFFFFC000  }
0xef: {  	[tilespmem:s12], [sflag:$0x2] =	stream.indirect.gather.add.f32 [hbm:s2], $0x80, s0, s11, $0xb8;
	[tilespmem:$0x11600] =	vst v63  }
0xf0: {  	s0 =	sld [smem:$0x7F0]  }
0xf1: {  	[tilespmem:s12], [sflag:$0x2] =	stream.indirect.gather.add.f32 [hbm:s2], $0x80, s1, s11, $0xb8;
	[tilespmem:$0x11600] =	vst v63  }
0xf2: {  	s1 =	sld [smem:$0x7F1]  }
0xf3: {  	[tilespmem:s12], [sflag:$0x2] =	stream.indirect.gather.add.f32 [hbm:s2], $0x80, s0, s11, $0xb8;
	[tilespmem:$0x11600] =	vst v63  }
0xf4: {  	s0 =	sld [smem:$0x7F2]  }
0xf5: {  	[tilespmem:s12], [sflag:$0x2] =	stream.indirect.gather.add.f32 [hbm:s2], $0x80, s1, s11, $0xb8;
	[tilespmem:$0x11600] =	vst v63  }
0xf6: {  	s1 =	sld [smem:$0x7F3]  }
0xf7: {  	[tilespmem:s12], [sflag:$0x2] =	stream.indirect.gather.add.f32 [hbm:s2], $0x80, s0, s11, $0xb8;
	[tilespmem:$0x11600] =	vst v63  }
0xf8: {  	s0 =	sld [smem:$0x7F4]  }
0xf9: {  	[tilespmem:s12], [sflag:$0x2] =	stream.indirect.gather.add.f32 [hbm:s2], $0x80, s1, s11, $0xb8;
	[tilespmem:$0x11600] =	vst v63  }
0xfa: {  	s1 =	sld [smem:$0x7F5]  }
0xfb: {  	[tilespmem:s12], [sflag:$0x2] =	stream.indirect.gather.add.f32 [hbm:s2], $0x80, s0, s11, $0xb8;
	[tilespmem:$0x11600] =	vst v63  }
0xfc: {  	s0 =	sld [smem:$0x7F6]  }
0xfd: {  	[tilespmem:s12], [sflag:$0x2] =	stream.indirect.gather.add.f32 [hbm:s2], $0x80, s1, s11, $0xb8;
	[tilespmem:$0x11600] =	vst v63  }
0xfe: {  	_ = 	snop  }
0xff: {  	[tilespmem:s12], [sflag:$0x2] =	stream.indirect.gather.add.f32 [hbm:s2], $0x80, s0, s11, $0xb8;
	[tilespmem:$0x11600] =	vst v63  }
0x100: {  	_ =	swait.ge [sflag:s7], $0x4000  }
0x101: {  	[sflag:s7] =	ssyncset.done $0x0  }
0x102: {  	[sflag:s7] =	ssyncadd.s32 $0xFFFFC000  }
0x103: {  	_ =	swait.ge [sflag:s7], $0x4000  }
0x104: {  	s0 =	sld [smem:$0x7F7]  }
0x105: {  	[sflag:s7] =	ssyncset.done $0x0  }
0x106: {  	s1 =	sld [smem:$0x7F8];
	[sflag:s7] =	ssyncadd.s32 $0xFFFFC000  }
0x107: {  	[tilespmem:s5], [sflag:$0x3] =	stream.indirect.gather [hbm4b:s2+s11], $0x80, s0, s11, $0xb8;
	[tilespmem:$0x11600] =	vst v63  }
0x108: {  	_ = 	snop  }
0x109: {  	[tilespmem:s6], [sflag:$0x5] =	stream.indirect.gather [hbm4b:s2+s11], $0x80, s1, s11, $0xb8;
	[tilespmem:$0x11600] =	vst v63  }
0x10a: {  	_ =	swait.ge [sflag:s14], $0x4000  }
0x10b: {  	[sflag:s14] =	ssyncset.done $0x0  }
0x10c: {  	[sflag:s14] =	ssyncadd.s32 $0xFFFFC000  }
0x10d: {  	_ =	swait.ge [sflag:s14], $0x4000  }
0x10e: {  	[sflag:s14] =	ssyncset.done $0x0  }
0x10f: {  	[sflag:s14] =	ssyncadd.s32 $0xFFFFC000  }
0x110: {  	_ =	swait.ge [sflag:s14], $0x4000  }
0x111: {  	[sflag:s14] =	ssyncset.done $0x0  }
0x112: {  	[sflag:s14] =	ssyncadd.s32 $0xFFFFC000  }
0x113: {  	_ =	swait.ge [sflag:s14], $0x4000  }
0x114: {  	[sflag:s14] =	ssyncset.done $0x0  }
0x115: {  	[sflag:s14] =	ssyncadd.s32 $0xFFFFC000  }
0x116: {  	_ =	swait.ge [sflag:s14], $0x4000  }
0x117: {  	[sflag:s14] =	ssyncset.done $0x0  }
0x118: {  	[sflag:s14] =	ssyncadd.s32 $0xFFFFC000  }
0x119: {  	_ =	swait.ge [sflag:s14], $0x4000  }
0x11a: {  	[sflag:s14] =	ssyncset.done $0x0  }
0x11b: {  	[sflag:s14] =	ssyncadd.s32 $0xFFFFC000  }
0x11c: {  	_ =	swait.ge [sflag:s14], $0x4000  }
0x11d: {  	[sflag:s14] =	ssyncset.done $0x0  }
0x11e: {  	[sflag:s14] =	ssyncadd.s32 $0xFFFFC000  }
0x11f: {  	_ =	swait.ge [sflag:s14], $0x4000  }
0x120: {  	[sflag:s14] =	ssyncset.done $0x0  }
0x121: {  	[sflag:s14] =	ssyncadd.s32 $0xFFFFC000  }
0x122: {  	_ =	swait.ge [sflag:s14], $0x4000  }
0x123: {  	[sflag:s14] =	ssyncset.done $0x0  }
0x124: {  	[sflag:s14] =	ssyncadd.s32 $0xFFFFC000  }
0x125: {  	_ =	swait.ge [sflag:s19], $0x4000  }
0x126: {  	[sflag:s19] =	ssyncset.done $0x0  }
0x127: {  	s0 =	rddreg [dreg:$0x13];
	[sflag:s19] =	ssyncadd.s32 $0xFFFFC000  }
0x128: {  	[hbm4b:s0+s3] =	stream.strided.scatter [tilespmem:s13], [sflag:$0x6], $0x4000, s4, s3, $0x38;
	[tilespmem:$0x11600] =	vst v63  }
0x129: {  	s1 =	rddreg [dreg:$0x14]  }
0x12a: {  	[hbm4b:s1+s3] =	stream.strided.scatter [tilespmem:s12], [sflag:$0x6], $0x4000, s4, s3, $0x38;
	[tilespmem:$0x11600] =	vst v63  }
0x12b: {  	_ =	swait.ge [sflag:s9], $0x4000  }
0x12c: {  	s0 =	sld [smem:$0x7F9]  }
0x12d: {  	[sflag:s9] =	ssyncset.done $0x0  }
0x12e: {  	s1 =	sld [smem:$0x7FA];
	[sflag:s9] =	ssyncadd.s32 $0xFFFFC000  }
0x12f: {  	[tilespmem:s5], [sflag:$0x3] =	stream.indirect.gather.add.f32 [hbm:s2], $0x80, s0, s11, $0xb8;
	[tilespmem:$0x11600] =	vst v63  }
0x130: {  	s0 =	sld [smem:$0x7FB]  }
0x131: {  	[tilespmem:s5], [sflag:$0x3] =	stream.indirect.gather.add.f32 [hbm:s2], $0x80, s1, s11, $0xb8;
	[tilespmem:$0x11600] =	vst v63  }
0x132: {  	s1 =	sld [smem:$0x7FC]  }
0x133: {  	[tilespmem:s5], [sflag:$0x3] =	stream.indirect.gather.add.f32 [hbm:s2], $0x80, s0, s11, $0xb8;
	[tilespmem:$0x11600] =	vst v63  }
0x134: {  	s0 =	sld [smem:$0x7FD]  }
0x135: {  	[tilespmem:s5], [sflag:$0x3] =	stream.indirect.gather.add.f32 [hbm:s2], $0x80, s1, s11, $0xb8;
	[tilespmem:$0x11600] =	vst v63  }
0x136: {  	_ = 	snop  }
0x137: {  	[tilespmem:s5], [sflag:$0x3] =	stream.indirect.gather.add.f32 [hbm:s2], $0x80, s0, s11, $0xb8;
	[tilespmem:$0x11600] =	vst v63  }
0x138: {  	s1 =	simm.s32 $0xF80  }
0x139: {  	[tilespmem:s5], [sflag:$0x3] =	stream.indirect.gather.add.f32 [hbm:s2], $0x80, s1, s11, $0xb8;
	[tilespmem:$0x11600] =	vst v63  }
0x13a: {  	_ = 	snop  }
0x13b: {  	[tilespmem:s5], [sflag:$0x3] =	stream.indirect.gather.add.f32 [hbm:s2], $0x80, s17, s11, $0xb8;
	[tilespmem:$0x11600] =	vst v63  }
0x13c: {  	_ = 	snop  }
0x13d: {  	[tilespmem:s5], [sflag:$0x3] =	stream.indirect.gather.add.f32 [hbm:s2], $0x80, s18, s11, $0xb8;
	[tilespmem:$0x11600] =	vst v63  }
0x13e: {  	_ = 	snop  }
0x13f: {  	[tilespmem:s5], [sflag:$0x3] =	stream.indirect.gather.add.f32 [hbm:s2], $0x80, s16, s11, $0xb8;
	[tilespmem:$0x11600] =	vst v63  }
0x140: {  	_ =	swait.ge [sflag:s9], $0x4000  }
0x141: {  	[sflag:s9] =	ssyncset.done $0x0  }
0x142: {  	[sflag:s9] =	ssyncadd.s32 $0xFFFFC000  }
0x143: {  	_ =	swait.ge [sflag:s9], $0x4000  }
0x144: {  	[sflag:s9] =	ssyncset.done $0x0  }
0x145: {  	[sflag:s9] =	ssyncadd.s32 $0xFFFFC000  }
0x146: {  	_ =	swait.ge [sflag:s9], $0x4000  }
0x147: {  	[sflag:s9] =	ssyncset.done $0x0  }
0x148: {  	[sflag:s9] =	ssyncadd.s32 $0xFFFFC000  }
0x149: {  	_ =	swait.ge [sflag:s9], $0x4000  }
0x14a: {  	[sflag:s9] =	ssyncset.done $0x0  }
0x14b: {  	[sflag:s9] =	ssyncadd.s32 $0xFFFFC000  }
0x14c: {  	_ =	swait.ge [sflag:s9], $0x4000  }
0x14d: {  	[sflag:s9] =	ssyncset.done $0x0  }
0x14e: {  	[sflag:s9] =	ssyncadd.s32 $0xFFFFC000  }
0x14f: {  	_ =	swait.ge [sflag:s9], $0x4000  }
0x150: {  	[sflag:s9] =	ssyncset.done $0x0  }
0x151: {  	[sflag:s9] =	ssyncadd.s32 $0xFFFFC000  }
0x152: {  	_ =	swait.ge [sflag:s9], $0x4000  }
0x153: {  	[sflag:s9] =	ssyncset.done $0x0  }
0x154: {  	[sflag:s9] =	ssyncadd.s32 $0xFFFFC000  }
0x155: {  	_ =	swait.ge [sflag:s9], $0x4000  }
0x156: {  	[sflag:s9] =	ssyncset.done $0x0  }
0x157: {  	[sflag:s9] =	ssyncadd.s32 $0xFFFFC000  }
0x158: {  	_ =	swait.ge [sflag:s9], $0x4000  }
0x159: {  	[sflag:s9] =	ssyncset.done $0x0  }
0x15a: {  	[sflag:s9] =	ssyncadd.s32 $0xFFFFC000  }
0x15b: {  	_ =	swait.ge [sflag:s10], $0x4000  }
0x15c: {  	[sflag:s10] =	ssyncset.done $0x0  }
0x15d: {  	s0 =	rddreg [dreg:$0x15];
	[sflag:s10] =	ssyncadd.s32 $0xFFFFC000  }
0x15e: {  	[hbm4b:s0+s3] =	stream.strided.scatter [tilespmem:s6], [sflag:$0x7], $0x4000, s4, s3, $0x38;
	[tilespmem:$0x11600] =	vst v63  }
0x15f: {  	s1 =	rddreg [dreg:$0x16]  }
0x160: {  	[hbm4b:s1+s3] =	stream.strided.scatter [tilespmem:s5], [sflag:$0x7], $0x4000, s4, s3, $0x38;
	[tilespmem:$0x11600] =	vst v63  }
0x161: {  	_ =	swait.ge [sflag:s8], $0x4000  }
0x162: {  	[sflag:s8] =	ssyncset.done $0x0  }
0x163: {  	[sflag:s8] =	ssyncadd.s32 $0xFFFFC000  }
0x164: {  	_ =	swait.ge [sflag:s8], $0x4000  }
0x165: {  	[sflag:s8] =	ssyncset.done $0x0  }
0x166: {  	p1 =	sne.s32 s15, $0x1;
	[sflag:s8] =	ssyncadd.s32 $0xFFFFC000  }
.Ltmp1:
0x167: {  	_ =	swait.ge [sflag:s7], $0x4000;
	(pc) =	sbr.rel @!p1 .LBB2_3-.Ltmp1, $4  }
0x168: {  	[sflag:s7] =	ssyncset.done $0x0  }
0x169: {  	[sflag:s7] =	ssyncadd.s32 $0xFFFFC000  }
0x16a: {  	p0 =	por $0x1, $0x1;
	_ =	swait.ge [sflag:s7], $0x4000  }
0x16b: {  	s0 =	sadd.s32 $0xFFFFFFFF, s15;
	s1 =	rddreg [dreg:$0x5];
	[sflag:s7] =	ssyncset.done $0x0  }
.LBB2_4:
0x16c: {  	[sflag:s7] =	ssyncadd.s32 $0xFFFFC000  }
0x16d: {  	[tilespmem:s20], [sflag:$0x1] =	stream.linear.gather [hbm4b:s1+s20], $0x200, $0x38;
	[tilespmem:$0x11600] =	vst v63  }
0x16e: {  	_ = 	snop  }
0x16f: {  	[tilespmem:s22], [sflag:$0x1] =	stream.linear.gather [hbm4b:s21+s20], $0x200, $0x38;
	[tilespmem:$0x11600] =	vst v63  }
0x170: {  	s1 =	rddreg [dreg:$0x6]  }
0x171: {  	[tilespmem:s3], [sflag:$0x1] =	stream.linear.gather [hbm4b:s1+s20], $0x200, $0x38;
	[tilespmem:$0x11600] =	vst v63  }
0x172: {  	s15 =	rddreg [dreg:$0x7]  }
0x173: {  	[tilespmem:s23], [sflag:$0x1] =	stream.linear.gather [hbm4b:s15+s20], $0x200, $0x38;
	[tilespmem:$0x11600] =	vst v63  }
0x174: {  	s1 =	rddreg [dreg:$0x8]  }
0x175: {  	[tilespmem:s4], [sflag:$0x1] =	stream.linear.gather [hbm4b:s1+s20], $0x200, $0x38;
	[tilespmem:$0x11600] =	vst v63  }
0x176: {  	s15 =	rddreg [dreg:$0x9]  }
0x177: {  	[tilespmem:s24], [sflag:$0x1] =	stream.linear.gather [hbm4b:s15+s20], $0x200, $0x38;
	[tilespmem:$0x11600] =	vst v63  }
0x178: {  	s1 =	rddreg [dreg:$0xa]  }
0x179: {  	[tilespmem:s25], [sflag:$0x1] =	stream.linear.gather [hbm4b:s1+s20], $0x200, $0x38;
	[tilespmem:$0x11600] =	vst v63  }
0x17a: {  	s15 =	rddreg [dreg:$0xb]  }
0x17b: {  	[tilespmem:s26], [sflag:$0x1] =	stream.linear.gather [hbm4b:s15+s20], $0x200, $0x38;
	[tilespmem:$0x11600] =	vst v63  }
0x17c: {  	s1 =	rddreg [dreg:$0xc]  }
0x17d: {  	[tilespmem:s28], [sflag:$0x1] =	stream.linear.gather [hbm4b:s1+s20], $0x200, $0x38;
	[tilespmem:$0x11600] =	vst v63  }
0x17e: {  	s15 =	rddreg [dreg:$0xd]  }
0x17f: {  	[tilespmem:s29], [sflag:$0x1] =	stream.linear.gather [hbm4b:s15+s20], $0x200, $0x38;
	[tilespmem:$0x11600] =	vst v63  }
0x180: {  	s1 =	rddreg [dreg:$0xe]  }
0x181: {  	[tilespmem:s30], [sflag:$0x1] =	stream.linear.gather [hbm4b:s1+s20], $0x200, $0x38;
	[tilespmem:$0x11600] =	vst v63  }
0x182: {  	_ =	swait.ge [sflag:s31], $0x200  }
0x183: {  	[sflag:s31] =	ssyncset.done $0x0  }
0x184: {  	[sflag:s31] =	ssyncadd.s32 $0xFFFFFE00  }
0x185: {  	_ =	swait.ge [sflag:s31], $0x200  }
0x186: {  	[sflag:s31] =	ssyncset.done $0x0  }
0x187: {  	[sflag:s31] =	ssyncadd.s32 $0xFFFFFE00  }
0x188: {  	_ =	swait.ge [sflag:s31], $0x200  }
0x189: {  	[sflag:s31] =	ssyncset.done $0x0  }
0x18a: {  	[sflag:s31] =	ssyncadd.s32 $0xFFFFFE00  }
0x18b: {  	_ =	swait.ge [sflag:s31], $0x200  }
0x18c: {  	[sflag:s31] =	ssyncset.done $0x0  }
0x18d: {  	[sflag:s31] =	ssyncadd.s32 $0xFFFFFE00  }
0x18e: {  	_ =	swait.ge [sflag:s31], $0x200  }
0x18f: {  	[sflag:s31] =	ssyncset.done $0x0  }
0x190: {  	[sflag:s31] =	ssyncadd.s32 $0xFFFFFE00  }
0x191: {  	_ =	swait.ge [sflag:s31], $0x200  }
0x192: {  	[sflag:s31] =	ssyncset.done $0x0  }
0x193: {  	[sflag:s31] =	ssyncadd.s32 $0xFFFFFE00  }
0x194: {  	_ =	swait.ge [sflag:s31], $0x200  }
0x195: {  	[sflag:s31] =	ssyncset.done $0x0  }
0x196: {  	[sflag:s31] =	ssyncadd.s32 $0xFFFFFE00  }
0x197: {  	_ =	swait.ge [sflag:s31], $0x200  }
0x198: {  	[sflag:s31] =	ssyncset.done $0x0  }
0x199: {  	[sflag:s31] =	ssyncadd.s32 $0xFFFFFE00  }
0x19a: {  	_ =	swait.ge [sflag:s31], $0x200  }
0x19b: {  	[sflag:s31] =	ssyncset.done $0x0  }
0x19c: {  	[sflag:s31] =	ssyncadd.s32 $0xFFFFFE00  }
0x19d: {  	_ =	swait.ge [sflag:s31], $0x200  }
0x19e: {  	[sflag:s31] =	ssyncset.done $0x0  }
0x19f: {  	[sflag:s31] =	ssyncadd.s32 $0xFFFFFE00  }
0x1a0: {  	_ =	swait.ge [sflag:s31], $0x200  }
0x1a1: {  	[sflag:s31] =	ssyncset.done $0x0  }
0x1a2: {  	[sflag:s31] =	ssyncadd.s32 $0xFFFFFE00  }
0x1a3: {  	[tilespmem:s12], [sflag:$0x2] =	stream.indirect.gather [hbm4b:s2+s11], $0x80, s22, s11, $0xb8;
	[tilespmem:$0x11600] =	vst v63  }
0x1a4: {  	_ = 	snop  }
0x1a5: {  	[tilespmem:s13], [sflag:$0x4] =	stream.indirect.gather [hbm4b:s2+s11], $0x80, s20, s11, $0xb8;
	[tilespmem:$0x11600] =	vst v63  }
0x1a6: {  	_ =	swait.ge [sflag:s14], $0x4000  }
0x1a7: {  	[sflag:s14] =	ssyncset.done $0x0  }
0x1a8: {  	[sflag:s14] =	ssyncadd.s32 $0xFFFFC000  }
0x1a9: {  	[tilespmem:s12], [sflag:$0x2] =	stream.indirect.gather.add.f32 [hbm:s2], $0x80, s3, s11, $0xb8;
	[tilespmem:$0x11600] =	vst v63  }
0x1aa: {  	_ = 	snop  }
0x1ab: {  	[tilespmem:s12], [sflag:$0x2] =	stream.indirect.gather.add.f32 [hbm:s2], $0x80, s23, s11, $0xb8;
	[tilespmem:$0x11600] =	vst v63  }
0x1ac: {  	_ = 	snop  }
0x1ad: {  	[tilespmem:s12], [sflag:$0x2] =	stream.indirect.gather.add.f32 [hbm:s2], $0x80, s4, s11, $0xb8;
	[tilespmem:$0x11600] =	vst v63  }
0x1ae: {  	_ = 	snop  }
0x1af: {  	[tilespmem:s12], [sflag:$0x2] =	stream.indirect.gather.add.f32 [hbm:s2], $0x80, s24, s11, $0xb8;
	[tilespmem:$0x11600] =	vst v63  }
0x1b0: {  	_ = 	snop  }
0x1b1: {  	[tilespmem:s12], [sflag:$0x2] =	stream.indirect.gather.add.f32 [hbm:s2], $0x80, s25, s11, $0xb8;
	[tilespmem:$0x11600] =	vst v63  }
0x1b2: {  	_ = 	snop  }
0x1b3: {  	[tilespmem:s12], [sflag:$0x2] =	stream.indirect.gather.add.f32 [hbm:s2], $0x80, s26, s11, $0xb8;
	[tilespmem:$0x11600] =	vst v63  }
0x1b4: {  	_ = 	snop  }
0x1b5: {  	[tilespmem:s12], [sflag:$0x2] =	stream.indirect.gather.add.f32 [hbm:s2], $0x80, s28, s11, $0xb8;
	[tilespmem:$0x11600] =	vst v63  }
0x1b6: {  	_ = 	snop  }
0x1b7: {  	[tilespmem:s12], [sflag:$0x2] =	stream.indirect.gather.add.f32 [hbm:s2], $0x80, s29, s11, $0xb8;
	[tilespmem:$0x11600] =	vst v63  }
0x1b8: {  	_ = 	snop  }
0x1b9: {  	[tilespmem:s12], [sflag:$0x2] =	stream.indirect.gather.add.f32 [hbm:s2], $0x80, s30, s11, $0xb8;
	[tilespmem:$0x11600] =	vst v63  }
0x1ba: {  	s15 =	rddreg [dreg:$0x17]  }
0x1bb: {  	[tilespmem:s5], [sflag:$0x3] =	stream.indirect.gather [hbm4b:s2+s11], $0x80, s15, s11, $0xb8;
	[tilespmem:$0x11600] =	vst v63  }
0x1bc: {  	_ = 	snop  }
0x1bd: {  	[tilespmem:s6], [sflag:$0x5] =	stream.indirect.gather [hbm4b:s2+s11], $0x80, s11, s11, $0xb8;
	[tilespmem:$0x11600] =	vst v63  }
0x1be: {  	_ =	swait.ge [sflag:s14], $0x4000  }
0x1bf: {  	[sflag:s14] =	ssyncset.done $0x0  }
0x1c0: {  	[sflag:s14] =	ssyncadd.s32 $0xFFFFC000  }
0x1c1: {  	_ =	swait.ge [sflag:s14], $0x4000  }
0x1c2: {  	[sflag:s14] =	ssyncset.done $0x0  }
0x1c3: {  	[sflag:s14] =	ssyncadd.s32 $0xFFFFC000  }
0x1c4: {  	_ =	swait.ge [sflag:s14], $0x4000  }
0x1c5: {  	[sflag:s14] =	ssyncset.done $0x0  }
0x1c6: {  	[sflag:s14] =	ssyncadd.s32 $0xFFFFC000  }
0x1c7: {  	_ =	swait.ge [sflag:s14], $0x4000  }
0x1c8: {  	[sflag:s14] =	ssyncset.done $0x0  }
0x1c9: {  	[sflag:s14] =	ssyncadd.s32 $0xFFFFC000  }
0x1ca: {  	_ =	swait.ge [sflag:s14], $0x4000  }
0x1cb: {  	[sflag:s14] =	ssyncset.done $0x0  }
0x1cc: {  	[sflag:s14] =	ssyncadd.s32 $0xFFFFC000  }
0x1cd: {  	_ =	swait.ge [sflag:s14], $0x4000  }
0x1ce: {  	[sflag:s14] =	ssyncset.done $0x0  }
0x1cf: {  	[sflag:s14] =	ssyncadd.s32 $0xFFFFC000  }
0x1d0: {  	_ =	swait.ge [sflag:s14], $0x4000  }
0x1d1: {  	[sflag:s14] =	ssyncset.done $0x0  }
0x1d2: {  	[sflag:s14] =	ssyncadd.s32 $0xFFFFC000  }
0x1d3: {  	_ =	swait.ge [sflag:s14], $0x4000  }
0x1d4: {  	[sflag:s14] =	ssyncset.done $0x0  }
0x1d5: {  	[sflag:s14] =	ssyncadd.s32 $0xFFFFC000  }
0x1d6: {  	_ =	swait.ge [sflag:s14], $0x4000  }
0x1d7: {  	[sflag:s14] =	ssyncset.done $0x0  }
0x1d8: {  	[sflag:s14] =	ssyncadd.s32 $0xFFFFC000  }
0x1d9: {  	_ =	swait.ge [sflag:s19], $0x4000  }
0x1da: {  	[sflag:s19] =	ssyncset.done $0x0  }
0x1db: {  	s1 =	rddreg [dreg:$0xf];
	[sflag:s19] =	ssyncadd.s32 $0xFFFFC000  }
0x1dc: {  	[hbm4b:s1+s3] =	stream.strided.scatter [tilespmem:s13], [sflag:$0x6], $0x4000, s4, s3, $0x38;
	[tilespmem:$0x11600] =	vst v63  }
0x1dd: {  	s15 =	rddreg [dreg:$0x10]  }
0x1de: {  	[hbm4b:s15+s3] =	stream.strided.scatter [tilespmem:s12], [sflag:$0x6], $0x4000, s4, s3, $0x38;
	[tilespmem:$0x11600] =	vst v63  }
0x1df: {  	_ =	swait.ge [sflag:s9], $0x4000  }
0x1e0: {  	s1 =	rddreg [dreg:$0x18];
	[sflag:s9] =	ssyncset.done $0x0  }
0x1e1: {  	s15 =	rddreg [dreg:$0x19];
	[sflag:s9] =	ssyncadd.s32 $0xFFFFC000  }
0x1e2: {  	[tilespmem:s5], [sflag:$0x3] =	stream.indirect.gather.add.f32 [hbm:s2], $0x80, s1, s11, $0xb8;
	[tilespmem:$0x11600] =	vst v63  }
0x1e3: {  	s1 =	rddreg [dreg:$0x1a]  }
0x1e4: {  	[tilespmem:s5], [sflag:$0x3] =	stream.indirect.gather.add.f32 [hbm:s2], $0x80, s15, s11, $0xb8;
	[tilespmem:$0x11600] =	vst v63  }
0x1e5: {  	s15 =	rddreg [dreg:$0x1b]  }
0x1e6: {  	[tilespmem:s5], [sflag:$0x3] =	stream.indirect.gather.add.f32 [hbm:s2], $0x80, s1, s11, $0xb8;
	[tilespmem:$0x11600] =	vst v63  }
0x1e7: {  	s1 =	rddreg [dreg:$0x1c]  }
0x1e8: {  	[tilespmem:s5], [sflag:$0x3] =	stream.indirect.gather.add.f32 [hbm:s2], $0x80, s15, s11, $0xb8;
	[tilespmem:$0x11600] =	vst v63  }
0x1e9: {  	s15 =	rddreg [dreg:$0x1d]  }
0x1ea: {  	[tilespmem:s5], [sflag:$0x3] =	stream.indirect.gather.add.f32 [hbm:s2], $0x80, s1, s11, $0xb8;
	[tilespmem:$0x11600] =	vst v63  }
0x1eb: {  	s1 =	rddreg [dreg:$0x1e]  }
0x1ec: {  	[tilespmem:s5], [sflag:$0x3] =	stream.indirect.gather.add.f32 [hbm:s2], $0x80, s15, s11, $0xb8;
	[tilespmem:$0x11600] =	vst v63  }
0x1ed: {  	s15 =	rddreg [dreg:$0x1f]  }
0x1ee: {  	[tilespmem:s5], [sflag:$0x3] =	stream.indirect.gather.add.f32 [hbm:s2], $0x80, s1, s11, $0xb8;
	[tilespmem:$0x11600] =	vst v63  }
0x1ef: {  	s1 =	sld [smem:$0x7EB]  }
0x1f0: {  	[tilespmem:s5], [sflag:$0x3] =	stream.indirect.gather.add.f32 [hbm:s2], $0x80, s15, s11, $0xb8;
	[tilespmem:$0x11600] =	vst v63  }
0x1f1: {  	_ = 	snop  }
0x1f2: {  	[tilespmem:s5], [sflag:$0x3] =	stream.indirect.gather.add.f32 [hbm:s2], $0x80, s1, s11, $0xb8;
	[tilespmem:$0x11600] =	vst v63  }
0x1f3: {  	_ =	swait.ge [sflag:s8], $0x4000  }
0x1f4: {  	[sflag:s8] =	ssyncset.done $0x0  }
0x1f5: {  	[sflag:s8] =	ssyncadd.s32 $0xFFFFC000  }
0x1f6: {  	_ =	swait.ge [sflag:s8], $0x4000  }
0x1f7: {  	s1 =	sld [smem:$0x7EC]  }
0x1f8: {  	[sflag:s8] =	ssyncset.done $0x0  }
0x1f9: {  	s15 =	sld [smem:$0x7ED];
	[sflag:s8] =	ssyncadd.s32 $0xFFFFC000  }
0x1fa: {  	[tilespmem:s12], [sflag:$0x2] =	stream.indirect.gather [hbm4b:s2+s11], $0x80, s1, s11, $0xb8;
	[tilespmem:$0x11600] =	vst v63  }
0x1fb: {  	_ = 	snop  }
0x1fc: {  	[tilespmem:s13], [sflag:$0x4] =	stream.indirect.gather [hbm4b:s2+s11], $0x80, s15, s11, $0xb8;
	[tilespmem:$0x11600] =	vst v63  }
0x1fd: {  	_ =	swait.ge [sflag:s9], $0x4000  }
0x1fe: {  	[sflag:s9] =	ssyncset.done $0x0  }
0x1ff: {  	[sflag:s9] =	ssyncadd.s32 $0xFFFFC000  }
0x200: {  	_ =	swait.ge [sflag:s9], $0x4000  }
0x201: {  	[sflag:s9] =	ssyncset.done $0x0  }
0x202: {  	[sflag:s9] =	ssyncadd.s32 $0xFFFFC000  }
0x203: {  	_ =	swait.ge [sflag:s9], $0x4000  }
0x204: {  	[sflag:s9] =	ssyncset.done $0x0  }
0x205: {  	[sflag:s9] =	ssyncadd.s32 $0xFFFFC000  }
0x206: {  	_ =	swait.ge [sflag:s9], $0x4000  }
0x207: {  	[sflag:s9] =	ssyncset.done $0x0  }
0x208: {  	[sflag:s9] =	ssyncadd.s32 $0xFFFFC000  }
0x209: {  	_ =	swait.ge [sflag:s9], $0x4000  }
0x20a: {  	[sflag:s9] =	ssyncset.done $0x0  }
0x20b: {  	[sflag:s9] =	ssyncadd.s32 $0xFFFFC000  }
0x20c: {  	_ =	swait.ge [sflag:s9], $0x4000  }
0x20d: {  	[sflag:s9] =	ssyncset.done $0x0  }
0x20e: {  	[sflag:s9] =	ssyncadd.s32 $0xFFFFC000  }
0x20f: {  	_ =	swait.ge [sflag:s9], $0x4000  }
0x210: {  	[sflag:s9] =	ssyncset.done $0x0  }
0x211: {  	[sflag:s9] =	ssyncadd.s32 $0xFFFFC000  }
0x212: {  	_ =	swait.ge [sflag:s9], $0x4000  }
0x213: {  	[sflag:s9] =	ssyncset.done $0x0  }
0x214: {  	[sflag:s9] =	ssyncadd.s32 $0xFFFFC000  }
0x215: {  	_ =	swait.ge [sflag:s9], $0x4000  }
0x216: {  	[sflag:s9] =	ssyncset.done $0x0  }
0x217: {  	[sflag:s9] =	ssyncadd.s32 $0xFFFFC000  }
0x218: {  	_ =	swait.ge [sflag:s10], $0x4000  }
0x219: {  	[sflag:s10] =	ssyncset.done $0x0  }
0x21a: {  	s1 =	rddreg [dreg:$0x11];
	[sflag:s10] =	ssyncadd.s32 $0xFFFFC000  }
0x21b: {  	[hbm4b:s1+s3] =	stream.strided.scatter [tilespmem:s6], [sflag:$0x7], $0x4000, s4, s3, $0x38;
	[tilespmem:$0x11600] =	vst v63  }
0x21c: {  	s15 =	rddreg [dreg:$0x12]  }
0x21d: {  	[hbm4b:s15+s3] =	stream.strided.scatter [tilespmem:s5], [sflag:$0x7], $0x4000, s4, s3, $0x38;
	[tilespmem:$0x11600] =	vst v63  }
0x21e: {  	_ =	swait.ge [sflag:s14], $0x4000  }
0x21f: {  	s1 =	sld [smem:$0x7EE]  }
0x220: {  	[sflag:s14] =	ssyncset.done $0x0  }
0x221: {  	s15 =	sld [smem:$0x7EF];
	[sflag:s14] =	ssyncadd.s32 $0xFFFFC000  }
0x222: {  	[tilespmem:s12], [sflag:$0x2] =	stream.indirect.gather.add.f32 [hbm:s2], $0x80, s1, s11, $0xb8;
	[tilespmem:$0x11600] =	vst v63  }
0x223: {  	s1 =	sld [smem:$0x7F0]  }
0x224: {  	[tilespmem:s12], [sflag:$0x2] =	stream.indirect.gather.add.f32 [hbm:s2], $0x80, s15, s11, $0xb8;
	[tilespmem:$0x11600] =	vst v63  }
0x225: {  	s15 =	sld [smem:$0x7F1]  }
0x226: {  	[tilespmem:s12], [sflag:$0x2] =	stream.indirect.gather.add.f32 [hbm:s2], $0x80, s1, s11, $0xb8;
	[tilespmem:$0x11600] =	vst v63  }
0x227: {  	s1 =	sld [smem:$0x7F2]  }
0x228: {  	[tilespmem:s12], [sflag:$0x2] =	stream.indirect.gather.add.f32 [hbm:s2], $0x80, s15, s11, $0xb8;
	[tilespmem:$0x11600] =	vst v63  }
0x229: {  	s15 =	sld [smem:$0x7F3]  }
0x22a: {  	[tilespmem:s12], [sflag:$0x2] =	stream.indirect.gather.add.f32 [hbm:s2], $0x80, s1, s11, $0xb8;
	[tilespmem:$0x11600] =	vst v63  }
0x22b: {  	s1 =	sld [smem:$0x7F4]  }
0x22c: {  	[tilespmem:s12], [sflag:$0x2] =	stream.indirect.gather.add.f32 [hbm:s2], $0x80, s15, s11, $0xb8;
	[tilespmem:$0x11600] =	vst v63  }
0x22d: {  	s15 =	sld [smem:$0x7F5]  }
0x22e: {  	[tilespmem:s12], [sflag:$0x2] =	stream.indirect.gather.add.f32 [hbm:s2], $0x80, s1, s11, $0xb8;
	[tilespmem:$0x11600] =	vst v63  }
0x22f: {  	s1 =	sld [smem:$0x7F6]  }
0x230: {  	[tilespmem:s12], [sflag:$0x2] =	stream.indirect.gather.add.f32 [hbm:s2], $0x80, s15, s11, $0xb8;
	[tilespmem:$0x11600] =	vst v63  }
0x231: {  	_ = 	snop  }
0x232: {  	[tilespmem:s12], [sflag:$0x2] =	stream.indirect.gather.add.f32 [hbm:s2], $0x80, s1, s11, $0xb8;
	[tilespmem:$0x11600] =	vst v63  }
0x233: {  	_ =	swait.ge [sflag:s7], $0x4000  }
0x234: {  	[sflag:s7] =	ssyncset.done $0x0  }
0x235: {  	[sflag:s7] =	ssyncadd.s32 $0xFFFFC000  }
0x236: {  	_ =	swait.ge [sflag:s7], $0x4000  }
0x237: {  	s1 =	sld [smem:$0x7F7]  }
0x238: {  	[sflag:s7] =	ssyncset.done $0x0  }
0x239: {  	s15 =	sld [smem:$0x7F8];
	[sflag:s7] =	ssyncadd.s32 $0xFFFFC000  }
0x23a: {  	[tilespmem:s5], [sflag:$0x3] =	stream.indirect.gather [hbm4b:s2+s11], $0x80, s1, s11, $0xb8;
	[tilespmem:$0x11600] =	vst v63  }
0x23b: {  	_ = 	snop  }
0x23c: {  	[tilespmem:s6], [sflag:$0x5] =	stream.indirect.gather [hbm4b:s2+s11], $0x80, s15, s11, $0xb8;
	[tilespmem:$0x11600] =	vst v63  }
0x23d: {  	_ =	swait.ge [sflag:s14], $0x4000  }
0x23e: {  	[sflag:s14] =	ssyncset.done $0x0  }
0x23f: {  	[sflag:s14] =	ssyncadd.s32 $0xFFFFC000  }
0x240: {  	_ =	swait.ge [sflag:s14], $0x4000  }
0x241: {  	[sflag:s14] =	ssyncset.done $0x0  }
0x242: {  	[sflag:s14] =	ssyncadd.s32 $0xFFFFC000  }
0x243: {  	_ =	swait.ge [sflag:s14], $0x4000  }
0x244: {  	[sflag:s14] =	ssyncset.done $0x0  }
0x245: {  	[sflag:s14] =	ssyncadd.s32 $0xFFFFC000  }
0x246: {  	_ =	swait.ge [sflag:s14], $0x4000  }
0x247: {  	[sflag:s14] =	ssyncset.done $0x0  }
0x248: {  	[sflag:s14] =	ssyncadd.s32 $0xFFFFC000  }
0x249: {  	_ =	swait.ge [sflag:s14], $0x4000  }
0x24a: {  	[sflag:s14] =	ssyncset.done $0x0  }
0x24b: {  	[sflag:s14] =	ssyncadd.s32 $0xFFFFC000  }
0x24c: {  	_ =	swait.ge [sflag:s14], $0x4000  }
0x24d: {  	[sflag:s14] =	ssyncset.done $0x0  }
0x24e: {  	[sflag:s14] =	ssyncadd.s32 $0xFFFFC000  }
0x24f: {  	_ =	swait.ge [sflag:s14], $0x4000  }
0x250: {  	[sflag:s14] =	ssyncset.done $0x0  }
0x251: {  	[sflag:s14] =	ssyncadd.s32 $0xFFFFC000  }
0x252: {  	_ =	swait.ge [sflag:s14], $0x4000  }
0x253: {  	[sflag:s14] =	ssyncset.done $0x0  }
0x254: {  	[sflag:s14] =	ssyncadd.s32 $0xFFFFC000  }
0x255: {  	_ =	swait.ge [sflag:s14], $0x4000  }
0x256: {  	[sflag:s14] =	ssyncset.done $0x0  }
0x257: {  	[sflag:s14] =	ssyncadd.s32 $0xFFFFC000  }
0x258: {  	_ =	swait.ge [sflag:s19], $0x4000  }
0x259: {  	[sflag:s19] =	ssyncset.done $0x0  }
0x25a: {  	s1 =	rddreg [dreg:$0x13];
	[sflag:s19] =	ssyncadd.s32 $0xFFFFC000  }
0x25b: {  	[hbm4b:s1+s3] =	stream.strided.scatter [tilespmem:s13], [sflag:$0x6], $0x4000, s4, s3, $0x38;
	[tilespmem:$0x11600] =	vst v63  }
0x25c: {  	s15 =	rddreg [dreg:$0x14]  }
0x25d: {  	[hbm4b:s15+s3] =	stream.strided.scatter [tilespmem:s12], [sflag:$0x6], $0x4000, s4, s3, $0x38;
	[tilespmem:$0x11600] =	vst v63  }
0x25e: {  	_ =	swait.ge [sflag:s9], $0x4000  }
0x25f: {  	s1 =	sld [smem:$0x7F9]  }
0x260: {  	[sflag:s9] =	ssyncset.done $0x0  }
0x261: {  	s15 =	sld [smem:$0x7FA];
	[sflag:s9] =	ssyncadd.s32 $0xFFFFC000  }
0x262: {  	[tilespmem:s5], [sflag:$0x3] =	stream.indirect.gather.add.f32 [hbm:s2], $0x80, s1, s11, $0xb8;
	[tilespmem:$0x11600] =	vst v63  }
0x263: {  	s1 =	sld [smem:$0x7FB]  }
0x264: {  	[tilespmem:s5], [sflag:$0x3] =	stream.indirect.gather.add.f32 [hbm:s2], $0x80, s15, s11, $0xb8;
	[tilespmem:$0x11600] =	vst v63  }
0x265: {  	s15 =	sld [smem:$0x7FC]  }
0x266: {  	[tilespmem:s5], [sflag:$0x3] =	stream.indirect.gather.add.f32 [hbm:s2], $0x80, s1, s11, $0xb8;
	[tilespmem:$0x11600] =	vst v63  }
0x267: {  	s1 =	sld [smem:$0x7FD]  }
0x268: {  	[tilespmem:s5], [sflag:$0x3] =	stream.indirect.gather.add.f32 [hbm:s2], $0x80, s15, s11, $0xb8;
	[tilespmem:$0x11600] =	vst v63  }
0x269: {  	_ = 	snop  }
0x26a: {  	[tilespmem:s5], [sflag:$0x3] =	stream.indirect.gather.add.f32 [hbm:s2], $0x80, s1, s11, $0xb8;
	[tilespmem:$0x11600] =	vst v63  }
0x26b: {  	s15 =	simm.s32 $0xF80  }
0x26c: {  	[tilespmem:s5], [sflag:$0x3] =	stream.indirect.gather.add.f32 [hbm:s2], $0x80, s15, s11, $0xb8;
	[tilespmem:$0x11600] =	vst v63  }
0x26d: {  	_ = 	snop  }
0x26e: {  	[tilespmem:s5], [sflag:$0x3] =	stream.indirect.gather.add.f32 [hbm:s2], $0x80, s17, s11, $0xb8;
	[tilespmem:$0x11600] =	vst v63  }
0x26f: {  	_ = 	snop  }
0x270: {  	[tilespmem:s5], [sflag:$0x3] =	stream.indirect.gather.add.f32 [hbm:s2], $0x80, s18, s11, $0xb8;
	[tilespmem:$0x11600] =	vst v63  }
0x271: {  	_ = 	snop  }
0x272: {  	[tilespmem:s5], [sflag:$0x3] =	stream.indirect.gather.add.f32 [hbm:s2], $0x80, s16, s11, $0xb8;
	[tilespmem:$0x11600] =	vst v63  }
0x273: {  	_ =	swait.ge [sflag:s9], $0x4000  }
0x274: {  	[sflag:s9] =	ssyncset.done $0x0  }
0x275: {  	[sflag:s9] =	ssyncadd.s32 $0xFFFFC000  }
0x276: {  	_ =	swait.ge [sflag:s9], $0x4000  }
0x277: {  	[sflag:s9] =	ssyncset.done $0x0  }
0x278: {  	[sflag:s9] =	ssyncadd.s32 $0xFFFFC000  }
0x279: {  	_ =	swait.ge [sflag:s9], $0x4000  }
0x27a: {  	[sflag:s9] =	ssyncset.done $0x0  }
0x27b: {  	[sflag:s9] =	ssyncadd.s32 $0xFFFFC000  }
0x27c: {  	_ =	swait.ge [sflag:s9], $0x4000  }
0x27d: {  	[sflag:s9] =	ssyncset.done $0x0  }
0x27e: {  	[sflag:s9] =	ssyncadd.s32 $0xFFFFC000  }
0x27f: {  	_ =	swait.ge [sflag:s9], $0x4000  }
0x280: {  	[sflag:s9] =	ssyncset.done $0x0  }
0x281: {  	[sflag:s9] =	ssyncadd.s32 $0xFFFFC000  }
0x282: {  	_ =	swait.ge [sflag:s9], $0x4000  }
0x283: {  	[sflag:s9] =	ssyncset.done $0x0  }
0x284: {  	[sflag:s9] =	ssyncadd.s32 $0xFFFFC000  }
0x285: {  	_ =	swait.ge [sflag:s9], $0x4000  }
0x286: {  	[sflag:s9] =	ssyncset.done $0x0  }
0x287: {  	[sflag:s9] =	ssyncadd.s32 $0xFFFFC000  }
0x288: {  	_ =	swait.ge [sflag:s9], $0x4000  }
0x289: {  	[sflag:s9] =	ssyncset.done $0x0  }
0x28a: {  	[sflag:s9] =	ssyncadd.s32 $0xFFFFC000  }
0x28b: {  	_ =	swait.ge [sflag:s9], $0x4000  }
0x28c: {  	[sflag:s9] =	ssyncset.done $0x0  }
0x28d: {  	[sflag:s9] =	ssyncadd.s32 $0xFFFFC000  }
0x28e: {  	_ =	swait.ge [sflag:s10], $0x4000  }
0x28f: {  	[sflag:s10] =	ssyncset.done $0x0  }
0x290: {  	s1 =	rddreg [dreg:$0x15];
	[sflag:s10] =	ssyncadd.s32 $0xFFFFC000  }
0x291: {  	[hbm4b:s1+s3] =	stream.strided.scatter [tilespmem:s6], [sflag:$0x7], $0x4000, s4, s3, $0x38;
	[tilespmem:$0x11600] =	vst v63  }
0x292: {  	s15 =	rddreg [dreg:$0x16]  }
0x293: {  	[hbm4b:s15+s3] =	stream.strided.scatter [tilespmem:s5], [sflag:$0x7], $0x4000, s4, s3, $0x38;
	[tilespmem:$0x11600] =	vst v63  }
0x294: {  	_ =	swait.ge [sflag:s8], $0x4000  }
0x295: {  	[sflag:s8] =	ssyncset.done $0x0  }
0x296: {  	[sflag:s8] =	ssyncadd.s32 $0xFFFFC000  }
0x297: {  	_ =	swait.ge [sflag:s8], $0x4000  }
0x298: {  	[sflag:s8] =	ssyncset.done $0x0  }
0x299: {  	p1 =	sne.s32 s0, $0x1;
	[sflag:s8] =	ssyncadd.s32 $0xFFFFC000  }
.Ltmp2:
0x29a: {  	_ =	swait.ge [sflag:s7], $0x4000;
	(pc) =	sbr.rel @p1 .LBB2_4-.Ltmp2, $4  }
0x29b: {  	[sflag:s7] =	ssyncset.done $0x0  }
0x29c: {  	[sflag:s7] =	ssyncadd.s32 $0xFFFFC000  }
0x29d: {  	_ =	swait.ge [sflag:s7], $0x4000  }
0x29e: {  	s0 =	sadd.s32 $0xFFFFFFFF, s0;
	s1 =	rddreg [dreg:$0x5];
	[sflag:s7] =	ssyncset.done $0x0  }
0x29f: {  	s18 =	simm.s32 $0x1380  }
0x2a0: {  	s17 =	simm.s32 $0x1180;
	s16 =	simm.s32 $0xF80;
	s15 =	rddreg [dreg:$0x4]  }
.LBB2_6:
0x2a1: {  	[sflag:s7] =	ssyncadd.s32 @p0 $0xFFFFC000  }
0x2a2: {  	[tilespmem:s20], [sflag:$0x1] =	stream.linear.gather [hbm4b:s1+s20], $0x200, $0x38;
	[tilespmem:$0x11600] =	vst v63  }
0x2a3: {  	_ = 	snop  }
0x2a4: {  	[tilespmem:s22], [sflag:$0x1] =	stream.linear.gather [hbm4b:s21+s20], $0x200, $0x38;
	[tilespmem:$0x11600] =	vst v63  }
0x2a5: {  	s0 =	rddreg [dreg:$0x6]  }
0x2a6: {  	[tilespmem:s3], [sflag:$0x1] =	stream.linear.gather [hbm4b:s0+s20], $0x200, $0x38;
	[tilespmem:$0x11600] =	vst v63  }
0x2a7: {  	s1 =	rddreg [dreg:$0x7]  }
0x2a8: {  	[tilespmem:s23], [sflag:$0x1] =	stream.linear.gather [hbm4b:s1+s20], $0x200, $0x38;
	[tilespmem:$0x11600] =	vst v63  }
0x2a9: {  	s21 =	rddreg [dreg:$0x8]  }
0x2aa: {  	[tilespmem:s4], [sflag:$0x1] =	stream.linear.gather [hbm4b:s21+s20], $0x200, $0x38;
	[tilespmem:$0x11600] =	vst v63  }
0x2ab: {  	s1 =	rddreg [dreg:$0x9]  }
0x2ac: {  	[tilespmem:s24], [sflag:$0x1] =	stream.linear.gather [hbm4b:s1+s20], $0x200, $0x38;
	[tilespmem:$0x11600] =	vst v63  }
0x2ad: {  	s21 =	rddreg [dreg:$0xa]  }
0x2ae: {  	[tilespmem:s25], [sflag:$0x1] =	stream.linear.gather [hbm4b:s21+s20], $0x200, $0x38;
	[tilespmem:$0x11600] =	vst v63  }
0x2af: {  	s1 =	rddreg [dreg:$0xb]  }
0x2b0: {  	[tilespmem:s26], [sflag:$0x1] =	stream.linear.gather [hbm4b:s1+s20], $0x200, $0x38;
	[tilespmem:$0x11600] =	vst v63  }
0x2b1: {  	s21 =	rddreg [dreg:$0xc]  }
0x2b2: {  	[tilespmem:s28], [sflag:$0x1] =	stream.linear.gather [hbm4b:s21+s20], $0x200, $0x38;
	[tilespmem:$0x11600] =	vst v63  }
0x2b3: {  	s1 =	rddreg [dreg:$0xd]  }
0x2b4: {  	[tilespmem:s29], [sflag:$0x1] =	stream.linear.gather [hbm4b:s1+s20], $0x200, $0x38;
	[tilespmem:$0x11600] =	vst v63  }
0x2b5: {  	s21 =	rddreg [dreg:$0xe]  }
0x2b6: {  	[tilespmem:s30], [sflag:$0x1] =	stream.linear.gather [hbm4b:s21+s20], $0x200, $0x38;
	[tilespmem:$0x11600] =	vst v63  }
0x2b7: {  	_ =	swait.ge [sflag:s31], $0x200  }
0x2b8: {  	[sflag:s31] =	ssyncset.done $0x0  }
0x2b9: {  	[sflag:s31] =	ssyncadd.s32 $0xFFFFFE00  }
0x2ba: {  	_ =	swait.ge [sflag:s31], $0x200  }
0x2bb: {  	[sflag:s31] =	ssyncset.done $0x0  }
0x2bc: {  	[sflag:s31] =	ssyncadd.s32 $0xFFFFFE00  }
0x2bd: {  	_ =	swait.ge [sflag:s31], $0x200  }
0x2be: {  	[sflag:s31] =	ssyncset.done $0x0  }
0x2bf: {  	[sflag:s31] =	ssyncadd.s32 $0xFFFFFE00  }
0x2c0: {  	_ =	swait.ge [sflag:s31], $0x200  }
0x2c1: {  	[sflag:s31] =	ssyncset.done $0x0  }
0x2c2: {  	[sflag:s31] =	ssyncadd.s32 $0xFFFFFE00  }
0x2c3: {  	_ =	swait.ge [sflag:s31], $0x200  }
0x2c4: {  	[sflag:s31] =	ssyncset.done $0x0  }
0x2c5: {  	[sflag:s31] =	ssyncadd.s32 $0xFFFFFE00  }
0x2c6: {  	_ =	swait.ge [sflag:s31], $0x200  }
0x2c7: {  	[sflag:s31] =	ssyncset.done $0x0  }
0x2c8: {  	[sflag:s31] =	ssyncadd.s32 $0xFFFFFE00  }
0x2c9: {  	_ =	swait.ge [sflag:s31], $0x200  }
0x2ca: {  	[sflag:s31] =	ssyncset.done $0x0  }
0x2cb: {  	[sflag:s31] =	ssyncadd.s32 $0xFFFFFE00  }
0x2cc: {  	_ =	swait.ge [sflag:s31], $0x200  }
0x2cd: {  	[sflag:s31] =	ssyncset.done $0x0  }
0x2ce: {  	[sflag:s31] =	ssyncadd.s32 $0xFFFFFE00  }
0x2cf: {  	_ =	swait.ge [sflag:s31], $0x200  }
0x2d0: {  	[sflag:s31] =	ssyncset.done $0x0  }
0x2d1: {  	[sflag:s31] =	ssyncadd.s32 $0xFFFFFE00  }
0x2d2: {  	_ =	swait.ge [sflag:s31], $0x200  }
0x2d3: {  	[sflag:s31] =	ssyncset.done $0x0  }
0x2d4: {  	[sflag:s31] =	ssyncadd.s32 $0xFFFFFE00  }
0x2d5: {  	_ =	swait.ge [sflag:s31], $0x200  }
0x2d6: {  	[sflag:s31] =	ssyncset.done $0x0  }
0x2d7: {  	[sflag:s31] =	ssyncadd.s32 $0xFFFFFE00  }
0x2d8: {  	[tilespmem:s12], [sflag:$0x2] =	stream.indirect.gather [hbm4b:s2+s11], $0x80, s22, s11, $0xb8;
	[tilespmem:$0x11600] =	vst v63  }
0x2d9: {  	_ = 	snop  }
0x2da: {  	[tilespmem:s13], [sflag:$0x4] =	stream.indirect.gather [hbm4b:s2+s11], $0x80, s20, s11, $0xb8;
	[tilespmem:$0x11600] =	vst v63  }
0x2db: {  	_ =	swait.ge [sflag:s14], $0x4000  }
0x2dc: {  	[sflag:s14] =	ssyncset.done $0x0  }
0x2dd: {  	[sflag:s14] =	ssyncadd.s32 $0xFFFFC000  }
0x2de: {  	[tilespmem:s12], [sflag:$0x2] =	stream.indirect.gather.add.f32 [hbm:s2], $0x80, s3, s11, $0xb8;
	[tilespmem:$0x11600] =	vst v63  }
0x2df: {  	_ = 	snop  }
0x2e0: {  	[tilespmem:s12], [sflag:$0x2] =	stream.indirect.gather.add.f32 [hbm:s2], $0x80, s23, s11, $0xb8;
	[tilespmem:$0x11600] =	vst v63  }
0x2e1: {  	_ = 	snop  }
0x2e2: {  	[tilespmem:s12], [sflag:$0x2] =	stream.indirect.gather.add.f32 [hbm:s2], $0x80, s4, s11, $0xb8;
	[tilespmem:$0x11600] =	vst v63  }
0x2e3: {  	_ = 	snop  }
0x2e4: {  	[tilespmem:s12], [sflag:$0x2] =	stream.indirect.gather.add.f32 [hbm:s2], $0x80, s24, s11, $0xb8;
	[tilespmem:$0x11600] =	vst v63  }
0x2e5: {  	_ = 	snop  }
0x2e6: {  	[tilespmem:s12], [sflag:$0x2] =	stream.indirect.gather.add.f32 [hbm:s2], $0x80, s25, s11, $0xb8;
	[tilespmem:$0x11600] =	vst v63  }
0x2e7: {  	_ = 	snop  }
0x2e8: {  	[tilespmem:s12], [sflag:$0x2] =	stream.indirect.gather.add.f32 [hbm:s2], $0x80, s26, s11, $0xb8;
	[tilespmem:$0x11600] =	vst v63  }
0x2e9: {  	_ = 	snop  }
0x2ea: {  	[tilespmem:s12], [sflag:$0x2] =	stream.indirect.gather.add.f32 [hbm:s2], $0x80, s28, s11, $0xb8;
	[tilespmem:$0x11600] =	vst v63  }
0x2eb: {  	_ = 	snop  }
0x2ec: {  	[tilespmem:s12], [sflag:$0x2] =	stream.indirect.gather.add.f32 [hbm:s2], $0x80, s29, s11, $0xb8;
	[tilespmem:$0x11600] =	vst v63  }
0x2ed: {  	_ = 	snop  }
0x2ee: {  	[tilespmem:s12], [sflag:$0x2] =	stream.indirect.gather.add.f32 [hbm:s2], $0x80, s30, s11, $0xb8;
	[tilespmem:$0x11600] =	vst v63  }
0x2ef: {  	s26 =	rddreg [dreg:$0x17]  }
0x2f0: {  	[tilespmem:s5], [sflag:$0x3] =	stream.indirect.gather [hbm4b:s2+s11], $0x80, s26, s11, $0xb8;
	[tilespmem:$0x11600] =	vst v63  }
0x2f1: {  	_ = 	snop  }
0x2f2: {  	[tilespmem:s6], [sflag:$0x5] =	stream.indirect.gather [hbm4b:s2+s11], $0x80, s11, s11, $0xb8;
	[tilespmem:$0x11600] =	vst v63  }
0x2f3: {  	_ =	swait.ge [sflag:s14], $0x4000  }
0x2f4: {  	[sflag:s14] =	ssyncset.done $0x0  }
0x2f5: {  	[sflag:s14] =	ssyncadd.s32 $0xFFFFC000  }
0x2f6: {  	_ =	swait.ge [sflag:s14], $0x4000  }
0x2f7: {  	[sflag:s14] =	ssyncset.done $0x0  }
0x2f8: {  	[sflag:s14] =	ssyncadd.s32 $0xFFFFC000  }
0x2f9: {  	_ =	swait.ge [sflag:s14], $0x4000  }
0x2fa: {  	[sflag:s14] =	ssyncset.done $0x0  }
0x2fb: {  	[sflag:s14] =	ssyncadd.s32 $0xFFFFC000  }
0x2fc: {  	_ =	swait.ge [sflag:s14], $0x4000  }
0x2fd: {  	[sflag:s14] =	ssyncset.done $0x0  }
0x2fe: {  	[sflag:s14] =	ssyncadd.s32 $0xFFFFC000  }
0x2ff: {  	_ =	swait.ge [sflag:s14], $0x4000  }
0x300: {  	[sflag:s14] =	ssyncset.done $0x0  }
0x301: {  	[sflag:s14] =	ssyncadd.s32 $0xFFFFC000  }
0x302: {  	_ =	swait.ge [sflag:s14], $0x4000  }
0x303: {  	[sflag:s14] =	ssyncset.done $0x0  }
0x304: {  	[sflag:s14] =	ssyncadd.s32 $0xFFFFC000  }
0x305: {  	_ =	swait.ge [sflag:s14], $0x4000  }
0x306: {  	[sflag:s14] =	ssyncset.done $0x0  }
0x307: {  	[sflag:s14] =	ssyncadd.s32 $0xFFFFC000  }
0x308: {  	_ =	swait.ge [sflag:s14], $0x4000  }
0x309: {  	[sflag:s14] =	ssyncset.done $0x0  }
0x30a: {  	[sflag:s14] =	ssyncadd.s32 $0xFFFFC000  }
0x30b: {  	_ =	swait.ge [sflag:s14], $0x4000  }
0x30c: {  	[sflag:s14] =	ssyncset.done $0x0  }
0x30d: {  	[sflag:s14] =	ssyncadd.s32 $0xFFFFC000  }
0x30e: {  	_ =	swait.ge [sflag:s19], $0x4000  }
0x30f: {  	[sflag:s19] =	ssyncset.done $0x0  }
0x310: {  	s28 =	rddreg [dreg:$0xf];
	[sflag:s19] =	ssyncadd.s32 $0xFFFFC000  }
0x311: {  	[hbm4b:s28+s3] =	stream.strided.scatter [tilespmem:s13], [sflag:$0x6], $0x4000, s4, s3, $0x38;
	[tilespmem:$0x11600] =	vst v63  }
0x312: {  	s29 =	rddreg [dreg:$0x10]  }
0x313: {  	[hbm4b:s29+s3] =	stream.strided.scatter [tilespmem:s12], [sflag:$0x6], $0x4000, s4, s3, $0x38;
	[tilespmem:$0x11600] =	vst v63  }
0x314: {  	_ =	swait.ge [sflag:s9], $0x4000  }
0x315: {  	s30 =	rddreg [dreg:$0x18];
	[sflag:s9] =	ssyncset.done $0x0  }
0x316: {  	s31 =	rddreg [dreg:$0x19];
	[sflag:s9] =	ssyncadd.s32 $0xFFFFC000  }
0x317: {  	[tilespmem:s5], [sflag:$0x3] =	stream.indirect.gather.add.f32 [hbm:s2], $0x80, s30, s11, $0xb8;
	[tilespmem:$0x11600] =	vst v63  }
0x318: {  	s20 =	rddreg [dreg:$0x1a]  }
0x319: {  	[tilespmem:s5], [sflag:$0x3] =	stream.indirect.gather.add.f32 [hbm:s2], $0x80, s31, s11, $0xb8;
	[tilespmem:$0x11600] =	vst v63  }
0x31a: {  	s21 =	rddreg [dreg:$0x1b]  }
0x31b: {  	[tilespmem:s5], [sflag:$0x3] =	stream.indirect.gather.add.f32 [hbm:s2], $0x80, s20, s11, $0xb8;
	[tilespmem:$0x11600] =	vst v63  }
0x31c: {  	s22 =	rddreg [dreg:$0x1c]  }
0x31d: {  	[tilespmem:s5], [sflag:$0x3] =	stream.indirect.gather.add.f32 [hbm:s2], $0x80, s21, s11, $0xb8;
	[tilespmem:$0x11600] =	vst v63  }
0x31e: {  	s23 =	rddreg [dreg:$0x1d]  }
0x31f: {  	[tilespmem:s5], [sflag:$0x3] =	stream.indirect.gather.add.f32 [hbm:s2], $0x80, s22, s11, $0xb8;
	[tilespmem:$0x11600] =	vst v63  }
0x320: {  	s24 =	rddreg [dreg:$0x1e]  }
0x321: {  	[tilespmem:s5], [sflag:$0x3] =	stream.indirect.gather.add.f32 [hbm:s2], $0x80, s23, s11, $0xb8;
	[tilespmem:$0x11600] =	vst v63  }
0x322: {  	s25 =	rddreg [dreg:$0x1f]  }
0x323: {  	[tilespmem:s5], [sflag:$0x3] =	stream.indirect.gather.add.f32 [hbm:s2], $0x80, s24, s11, $0xb8;
	[tilespmem:$0x11600] =	vst v63  }
0x324: {  	s26 =	sld [smem:$0x7EB]  }
0x325: {  	[tilespmem:s5], [sflag:$0x3] =	stream.indirect.gather.add.f32 [hbm:s2], $0x80, s25, s11, $0xb8;
	[tilespmem:$0x11600] =	vst v63  }
0x326: {  	_ = 	snop  }
0x327: {  	[tilespmem:s5], [sflag:$0x3] =	stream.indirect.gather.add.f32 [hbm:s2], $0x80, s26, s11, $0xb8;
	[tilespmem:$0x11600] =	vst v63  }
0x328: {  	_ =	swait.ge [sflag:s8], $0x4000  }
0x329: {  	[sflag:s8] =	ssyncset.done $0x0  }
0x32a: {  	[sflag:s8] =	ssyncadd.s32 $0xFFFFC000  }
0x32b: {  	_ =	swait.ge [sflag:s8], $0x4000  }
0x32c: {  	s28 =	sld [smem:$0x7EC]  }
0x32d: {  	[sflag:s8] =	ssyncset.done $0x0  }
0x32e: {  	s29 =	sld [smem:$0x7ED];
	[sflag:s8] =	ssyncadd.s32 $0xFFFFC000  }
0x32f: {  	[tilespmem:s12], [sflag:$0x2] =	stream.indirect.gather [hbm4b:s2+s11], $0x80, s28, s11, $0xb8;
	[tilespmem:$0x11600] =	vst v63  }
0x330: {  	_ = 	snop  }
0x331: {  	[tilespmem:s13], [sflag:$0x4] =	stream.indirect.gather [hbm4b:s2+s11], $0x80, s29, s11, $0xb8;
	[tilespmem:$0x11600] =	vst v63  }
0x332: {  	_ =	swait.ge [sflag:s9], $0x4000  }
0x333: {  	[sflag:s9] =	ssyncset.done $0x0  }
0x334: {  	[sflag:s9] =	ssyncadd.s32 $0xFFFFC000  }
0x335: {  	_ =	swait.ge [sflag:s9], $0x4000  }
0x336: {  	[sflag:s9] =	ssyncset.done $0x0  }
0x337: {  	[sflag:s9] =	ssyncadd.s32 $0xFFFFC000  }
0x338: {  	_ =	swait.ge [sflag:s9], $0x4000  }
0x339: {  	[sflag:s9] =	ssyncset.done $0x0  }
0x33a: {  	[sflag:s9] =	ssyncadd.s32 $0xFFFFC000  }
0x33b: {  	_ =	swait.ge [sflag:s9], $0x4000  }
0x33c: {  	[sflag:s9] =	ssyncset.done $0x0  }
0x33d: {  	[sflag:s9] =	ssyncadd.s32 $0xFFFFC000  }
0x33e: {  	_ =	swait.ge [sflag:s9], $0x4000  }
0x33f: {  	[sflag:s9] =	ssyncset.done $0x0  }
0x340: {  	[sflag:s9] =	ssyncadd.s32 $0xFFFFC000  }
0x341: {  	_ =	swait.ge [sflag:s9], $0x4000  }
0x342: {  	[sflag:s9] =	ssyncset.done $0x0  }
0x343: {  	[sflag:s9] =	ssyncadd.s32 $0xFFFFC000  }
0x344: {  	_ =	swait.ge [sflag:s9], $0x4000  }
0x345: {  	[sflag:s9] =	ssyncset.done $0x0  }
0x346: {  	[sflag:s9] =	ssyncadd.s32 $0xFFFFC000  }
0x347: {  	_ =	swait.ge [sflag:s9], $0x4000  }
0x348: {  	[sflag:s9] =	ssyncset.done $0x0  }
0x349: {  	[sflag:s9] =	ssyncadd.s32 $0xFFFFC000  }
0x34a: {  	_ =	swait.ge [sflag:s9], $0x4000  }
0x34b: {  	[sflag:s9] =	ssyncset.done $0x0  }
0x34c: {  	[sflag:s9] =	ssyncadd.s32 $0xFFFFC000  }
0x34d: {  	_ =	swait.ge [sflag:s10], $0x4000  }
0x34e: {  	[sflag:s10] =	ssyncset.done $0x0  }
0x34f: {  	s30 =	rddreg [dreg:$0x11];
	[sflag:s10] =	ssyncadd.s32 $0xFFFFC000  }
0x350: {  	[hbm4b:s30+s3] =	stream.strided.scatter [tilespmem:s6], [sflag:$0x7], $0x4000, s4, s3, $0x38;
	[tilespmem:$0x11600] =	vst v63  }
0x351: {  	s31 =	rddreg [dreg:$0x12]  }
0x352: {  	[hbm4b:s31+s3] =	stream.strided.scatter [tilespmem:s5], [sflag:$0x7], $0x4000, s4, s3, $0x38;
	[tilespmem:$0x11600] =	vst v63  }
0x353: {  	_ =	swait.ge [sflag:s14], $0x4000  }
0x354: {  	s20 =	sld [smem:$0x7EE]  }
0x355: {  	[sflag:s14] =	ssyncset.done $0x0  }
0x356: {  	s21 =	sld [smem:$0x7EF];
	[sflag:s14] =	ssyncadd.s32 $0xFFFFC000  }
0x357: {  	[tilespmem:s12], [sflag:$0x2] =	stream.indirect.gather.add.f32 [hbm:s2], $0x80, s20, s11, $0xb8;
	[tilespmem:$0x11600] =	vst v63  }
0x358: {  	s22 =	sld [smem:$0x7F0]  }
0x359: {  	[tilespmem:s12], [sflag:$0x2] =	stream.indirect.gather.add.f32 [hbm:s2], $0x80, s21, s11, $0xb8;
	[tilespmem:$0x11600] =	vst v63  }
0x35a: {  	s23 =	sld [smem:$0x7F1]  }
0x35b: {  	[tilespmem:s12], [sflag:$0x2] =	stream.indirect.gather.add.f32 [hbm:s2], $0x80, s22, s11, $0xb8;
	[tilespmem:$0x11600] =	vst v63  }
0x35c: {  	s24 =	sld [smem:$0x7F2]  }
0x35d: {  	[tilespmem:s12], [sflag:$0x2] =	stream.indirect.gather.add.f32 [hbm:s2], $0x80, s23, s11, $0xb8;
	[tilespmem:$0x11600] =	vst v63  }
0x35e: {  	s25 =	sld [smem:$0x7F3]  }
0x35f: {  	[tilespmem:s12], [sflag:$0x2] =	stream.indirect.gather.add.f32 [hbm:s2], $0x80, s24, s11, $0xb8;
	[tilespmem:$0x11600] =	vst v63  }
0x360: {  	s26 =	sld [smem:$0x7F4]  }
0x361: {  	[tilespmem:s12], [sflag:$0x2] =	stream.indirect.gather.add.f32 [hbm:s2], $0x80, s25, s11, $0xb8;
	[tilespmem:$0x11600] =	vst v63  }
0x362: {  	s28 =	sld [smem:$0x7F5]  }
0x363: {  	[tilespmem:s12], [sflag:$0x2] =	stream.indirect.gather.add.f32 [hbm:s2], $0x80, s26, s11, $0xb8;
	[tilespmem:$0x11600] =	vst v63  }
0x364: {  	s29 =	sld [smem:$0x7F6]  }
0x365: {  	[tilespmem:s12], [sflag:$0x2] =	stream.indirect.gather.add.f32 [hbm:s2], $0x80, s28, s11, $0xb8;
	[tilespmem:$0x11600] =	vst v63  }
0x366: {  	_ = 	snop  }
0x367: {  	[tilespmem:s12], [sflag:$0x2] =	stream.indirect.gather.add.f32 [hbm:s2], $0x80, s29, s11, $0xb8;
	[tilespmem:$0x11600] =	vst v63  }
0x368: {  	_ =	swait.ge [sflag:s7], $0x4000  }
0x369: {  	[sflag:s7] =	ssyncset.done $0x0  }
0x36a: {  	[sflag:s7] =	ssyncadd.s32 $0xFFFFC000  }
0x36b: {  	_ =	swait.ge [sflag:s7], $0x4000  }
0x36c: {  	s30 =	sld [smem:$0x7F7]  }
0x36d: {  	[sflag:s7] =	ssyncset.done $0x0  }
0x36e: {  	s31 =	sld [smem:$0x7F8];
	[sflag:s7] =	ssyncadd.s32 $0xFFFFC000  }
0x36f: {  	[tilespmem:s5], [sflag:$0x3] =	stream.indirect.gather [hbm4b:s2+s11], $0x80, s30, s11, $0xb8;
	[tilespmem:$0x11600] =	vst v63  }
0x370: {  	_ = 	snop  }
0x371: {  	[tilespmem:s6], [sflag:$0x5] =	stream.indirect.gather [hbm4b:s2+s11], $0x80, s31, s11, $0xb8;
	[tilespmem:$0x11600] =	vst v63  }
0x372: {  	_ =	swait.ge [sflag:s14], $0x4000  }
0x373: {  	[sflag:s14] =	ssyncset.done $0x0  }
0x374: {  	[sflag:s14] =	ssyncadd.s32 $0xFFFFC000  }
0x375: {  	_ =	swait.ge [sflag:s14], $0x4000  }
0x376: {  	[sflag:s14] =	ssyncset.done $0x0  }
0x377: {  	[sflag:s14] =	ssyncadd.s32 $0xFFFFC000  }
0x378: {  	_ =	swait.ge [sflag:s14], $0x4000  }
0x379: {  	[sflag:s14] =	ssyncset.done $0x0  }
0x37a: {  	[sflag:s14] =	ssyncadd.s32 $0xFFFFC000  }
0x37b: {  	_ =	swait.ge [sflag:s14], $0x4000  }
0x37c: {  	[sflag:s14] =	ssyncset.done $0x0  }
0x37d: {  	[sflag:s14] =	ssyncadd.s32 $0xFFFFC000  }
0x37e: {  	_ =	swait.ge [sflag:s14], $0x4000  }
0x37f: {  	[sflag:s14] =	ssyncset.done $0x0  }
0x380: {  	[sflag:s14] =	ssyncadd.s32 $0xFFFFC000  }
0x381: {  	_ =	swait.ge [sflag:s14], $0x4000  }
0x382: {  	[sflag:s14] =	ssyncset.done $0x0  }
0x383: {  	[sflag:s14] =	ssyncadd.s32 $0xFFFFC000  }
0x384: {  	_ =	swait.ge [sflag:s14], $0x4000  }
0x385: {  	[sflag:s14] =	ssyncset.done $0x0  }
0x386: {  	[sflag:s14] =	ssyncadd.s32 $0xFFFFC000  }
0x387: {  	_ =	swait.ge [sflag:s14], $0x4000  }
0x388: {  	[sflag:s14] =	ssyncset.done $0x0  }
0x389: {  	[sflag:s14] =	ssyncadd.s32 $0xFFFFC000  }
0x38a: {  	_ =	swait.ge [sflag:s14], $0x4000  }
0x38b: {  	[sflag:s14] =	ssyncset.done $0x0  }
0x38c: {  	[sflag:s14] =	ssyncadd.s32 $0xFFFFC000  }
0x38d: {  	_ =	swait.ge [sflag:s19], $0x4000  }
0x38e: {  	[sflag:s19] =	ssyncset.done $0x0  }
0x38f: {  	s20 =	rddreg [dreg:$0x13];
	[sflag:s19] =	ssyncadd.s32 $0xFFFFC000  }
0x390: {  	[hbm4b:s20+s3] =	stream.strided.scatter [tilespmem:s13], [sflag:$0x6], $0x4000, s4, s3, $0x38;
	[tilespmem:$0x11600] =	vst v63  }
0x391: {  	s21 =	rddreg [dreg:$0x14]  }
0x392: {  	[hbm4b:s21+s3] =	stream.strided.scatter [tilespmem:s12], [sflag:$0x6], $0x4000, s4, s3, $0x38;
	[tilespmem:$0x11600] =	vst v63  }
0x393: {  	_ =	swait.ge [sflag:s9], $0x4000  }
0x394: {  	s22 =	sld [smem:$0x7F9]  }
0x395: {  	[sflag:s9] =	ssyncset.done $0x0  }
0x396: {  	s23 =	sld [smem:$0x7FA];
	[sflag:s9] =	ssyncadd.s32 $0xFFFFC000  }
0x397: {  	[tilespmem:s5], [sflag:$0x3] =	stream.indirect.gather.add.f32 [hbm:s2], $0x80, s22, s11, $0xb8;
	[tilespmem:$0x11600] =	vst v63  }
0x398: {  	s24 =	sld [smem:$0x7FB]  }
0x399: {  	[tilespmem:s5], [sflag:$0x3] =	stream.indirect.gather.add.f32 [hbm:s2], $0x80, s23, s11, $0xb8;
	[tilespmem:$0x11600] =	vst v63  }
0x39a: {  	s25 =	sld [smem:$0x7FC]  }
0x39b: {  	[tilespmem:s5], [sflag:$0x3] =	stream.indirect.gather.add.f32 [hbm:s2], $0x80, s24, s11, $0xb8;
	[tilespmem:$0x11600] =	vst v63  }
0x39c: {  	s26 =	sld [smem:$0x7FD]  }
0x39d: {  	[tilespmem:s5], [sflag:$0x3] =	stream.indirect.gather.add.f32 [hbm:s2], $0x80, s25, s11, $0xb8;
	[tilespmem:$0x11600] =	vst v63  }
0x39e: {  	_ = 	snop  }
0x39f: {  	[tilespmem:s5], [sflag:$0x3] =	stream.indirect.gather.add.f32 [hbm:s2], $0x80, s26, s11, $0xb8;
	[tilespmem:$0x11600] =	vst v63  }
0x3a0: {  	_ = 	snop  }
0x3a1: {  	[tilespmem:s5], [sflag:$0x3] =	stream.indirect.gather.add.f32 [hbm:s2], $0x80, s16, s11, $0xb8;
	[tilespmem:$0x11600] =	vst v63  }
0x3a2: {  	_ = 	snop  }
0x3a3: {  	[tilespmem:s5], [sflag:$0x3] =	stream.indirect.gather.add.f32 [hbm:s2], $0x80, s17, s11, $0xb8;
	[tilespmem:$0x11600] =	vst v63  }
0x3a4: {  	_ = 	snop  }
0x3a5: {  	[tilespmem:s5], [sflag:$0x3] =	stream.indirect.gather.add.f32 [hbm:s2], $0x80, s18, s11, $0xb8;
	[tilespmem:$0x11600] =	vst v63  }
0x3a6: {  	s28 =	simm.s32 $0x1580  }
0x3a7: {  	[tilespmem:s5], [sflag:$0x3] =	stream.indirect.gather.add.f32 [hbm:s2], $0x80, s28, s11, $0xb8;
	[tilespmem:$0x11600] =	vst v63  }
0x3a8: {  	_ =	swait.ge [sflag:s9], $0x4000  }
0x3a9: {  	[sflag:s9] =	ssyncset.done $0x0  }
0x3aa: {  	[sflag:s9] =	ssyncadd.s32 $0xFFFFC000  }
0x3ab: {  	_ =	swait.ge [sflag:s9], $0x4000  }
0x3ac: {  	[sflag:s9] =	ssyncset.done $0x0  }
0x3ad: {  	[sflag:s9] =	ssyncadd.s32 $0xFFFFC000  }
0x3ae: {  	_ =	swait.ge [sflag:s9], $0x4000  }
0x3af: {  	[sflag:s9] =	ssyncset.done $0x0  }
0x3b0: {  	[sflag:s9] =	ssyncadd.s32 $0xFFFFC000  }
0x3b1: {  	_ =	swait.ge [sflag:s9], $0x4000  }
0x3b2: {  	[sflag:s9] =	ssyncset.done $0x0  }
0x3b3: {  	[sflag:s9] =	ssyncadd.s32 $0xFFFFC000  }
0x3b4: {  	_ =	swait.ge [sflag:s9], $0x4000  }
0x3b5: {  	[sflag:s9] =	ssyncset.done $0x0  }
0x3b6: {  	[sflag:s9] =	ssyncadd.s32 $0xFFFFC000  }
0x3b7: {  	_ =	swait.ge [sflag:s9], $0x4000  }
0x3b8: {  	[sflag:s9] =	ssyncset.done $0x0  }
0x3b9: {  	[sflag:s9] =	ssyncadd.s32 $0xFFFFC000  }
0x3ba: {  	_ =	swait.ge [sflag:s9], $0x4000  }
0x3bb: {  	[sflag:s9] =	ssyncset.done $0x0  }
0x3bc: {  	[sflag:s9] =	ssyncadd.s32 $0xFFFFC000  }
0x3bd: {  	_ =	swait.ge [sflag:s9], $0x4000  }
0x3be: {  	[sflag:s9] =	ssyncset.done $0x0  }
0x3bf: {  	[sflag:s9] =	ssyncadd.s32 $0xFFFFC000  }
0x3c0: {  	_ =	swait.ge [sflag:s9], $0x4000  }
0x3c1: {  	[sflag:s9] =	ssyncset.done $0x0  }
0x3c2: {  	[sflag:s9] =	ssyncadd.s32 $0xFFFFC000  }
0x3c3: {  	_ =	swait.ge [sflag:s10], $0x4000  }
0x3c4: {  	[sflag:s10] =	ssyncset.done $0x0  }
0x3c5: {  	s29 =	rddreg [dreg:$0x15];
	[sflag:s10] =	ssyncadd.s32 $0xFFFFC000  }
0x3c6: {  	[hbm4b:s29+s3] =	stream.strided.scatter [tilespmem:s6], [sflag:$0x7], $0x4000, s4, s3, $0x38;
	[tilespmem:$0x11600] =	vst v63  }
0x3c7: {  	s30 =	rddreg [dreg:$0x16]  }
0x3c8: {  	[hbm4b:s30+s3] =	stream.strided.scatter [tilespmem:s5], [sflag:$0x7], $0x4000, s4, s3, $0x38;
	[tilespmem:$0x11600] =	vst v63  }
0x3c9: {  	_ =	swait.ge [sflag:s8], $0x4000  }
0x3ca: {  	[sflag:s8] =	ssyncset.done $0x0  }
0x3cb: {  	[sflag:s8] =	ssyncadd.s32 $0xFFFFC000  }
0x3cc: {  	_ =	swait.ge [sflag:s8], $0x4000  }
0x3cd: {  	[sflag:s8] =	ssyncset.done $0x0  }
0x3ce: {  	[sflag:s8] =	ssyncadd.s32 $0xFFFFC000  }
0x3cf: {  	_ =	swait.ge [sflag:s7], $0x4000  }
0x3d0: {  	[sflag:s7] =	ssyncset.done $0x0  }
0x3d1: {  	[sflag:s7] =	ssyncadd.s32 $0xFFFFC000  }
0x3d2: {  	_ =	swait.ge [sflag:s7], $0x4000  }
0x3d3: {  	[sflag:s7] =	ssyncset.done $0x0  }
0x3d4: {  	[sflag:s7] =	ssyncadd.s32 $0xFFFFC000  }
0x3d5: {  	_ =	sfence.sel $0x180000  }
0x3d6: {  	s31 =	stileid.u32;
	[bflag:$0x0] =	sbarrier.arrive $0xFFFF  }
0x3d7: {  	p0 =	sne.s32 s31, $0x0;
	_ =	strace $0x90000047  }
0x3d8: {  	s0 =	sadd.s32 @!p0 $0x100000, s15;
	[bflag:$0x2] =	sbarrier.arrive $0xFFFF  }
0x3d9: {  	[sflag:s0] =	ssyncadd.tile.s32 @!p0 $0x1;
	_ =	shalt  }
.LBB2_1:
.Ltmp3:
0x3da: {  	(pc) =	sbr.rel .LBB2_6-.Ltmp3, $2  }
0x3db: {  	_ =	sdelay $0x2  }
0x3dc: {  	s18 =	simm.s32 $0x1380;
	s17 =	simm.s32 $0x1180;
	s16 =	simm.s32 $0xF80  }
.LBB2_3:
.Ltmp4:
0x3dd: {  	(pc) =	sbr.rel .LBB2_6-.Ltmp4, $3  }
0x3de: {  	_ =	sdelay $0x1  }
0x3df: {  	s18 =	simm.s32 $0x1380  }
0x3e0: {  	s17 =	simm.s32 $0x1180;
	s16 =	simm.s32 $0xF80;
	s15 =	rddreg [dreg:$0x4]  }
.Lfunc_end2:
_tile_overlayer_lowered:
.L_overlay_start_2:
0x3e1: {  	(tag) =	ssettag $0x2  }
0x3e2: {  	s0 =	rddreg [dreg:$0x0];
	s2 =	stileid.u32  }
0x3e3: {  	s1 =	rddreg [dreg:$0x1];
	p0 =	sne.s32 s2, $0x0  }
0x3e4: {  	s3 =	rddreg [dreg:$0x2];
	[bflag:$0x3] =	sbarrier.arrive $0xFFFF;
	s2 =	simm.s32 @!p0 $0x1C08  }
0x3e5: {  	[timem:s3], [sflag:s2] =	dma.local @!p0 [hbm:s0], s1  }
0x3e6: {  	s0 =	simm.s32 @!p0 $0x8  }
0x3e7: {  	_ =	swait.ge @!p0 [sflag:s0], s1  }
0x3e8: {  	s1 =	ssub.s32 @!p0 $0x0, s1;
	[sflag:s0] =	ssyncset.done @!p0 $0x0  }
0x3e9: {  	[sflag:s0] =	ssyncadd.s32 @!p0 s1  }
0x3ea: {  	[bflag:$0x3] =	sbarrier.arrive $0xFFFF  }
0x3eb: {  	_ =	shalt  }

</sc_bundles>
